<compile_context>
chip_gen: v7x
topology: tpu7x:2x2x1
jax: 0.10.2.dev20260603
libtpu: 0.0.44.dev20260713+nightly
codegen_flags: <defaults>
</compile_context>

<pallas_src>
import functools

import jax
import jax.numpy as jnp
from jax import lax
from jax.experimental import pallas as pl
from jax.experimental.pallas import tpu as pltpu
from jax.experimental.pallas import tpu_sc as plsc

_N_IMAGES = 150000
_BATCH = 16384
_ROT_D = 36
_TRA_D = 18
_ROT_S = 128
_TRA_S = 128
_L = 16
_CHUNK = 128

_NW = 32
_B_PER_W = _BATCH // _NW
_NCHUNK = _B_PER_W // _CHUNK


def _make_gather():
    mesh = plsc.VectorSubcoreMesh(core_axis_name="c", subcore_axis_name="s")

    @functools.partial(
        pl.kernel,
        mesh=mesh,
        compiler_params=pltpu.CompilerParams(
            use_tc_tiling_on_sc=False, needs_layout_passes=False),
        out_type=[
            jax.ShapeDtypeStruct((6, 8, _BATCH), jnp.float32),
            jax.ShapeDtypeStruct((6, 4, _BATCH), jnp.float32),
        ],
        scratch_types=[
            pltpu.VMEM((_NCHUNK, _CHUNK), jnp.int32),
            pltpu.VMEM((2, _B_PER_W // 2, 128), jnp.float32),
            pltpu.VMEM((_ROT_D * _B_PER_W,), jnp.float32),
            pltpu.VMEM((_TRA_D * _B_PER_W,), jnp.float32),
            pltpu.SemaphoreType.DMA,
        ],
    )
    def gather_kernel(tab_hbm, idx_hbm, rot_out, tra_out,
                      idx_v, stage, rot_pack, tra_pack, sem):
        wid = lax.axis_index("s") * 2 + lax.axis_index("c")
        base = wid * _B_PER_W
        iota = lax.iota(jnp.int32, _L)

        pltpu.sync_copy(idx_hbm.at[pl.ds(wid * _NCHUNK, _NCHUNK)], idx_v)

        def fire(hb):
            return [pltpu.async_copy(
                        tab_hbm.at[idx_v.at[hb * 2 + c]],
                        stage.at[hb, pl.ds(c * _CHUNK, _CHUNK)], sem)
                    for c in range(_NCHUNK // 2)]

        pending = fire(0)
        for hb in range(2):
            for cp in pending:
                cp.wait()
            if hb == 0:
                pending = fire(1)

            def rot_body(it, _):
                g = it & 15
                s = it >> 4
                j = iota + g * _L
                vals = plsc.load_gather(stage, [iota * 0 + hb, j, iota * 0 + s])
                rot_pack[pl.ds(s * _B_PER_W + hb * 256 + g * _L, _L)] = vals
                return 0

            lax.fori_loop(0, _ROT_D * 16, rot_body, 0)

            def tra_body(it, _):
                g = it & 15
                s = it >> 4
                j = iota + g * _L
                vals = plsc.load_gather(stage, [iota * 0 + hb, j, iota * 0 + s + _ROT_D])
                tra_pack[pl.ds(s * _B_PER_W + hb * 256 + g * _L, _L)] = vals
                return 0

            lax.fori_loop(0, _TRA_D * 16, tra_body, 0)

        for s in range(_ROT_D):
            d, c = divmod(s, 6)
            pltpu.sync_copy(rot_pack.at[pl.ds(s * _B_PER_W, _B_PER_W)],
                            rot_out.at[d, c, pl.ds(base, _B_PER_W)])
        for s in range(_TRA_D):
            d, c = divmod(s, 3)
            pltpu.sync_copy(tra_pack.at[pl.ds(s * _B_PER_W, _B_PER_W)],
                            tra_out.at[d, c, pl.ds(base, _B_PER_W)])

    return gather_kernel


_GATHER = _make_gather()


def kernel(rotation_per_domain, translation_per_domain, indexes):
    n, d, _ = rotation_per_domain.shape
    tab = jnp.concatenate(
        [rotation_per_domain.reshape(n, _ROT_D),
         translation_per_domain.reshape(n, _TRA_D),
         jnp.zeros((n, 128 - _ROT_D - _TRA_D), jnp.float32)], axis=1)
    idx = indexes.astype(jnp.int32).reshape(_NW * _NCHUNK, _CHUNK)
    rot_o, tra_o = _GATHER(tab, idx)
    rot = rot_o[:, :6, :].transpose(2, 0, 1)
    tra = tra_o[:, :3, :].transpose(2, 0, 1)
    return (rot, tra)

# --- scband reference (transcript-rebuilt; emitter-appended) ---
"""Pipeline reference for scband-vae-69252052680907 (READ-ONLY COPY).

The authoritative reference and input builder live on the scoring server;
editing this copy changes nothing except your own understanding.
"""

import jax, jax.numpy as jnp
import numpy as np

N_IMAGES = 150000
N_DOMAINS = 6
BATCH = 16384


def setup_inputs(seed: int = 0) -> dict:
    key = jax.random.key(seed)
    indexes = jax.random.randint(key, (BATCH,), 0, N_IMAGES)
    # rotation_per_domain initialized as identity r6 representation [1,0,0,0,1,0] repeated
    rotation_per_domain = jnp.tile(
        jnp.array([1.0, 0.0, 0.0, 0.0, 1.0, 0.0], dtype=jnp.float32)[None, None, :],
        (N_IMAGES, N_DOMAINS, 1),
    )
    # translation_per_domain initialized as zeros
    translation_per_domain = jnp.zeros((N_IMAGES, N_DOMAINS, 3), dtype=jnp.float32)
    return {
        "rotation_per_domain": rotation_per_domain,
        "translation_per_domain": translation_per_domain,
        "indexes": indexes,
    }


def reference(rotation_per_domain, translation_per_domain, indexes):
    # Faithful translation of VAE.batch_transformations:
    #   return (self.rotation_per_domain[indexes], self.translation_per_domain[indexes])
    rot = jnp.take(rotation_per_domain, indexes, axis=0)
    trans = jnp.take(translation_per_domain, indexes, axis=0)
    return (rot, trans)

if __name__ == "__main__":
    import jax
    _d = setup_inputs()
    print(jax.jit(kernel)(*tuple(_d.values())))

</pallas_src>

<mosaic_0001>
#map = affine_map<(d0, d1) -> (0, 0)>
#map1 = affine_map<(d0, d1) -> (0, 0, 0)>
module attributes {stable_mosaic.version = 14 : i64} {
  func.func @gather_kernel(%arg0: i32, %arg1: i32, %arg2: memref<150000x128xf32, #tpu.memory_space<hbm>>, %arg3: memref<128x128xi32, #tpu.memory_space<hbm>>, %arg4: memref<6x8x16384xf32, #tpu.memory_space<hbm>>, %arg5: memref<6x4x16384xf32, #tpu.memory_space<hbm>>, %arg6: memref<4x128xi32, #tpu.memory_space<vmem>>, %arg7: memref<2x256x128xf32, #tpu.memory_space<vmem>>, %arg8: memref<18432xf32, #tpu.memory_space<vmem>>, %arg9: memref<9216xf32, #tpu.memory_space<vmem>>, %arg10: memref<!tpu.dma_semaphore, #tpu.memory_space<semaphore_mem>>) attributes {dimension_semantics = [#tpu.dimension_semantics<core_parallel>, #tpu.dimension_semantics<subcore_parallel>], iteration_bounds = array<i64: 2, 16>, scalar_prefetch = 0 : i64, scratch_operands = 5 : i64, tpu.core_type = #tpu.core_type<sc_vector_subcore>, window_params = [{transform_indices = #map}, {transform_indices = #map}, {transform_indices = #map1}, {transform_indices = #map1}]} {
    %mul3A = arith.constant 2 : i32
    %mul3A_0 = arith.muli %arg1, %mul3A : i32
    %add3A = arith.addi %mul3A_0, %arg0 : i32
    %mul3A_1 = arith.constant 512 : i32
    %mul3A_2 = arith.muli %add3A, %mul3A_1 : i32
    %iota3A = tpu.iota {dimensions = array<i32: 0>} : vector<16xi32>
    %mul3A_3 = arith.constant 4 : i32
    %mul3A_4 = arith.muli %add3A, %mul3A_3 : i32
    "tpu.region"() ({
      %run_scoped3A_233 = tpu.sem_alloc : memref<!tpu.dma_semaphore, #tpu.memory_space<semaphore_mem>>
      %dma_start3A_234 = arith.constant 0 : i32
      %dma_start3A_235 = tpu.memref_slice %arg3[%mul3A_4, %dma_start3A_234] : memref<128x128xi32, #tpu.memory_space<hbm>> -> memref<4x128xi32, #tpu.memory_space<hbm>>
      %dma_start3A_236 = arith.constant 0 : i32
      %dma_start3A_237 = tpu.memref_slice %arg3[%mul3A_4, %dma_start3A_236] : memref<128x128xi32, #tpu.memory_space<hbm>> -> memref<4x128xi32, #tpu.memory_space<hbm>>
      tpu.enqueue_dma source(%dma_start3A_237 : memref<4x128xi32, #tpu.memory_space<hbm>>) target(%arg6 : memref<4x128xi32, #tpu.memory_space<vmem>>) target_semaphore(%run_scoped3A_233 : memref<!tpu.dma_semaphore, #tpu.memory_space<semaphore_mem>>)
      %dma_wait3A_238 = arith.constant 0 : i32
      %dma_wait3A_239 = tpu.memref_slice %arg3[%mul3A_4, %dma_wait3A_238] : memref<128x128xi32, #tpu.memory_space<hbm>> -> memref<4x128xi32, #tpu.memory_space<hbm>>
      %dma_wait3A_240 = arith.constant 0 : i32
      %dma_wait3A_241 = tpu.memref_slice %arg3[%mul3A_4, %dma_wait3A_240] : memref<128x128xi32, #tpu.memory_space<hbm>> -> memref<4x128xi32, #tpu.memory_space<hbm>>
      tpu.wait_dma2 semaphore(%run_scoped3A_233 : memref<!tpu.dma_semaphore, #tpu.memory_space<semaphore_mem>>) src(%dma_wait3A_241 : memref<4x128xi32, #tpu.memory_space<hbm>>) dst(%arg6 : memref<4x128xi32, #tpu.memory_space<vmem>>)
      tpu.yield
    }) : () -> ()
    %dma_start3A = arith.constant 0 : i32
    %dma_start3A_5 = arith.constant 0 : i32
    %dma_start3A_6 = arith.constant 0 : i32
    %dma_start3A_7 = arith.constant 0 : i32
    %dma_start3A_8 = tpu.memref_slice %arg7[%dma_start3A_5, %dma_start3A_6, %dma_start3A_7] : memref<2x256x128xf32, #tpu.memory_space<vmem>> -> memref<1x128x128xf32, #tpu.memory_space<vmem>>
    %dma_start3A_9 = tpu.memref_squeeze %dma_start3A_8 : memref<1x128x128xf32, #tpu.memory_space<vmem>> -> memref<128x128xf32, #tpu.memory_space<vmem>>
    %dma_start3A_10 = arith.constant 0 : i32
    %dma_start3A_11 = tpu.memref_slice %arg6[%dma_start3A, %dma_start3A_10] : memref<4x128xi32, #tpu.memory_space<vmem>> -> memref<1x128xi32, #tpu.memory_space<vmem>>
    %dma_start3A_12 = tpu.memref_squeeze %dma_start3A_11 : memref<1x128xi32, #tpu.memory_space<vmem>> -> memref<128xi32, #tpu.memory_space<vmem>>
    %dma_start3A_13 = arith.constant 0 : i32
    %dma_start3A_14 = arith.constant 0 : i32
    %dma_start3A_15 = tpu.memref_slice %arg2[%dma_start3A_13, %dma_start3A_14] : memref<150000x128xf32, #tpu.memory_space<hbm>> -> memref<150000x128xf32, #tpu.memory_space<hbm>>
    tpu.enqueue_indirect_dma source(%dma_start3A_15 : memref<150000x128xf32, #tpu.memory_space<hbm>>) target(%dma_start3A_9 : memref<128x128xf32, #tpu.memory_space<vmem>>) offsets(%dma_start3A_12 : memref<128xi32, #tpu.memory_space<vmem>>) semaphore(%arg10 : memref<!tpu.dma_semaphore, #tpu.memory_space<semaphore_mem>>)
    %dma_start3A_16 = arith.constant 1 : i32
    %dma_start3A_17 = arith.constant 0 : i32
    %dma_start3A_18 = arith.constant 128 : i32
    %dma_start3A_19 = arith.constant 0 : i32
    %dma_start3A_20 = tpu.memref_slice %arg7[%dma_start3A_17, %dma_start3A_18, %dma_start3A_19] : memref<2x256x128xf32, #tpu.memory_space<vmem>> -> memref<1x128x128xf32, #tpu.memory_space<vmem>>
    %dma_start3A_21 = tpu.memref_squeeze %dma_start3A_20 : memref<1x128x128xf32, #tpu.memory_space<vmem>> -> memref<128x128xf32, #tpu.memory_space<vmem>>
    %dma_start3A_22 = arith.constant 0 : i32
    %dma_start3A_23 = tpu.memref_slice %arg6[%dma_start3A_16, %dma_start3A_22] : memref<4x128xi32, #tpu.memory_space<vmem>> -> memref<1x128xi32, #tpu.memory_space<vmem>>
    %dma_start3A_24 = tpu.memref_squeeze %dma_start3A_23 : memref<1x128xi32, #tpu.memory_space<vmem>> -> memref<128xi32, #tpu.memory_space<vmem>>
    %dma_start3A_25 = arith.constant 0 : i32
    %dma_start3A_26 = arith.constant 0 : i32
    %dma_start3A_27 = tpu.memref_slice %arg2[%dma_start3A_25, %dma_start3A_26] : memref<150000x128xf32, #tpu.memory_space<hbm>> -> memref<150000x128xf32, #tpu.memory_space<hbm>>
    tpu.enqueue_indirect_dma source(%dma_start3A_27 : memref<150000x128xf32, #tpu.memory_space<hbm>>) target(%dma_start3A_21 : memref<128x128xf32, #tpu.memory_space<vmem>>) offsets(%dma_start3A_24 : memref<128xi32, #tpu.memory_space<vmem>>) semaphore(%arg10 : memref<!tpu.dma_semaphore, #tpu.memory_space<semaphore_mem>>)
    %dma_wait3A = arith.constant 0 : i32
    %dma_wait3A_28 = arith.constant 0 : i32
    %dma_wait3A_29 = arith.constant 0 : i32
    %dma_wait3A_30 = arith.constant 0 : i32
    %dma_wait3A_31 = tpu.memref_slice %arg7[%dma_wait3A_28, %dma_wait3A_29, %dma_wait3A_30] : memref<2x256x128xf32, #tpu.memory_space<vmem>> -> memref<1x128x128xf32, #tpu.memory_space<vmem>>
    %dma_wait3A_32 = tpu.memref_squeeze %dma_wait3A_31 : memref<1x128x128xf32, #tpu.memory_space<vmem>> -> memref<128x128xf32, #tpu.memory_space<vmem>>
    %dma_wait3A_33 = arith.constant 0 : i32
    %dma_wait3A_34 = tpu.memref_slice %arg6[%dma_wait3A, %dma_wait3A_33] : memref<4x128xi32, #tpu.memory_space<vmem>> -> memref<1x128xi32, #tpu.memory_space<vmem>>
    %dma_wait3A_35 = tpu.memref_squeeze %dma_wait3A_34 : memref<1x128xi32, #tpu.memory_space<vmem>> -> memref<128xi32, #tpu.memory_space<vmem>>
    %dma_wait3A_36 = arith.constant 0 : i32
    %dma_wait3A_37 = arith.constant 0 : i32
    %dma_wait3A_38 = tpu.memref_slice %arg2[%dma_wait3A_36, %dma_wait3A_37] : memref<150000x128xf32, #tpu.memory_space<hbm>> -> memref<150000x128xf32, #tpu.memory_space<hbm>>
    tpu.wait_indirect_dma semaphore(%arg10 : memref<!tpu.dma_semaphore, #tpu.memory_space<semaphore_mem>>) src(%dma_wait3A_38 : memref<150000x128xf32, #tpu.memory_space<hbm>>) dst(%dma_wait3A_32 : memref<128x128xf32, #tpu.memory_space<vmem>>)
    %dma_wait3A_39 = arith.constant 1 : i32
    %dma_wait3A_40 = arith.constant 0 : i32
    %dma_wait3A_41 = arith.constant 128 : i32
    %dma_wait3A_42 = arith.constant 0 : i32
    %dma_wait3A_43 = tpu.memref_slice %arg7[%dma_wait3A_40, %dma_wait3A_41, %dma_wait3A_42] : memref<2x256x128xf32, #tpu.memory_space<vmem>> -> memref<1x128x128xf32, #tpu.memory_space<vmem>>
    %dma_wait3A_44 = tpu.memref_squeeze %dma_wait3A_43 : memref<1x128x128xf32, #tpu.memory_space<vmem>> -> memref<128x128xf32, #tpu.memory_space<vmem>>
    %dma_wait3A_45 = arith.constant 0 : i32
    %dma_wait3A_46 = tpu.memref_slice %arg6[%dma_wait3A_39, %dma_wait3A_45] : memref<4x128xi32, #tpu.memory_space<vmem>> -> memref<1x128xi32, #tpu.memory_space<vmem>>
    %dma_wait3A_47 = tpu.memref_squeeze %dma_wait3A_46 : memref<1x128xi32, #tpu.memory_space<vmem>> -> memref<128xi32, #tpu.memory_space<vmem>>
    %dma_wait3A_48 = arith.constant 0 : i32
    %dma_wait3A_49 = arith.constant 0 : i32
    %dma_wait3A_50 = tpu.memref_slice %arg2[%dma_wait3A_48, %dma_wait3A_49] : memref<150000x128xf32, #tpu.memory_space<hbm>> -> memref<150000x128xf32, #tpu.memory_space<hbm>>
    tpu.wait_indirect_dma semaphore(%arg10 : memref<!tpu.dma_semaphore, #tpu.memory_space<semaphore_mem>>) src(%dma_wait3A_50 : memref<150000x128xf32, #tpu.memory_space<hbm>>) dst(%dma_wait3A_44 : memref<128x128xf32, #tpu.memory_space<vmem>>)
    %dma_start3A_51 = arith.constant 2 : i32
    %dma_start3A_52 = arith.constant 1 : i32
    %dma_start3A_53 = arith.constant 0 : i32
    %dma_start3A_54 = arith.constant 0 : i32
    %dma_start3A_55 = tpu.memref_slice %arg7[%dma_start3A_52, %dma_start3A_53, %dma_start3A_54] : memref<2x256x128xf32, #tpu.memory_space<vmem>> -> memref<1x128x128xf32, #tpu.memory_space<vmem>>
    %dma_start3A_56 = tpu.memref_squeeze %dma_start3A_55 : memref<1x128x128xf32, #tpu.memory_space<vmem>> -> memref<128x128xf32, #tpu.memory_space<vmem>>
    %dma_start3A_57 = arith.constant 0 : i32
    %dma_start3A_58 = tpu.memref_slice %arg6[%dma_start3A_51, %dma_start3A_57] : memref<4x128xi32, #tpu.memory_space<vmem>> -> memref<1x128xi32, #tpu.memory_space<vmem>>
    %dma_start3A_59 = tpu.memref_squeeze %dma_start3A_58 : memref<1x128xi32, #tpu.memory_space<vmem>> -> memref<128xi32, #tpu.memory_space<vmem>>
    %dma_start3A_60 = arith.constant 0 : i32
    %dma_start3A_61 = arith.constant 0 : i32
    %dma_start3A_62 = tpu.memref_slice %arg2[%dma_start3A_60, %dma_start3A_61] : memref<150000x128xf32, #tpu.memory_space<hbm>> -> memref<150000x128xf32, #tpu.memory_space<hbm>>
    tpu.enqueue_indirect_dma source(%dma_start3A_62 : memref<150000x128xf32, #tpu.memory_space<hbm>>) target(%dma_start3A_56 : memref<128x128xf32, #tpu.memory_space<vmem>>) offsets(%dma_start3A_59 : memref<128xi32, #tpu.memory_space<vmem>>) semaphore(%arg10 : memref<!tpu.dma_semaphore, #tpu.memory_space<semaphore_mem>>)
    %dma_start3A_63 = arith.constant 3 : i32
    %dma_start3A_64 = arith.constant 1 : i32
    %dma_start3A_65 = arith.constant 128 : i32
    %dma_start3A_66 = arith.constant 0 : i32
    %dma_start3A_67 = tpu.memref_slice %arg7[%dma_start3A_64, %dma_start3A_65, %dma_start3A_66] : memref<2x256x128xf32, #tpu.memory_space<vmem>> -> memref<1x128x128xf32, #tpu.memory_space<vmem>>
    %dma_start3A_68 = tpu.memref_squeeze %dma_start3A_67 : memref<1x128x128xf32, #tpu.memory_space<vmem>> -> memref<128x128xf32, #tpu.memory_space<vmem>>
    %dma_start3A_69 = arith.constant 0 : i32
    %dma_start3A_70 = tpu.memref_slice %arg6[%dma_start3A_63, %dma_start3A_69] : memref<4x128xi32, #tpu.memory_space<vmem>> -> memref<1x128xi32, #tpu.memory_space<vmem>>
    %dma_start3A_71 = tpu.memref_squeeze %dma_start3A_70 : memref<1x128xi32, #tpu.memory_space<vmem>> -> memref<128xi32, #tpu.memory_space<vmem>>
    %dma_start3A_72 = arith.constant 0 : i32
    %dma_start3A_73 = arith.constant 0 : i32
    %dma_start3A_74 = tpu.memref_slice %arg2[%dma_start3A_72, %dma_start3A_73] : memref<150000x128xf32, #tpu.memory_space<hbm>> -> memref<150000x128xf32, #tpu.memory_space<hbm>>
    tpu.enqueue_indirect_dma source(%dma_start3A_74 : memref<150000x128xf32, #tpu.memory_space<hbm>>) target(%dma_start3A_68 : memref<128x128xf32, #tpu.memory_space<vmem>>) offsets(%dma_start3A_71 : memref<128xi32, #tpu.memory_space<vmem>>) semaphore(%arg10 : memref<!tpu.dma_semaphore, #tpu.memory_space<semaphore_mem>>)
    %scan3A = arith.constant 0 : i32
    %scan3A_75 = arith.constant 0 : i32
    %scan3A_76 = arith.constant 576 : i32
    %scan3A_77 = arith.addi %scan3A_75, %scan3A_76 : i32
    %scan3A_78 = arith.constant 1 : i32
    %scan3A_79 = scf.for %scan3A_233 = %scan3A_75 to %scan3A_77 step %scan3A_78 iter_args(%scan3A_234 = %scan3A) -> (i32)  : i32 {
      %and3A = arith.constant 15 : i32
      %and3A_235 = arith.andi %scan3A_233, %and3A : i32
      %shift_right_arithmetic3A = arith.constant 4 : i32
      %shift_right_arithmetic3A_236 = arith.shrsi %scan3A_233, %shift_right_arithmetic3A : i32
      %mul3A_237 = arith.constant 16 : i32
      %mul3A_238 = arith.muli %and3A_235, %mul3A_237 : i32
      %add3A_239 = vector.broadcast %mul3A_238 : i32 to vector<16xi32>
      %add3A_240 = arith.addi %iota3A, %add3A_239 : vector<16xi32>
      %mul3A_241 = arith.constant 0 : i32
      %mul3A_242 = vector.broadcast %mul3A_241 : i32 to vector<16xi32>
      %mul3A_243 = arith.muli %iota3A, %mul3A_242 : vector<16xi32>
      %add3A_244 = arith.constant 0 : i32
      %add3A_245 = vector.broadcast %add3A_244 : i32 to vector<16xi32>
      %add3A_246 = arith.addi %mul3A_243, %add3A_245 : vector<16xi32>
      %mul3A_247 = arith.constant 0 : i32
      %mul3A_248 = vector.broadcast %mul3A_247 : i32 to vector<16xi32>
      %mul3A_249 = arith.muli %iota3A, %mul3A_248 : vector<16xi32>
      %add3A_250 = vector.broadcast %shift_right_arithmetic3A_236 : i32 to vector<16xi32>
      %add3A_251 = arith.addi %mul3A_249, %add3A_250 : vector<16xi32>
      %gather3A = tpu.vector_load_idx %arg7[%add3A_246, %add3A_240, %add3A_251] : memref<2x256x128xf32, #tpu.memory_space<vmem>>[vector<16xi32>, vector<16xi32>, vector<16xi32>], vector<16xf32>,
      %mul3A_252 = arith.constant 512 : i32
      %mul3A_253 = arith.muli %shift_right_arithmetic3A_236, %mul3A_252 : i32
      %add3A_254 = arith.constant 0 : i32
      %add3A_255 = arith.addi %mul3A_253, %add3A_254 : i32
      %mul3A_256 = arith.constant 16 : i32
      %mul3A_257 = arith.muli %and3A_235, %mul3A_256 : i32
      %add3A_258 = arith.addi %add3A_255, %mul3A_257 : i32
      %swap3A = arith.index_cast %add3A_258 : i32 to index
      %swap3A_259 = tpu.vector_load %arg8[%swap3A] {strides = array<i32>} : memref<18432xf32, #tpu.memory_space<vmem>>, vector<16xf32>,
      tpu.vector_store %arg8[%swap3A], %gather3A {strides = array<i32>} : memref<18432xf32, #tpu.memory_space<vmem>>, vector<16xf32>,
      %scan3A_260 = arith.constant 0 : i32
      scf.yield %scan3A_260 : i32
    }
    %scan3A_80 = arith.constant 576 : i32
    %scan3A_81 = arith.constant 0 : i32
    %scan3A_82 = arith.constant 0 : i32
    %scan3A_83 = arith.constant 288 : i32
    %scan3A_84 = arith.addi %scan3A_82, %scan3A_83 : i32
    %scan3A_85 = arith.constant 1 : i32
    %scan3A_86 = scf.for %scan3A_233 = %scan3A_82 to %scan3A_84 step %scan3A_85 iter_args(%scan3A_234 = %scan3A_81) -> (i32)  : i32 {
      %and3A = arith.constant 15 : i32
      %and3A_235 = arith.andi %scan3A_233, %and3A : i32
      %shift_right_arithmetic3A = arith.constant 4 : i32
      %shift_right_arithmetic3A_236 = arith.shrsi %scan3A_233, %shift_right_arithmetic3A : i32
      %mul3A_237 = arith.constant 16 : i32
      %mul3A_238 = arith.muli %and3A_235, %mul3A_237 : i32
      %add3A_239 = vector.broadcast %mul3A_238 : i32 to vector<16xi32>
      %add3A_240 = arith.addi %iota3A, %add3A_239 : vector<16xi32>
      %mul3A_241 = arith.constant 0 : i32
      %mul3A_242 = vector.broadcast %mul3A_241 : i32 to vector<16xi32>
      %mul3A_243 = arith.muli %iota3A, %mul3A_242 : vector<16xi32>
      %add3A_244 = arith.constant 0 : i32
      %add3A_245 = vector.broadcast %add3A_244 : i32 to vector<16xi32>
      %add3A_246 = arith.addi %mul3A_243, %add3A_245 : vector<16xi32>
      %mul3A_247 = arith.constant 0 : i32
      %mul3A_248 = vector.broadcast %mul3A_247 : i32 to vector<16xi32>
      %mul3A_249 = arith.muli %iota3A, %mul3A_248 : vector<16xi32>
      %add3A_250 = vector.broadcast %shift_right_arithmetic3A_236 : i32 to vector<16xi32>
      %add3A_251 = arith.addi %mul3A_249, %add3A_250 : vector<16xi32>
      %add3A_252 = arith.constant 36 : i32
      %add3A_253 = vector.broadcast %add3A_252 : i32 to vector<16xi32>
      %add3A_254 = arith.addi %add3A_251, %add3A_253 : vector<16xi32>
      %gather3A = tpu.vector_load_idx %arg7[%add3A_246, %add3A_240, %add3A_254] : memref<2x256x128xf32, #tpu.memory_space<vmem>>[vector<16xi32>, vector<16xi32>, vector<16xi32>], vector<16xf32>,
      %mul3A_255 = arith.constant 512 : i32
      %mul3A_256 = arith.muli %shift_right_arithmetic3A_236, %mul3A_255 : i32
      %add3A_257 = arith.constant 0 : i32
      %add3A_258 = arith.addi %mul3A_256, %add3A_257 : i32
      %mul3A_259 = arith.constant 16 : i32
      %mul3A_260 = arith.muli %and3A_235, %mul3A_259 : i32
      %add3A_261 = arith.addi %add3A_258, %mul3A_260 : i32
      %swap3A = arith.index_cast %add3A_261 : i32 to index
      %swap3A_262 = tpu.vector_load %arg9[%swap3A] {strides = array<i32>} : memref<9216xf32, #tpu.memory_space<vmem>>, vector<16xf32>,
      tpu.vector_store %arg9[%swap3A], %gather3A {strides = array<i32>} : memref<9216xf32, #tpu.memory_space<vmem>>, vector<16xf32>,
      %scan3A_263 = arith.constant 0 : i32
      scf.yield %scan3A_263 : i32
    }
    %scan3A_87 = arith.constant 288 : i32
    %dma_wait3A_88 = arith.constant 2 : i32
    %dma_wait3A_89 = arith.constant 1 : i32
    %dma_wait3A_90 = arith.constant 0 : i32
    %dma_wait3A_91 = arith.constant 0 : i32
    %dma_wait3A_92 = tpu.memref_slice %arg7[%dma_wait3A_89, %dma_wait3A_90, %dma_wait3A_91] : memref<2x256x128xf32, #tpu.memory_space<vmem>> -> memref<1x128x128xf32, #tpu.memory_space<vmem>>
    %dma_wait3A_93 = tpu.memref_squeeze %dma_wait3A_92 : memref<1x128x128xf32, #tpu.memory_space<vmem>> -> memref<128x128xf32, #tpu.memory_space<vmem>>
    %dma_wait3A_94 = arith.constant 0 : i32
    %dma_wait3A_95 = tpu.memref_slice %arg6[%dma_wait3A_88, %dma_wait3A_94] : memref<4x128xi32, #tpu.memory_space<vmem>> -> memref<1x128xi32, #tpu.memory_space<vmem>>
    %dma_wait3A_96 = tpu.memref_squeeze %dma_wait3A_95 : memref<1x128xi32, #tpu.memory_space<vmem>> -> memref<128xi32, #tpu.memory_space<vmem>>
    %dma_wait3A_97 = arith.constant 0 : i32
    %dma_wait3A_98 = arith.constant 0 : i32
    %dma_wait3A_99 = tpu.memref_slice %arg2[%dma_wait3A_97, %dma_wait3A_98] : memref<150000x128xf32, #tpu.memory_space<hbm>> -> memref<150000x128xf32, #tpu.memory_space<hbm>>
    tpu.wait_indirect_dma semaphore(%arg10 : memref<!tpu.dma_semaphore, #tpu.memory_space<semaphore_mem>>) src(%dma_wait3A_99 : memref<150000x128xf32, #tpu.memory_space<hbm>>) dst(%dma_wait3A_93 : memref<128x128xf32, #tpu.memory_space<vmem>>)
    %dma_wait3A_100 = arith.constant 3 : i32
    %dma_wait3A_101 = arith.constant 1 : i32
    %dma_wait3A_102 = arith.constant 128 : i32
    %dma_wait3A_103 = arith.constant 0 : i32
    %dma_wait3A_104 = tpu.memref_slice %arg7[%dma_wait3A_101, %dma_wait3A_102, %dma_wait3A_103] : memref<2x256x128xf32, #tpu.memory_space<vmem>> -> memref<1x128x128xf32, #tpu.memory_space<vmem>>
    %dma_wait3A_105 = tpu.memref_squeeze %dma_wait3A_104 : memref<1x128x128xf32, #tpu.memory_space<vmem>> -> memref<128x128xf32, #tpu.memory_space<vmem>>
    %dma_wait3A_106 = arith.constant 0 : i32
    %dma_wait3A_107 = tpu.memref_slice %arg6[%dma_wait3A_100, %dma_wait3A_106] : memref<4x128xi32, #tpu.memory_space<vmem>> -> memref<1x128xi32, #tpu.memory_space<vmem>>
    %dma_wait3A_108 = tpu.memref_squeeze %dma_wait3A_107 : memref<1x128xi32, #tpu.memory_space<vmem>> -> memref<128xi32, #tpu.memory_space<vmem>>
    %dma_wait3A_109 = arith.constant 0 : i32
    %dma_wait3A_110 = arith.constant 0 : i32
    %dma_wait3A_111 = tpu.memref_slice %arg2[%dma_wait3A_109, %dma_wait3A_110] : memref<150000x128xf32, #tpu.memory_space<hbm>> -> memref<150000x128xf32, #tpu.memory_space<hbm>>
    tpu.wait_indirect_dma semaphore(%arg10 : memref<!tpu.dma_semaphore, #tpu.memory_space<semaphore_mem>>) src(%dma_wait3A_111 : memref<150000x128xf32, #tpu.memory_space<hbm>>) dst(%dma_wait3A_105 : memref<128x128xf32, #tpu.memory_space<vmem>>)
    %scan3A_112 = arith.constant 0 : i32
    %scan3A_113 = arith.constant 0 : i32
    %scan3A_114 = arith.constant 576 : i32
    %scan3A_115 = arith.addi %scan3A_113, %scan3A_114 : i32
    %scan3A_116 = arith.constant 1 : i32
    %scan3A_117 = scf.for %scan3A_233 = %scan3A_113 to %scan3A_115 step %scan3A_116 iter_args(%scan3A_234 = %scan3A_112) -> (i32)  : i32 {
      %and3A = arith.constant 15 : i32
      %and3A_235 = arith.andi %scan3A_233, %and3A : i32
      %shift_right_arithmetic3A = arith.constant 4 : i32
      %shift_right_arithmetic3A_236 = arith.shrsi %scan3A_233, %shift_right_arithmetic3A : i32
      %mul3A_237 = arith.constant 16 : i32
      %mul3A_238 = arith.muli %and3A_235, %mul3A_237 : i32
      %add3A_239 = vector.broadcast %mul3A_238 : i32 to vector<16xi32>
      %add3A_240 = arith.addi %iota3A, %add3A_239 : vector<16xi32>
      %mul3A_241 = arith.constant 0 : i32
      %mul3A_242 = vector.broadcast %mul3A_241 : i32 to vector<16xi32>
      %mul3A_243 = arith.muli %iota3A, %mul3A_242 : vector<16xi32>
      %add3A_244 = arith.constant 1 : i32
      %add3A_245 = vector.broadcast %add3A_244 : i32 to vector<16xi32>
      %add3A_246 = arith.addi %mul3A_243, %add3A_245 : vector<16xi32>
      %mul3A_247 = arith.constant 0 : i32
      %mul3A_248 = vector.broadcast %mul3A_247 : i32 to vector<16xi32>
      %mul3A_249 = arith.muli %iota3A, %mul3A_248 : vector<16xi32>
      %add3A_250 = vector.broadcast %shift_right_arithmetic3A_236 : i32 to vector<16xi32>
      %add3A_251 = arith.addi %mul3A_249, %add3A_250 : vector<16xi32>
      %gather3A = tpu.vector_load_idx %arg7[%add3A_246, %add3A_240, %add3A_251] : memref<2x256x128xf32, #tpu.memory_space<vmem>>[vector<16xi32>, vector<16xi32>, vector<16xi32>], vector<16xf32>,
      %mul3A_252 = arith.constant 512 : i32
      %mul3A_253 = arith.muli %shift_right_arithmetic3A_236, %mul3A_252 : i32
      %add3A_254 = arith.constant 256 : i32
      %add3A_255 = arith.addi %mul3A_253, %add3A_254 : i32
      %mul3A_256 = arith.constant 16 : i32
      %mul3A_257 = arith.muli %and3A_235, %mul3A_256 : i32
      %add3A_258 = arith.addi %add3A_255, %mul3A_257 : i32
      %swap3A = arith.index_cast %add3A_258 : i32 to index
      %swap3A_259 = tpu.vector_load %arg8[%swap3A] {strides = array<i32>} : memref<18432xf32, #tpu.memory_space<vmem>>, vector<16xf32>,
      tpu.vector_store %arg8[%swap3A], %gather3A {strides = array<i32>} : memref<18432xf32, #tpu.memory_space<vmem>>, vector<16xf32>,
      %scan3A_260 = arith.constant 0 : i32
      scf.yield %scan3A_260 : i32
    }
    %scan3A_118 = arith.constant 576 : i32
    %scan3A_119 = arith.constant 0 : i32
    %scan3A_120 = arith.constant 0 : i32
    %scan3A_121 = arith.constant 288 : i32
    %scan3A_122 = arith.addi %scan3A_120, %scan3A_121 : i32
    %scan3A_123 = arith.constant 1 : i32
    %scan3A_124 = scf.for %scan3A_233 = %scan3A_120 to %scan3A_122 step %scan3A_123 iter_args(%scan3A_234 = %scan3A_119) -> (i32)  : i32 {
      %and3A = arith.constant 15 : i32
      %and3A_235 = arith.andi %scan3A_233, %and3A : i32
      %shift_right_arithmetic3A = arith.constant 4 : i32
      %shift_right_arithmetic3A_236 = arith.shrsi %scan3A_233, %shift_right_arithmetic3A : i32
      %mul3A_237 = arith.constant 16 : i32
      %mul3A_238 = arith.muli %and3A_235, %mul3A_237 : i32
      %add3A_239 = vector.broadcast %mul3A_238 : i32 to vector<16xi32>
      %add3A_240 = arith.addi %iota3A, %add3A_239 : vector<16xi32>
      %mul3A_241 = arith.constant 0 : i32
      %mul3A_242 = vector.broadcast %mul3A_241 : i32 to vector<16xi32>
      %mul3A_243 = arith.muli %iota3A, %mul3A_242 : vector<16xi32>
      %add3A_244 = arith.constant 1 : i32
      %add3A_245 = vector.broadcast %add3A_244 : i32 to vector<16xi32>
      %add3A_246 = arith.addi %mul3A_243, %add3A_245 : vector<16xi32>
      %mul3A_247 = arith.constant 0 : i32
      %mul3A_248 = vector.broadcast %mul3A_247 : i32 to vector<16xi32>
      %mul3A_249 = arith.muli %iota3A, %mul3A_248 : vector<16xi32>
      %add3A_250 = vector.broadcast %shift_right_arithmetic3A_236 : i32 to vector<16xi32>
      %add3A_251 = arith.addi %mul3A_249, %add3A_250 : vector<16xi32>
      %add3A_252 = arith.constant 36 : i32
      %add3A_253 = vector.broadcast %add3A_252 : i32 to vector<16xi32>
      %add3A_254 = arith.addi %add3A_251, %add3A_253 : vector<16xi32>
      %gather3A = tpu.vector_load_idx %arg7[%add3A_246, %add3A_240, %add3A_254] : memref<2x256x128xf32, #tpu.memory_space<vmem>>[vector<16xi32>, vector<16xi32>, vector<16xi32>], vector<16xf32>,
      %mul3A_255 = arith.constant 512 : i32
      %mul3A_256 = arith.muli %shift_right_arithmetic3A_236, %mul3A_255 : i32
      %add3A_257 = arith.constant 256 : i32
      %add3A_258 = arith.addi %mul3A_256, %add3A_257 : i32
      %mul3A_259 = arith.constant 16 : i32
      %mul3A_260 = arith.muli %and3A_235, %mul3A_259 : i32
      %add3A_261 = arith.addi %add3A_258, %mul3A_260 : i32
      %swap3A = arith.index_cast %add3A_261 : i32 to index
      %swap3A_262 = tpu.vector_load %arg9[%swap3A] {strides = array<i32>} : memref<9216xf32, #tpu.memory_space<vmem>>, vector<16xf32>,
      tpu.vector_store %arg9[%swap3A], %gather3A {strides = array<i32>} : memref<9216xf32, #tpu.memory_space<vmem>>, vector<16xf32>,
      %scan3A_263 = arith.constant 0 : i32
      scf.yield %scan3A_263 : i32
    }
    %scan3A_125 = arith.constant 288 : i32
    %run_scoped3A = arith.constant 0 : i32
    %run_scoped3A_126 = arith.constant 0 : i32
    "tpu.region"() ({
      %run_scoped3A_233 = tpu.sem_alloc : memref<!tpu.dma_semaphore, #tpu.memory_space<semaphore_mem>>
      %dma_start3A_234 = arith.constant 0 : i32
      %dma_start3A_235 = tpu.memref_slice %arg8[%dma_start3A_234] : memref<18432xf32, #tpu.memory_space<vmem>> -> memref<512xf32, #tpu.memory_space<vmem>>
      %dma_start3A_236 = tpu.memref_slice %arg4[%run_scoped3A, %run_scoped3A_126, %mul3A_2] : memref<6x8x16384xf32, #tpu.memory_space<hbm>> -> memref<1x1x512xf32, #tpu.memory_space<hbm>>
      %dma_start3A_237 = tpu.memref_squeeze %dma_start3A_236 : memref<1x1x512xf32, #tpu.memory_space<hbm>> -> memref<512xf32, #tpu.memory_space<hbm>>
      %dma_start3A_238 = tpu.memref_slice %arg4[%run_scoped3A, %run_scoped3A_126, %mul3A_2] : memref<6x8x16384xf32, #tpu.memory_space<hbm>> -> memref<1x1x512xf32, #tpu.memory_space<hbm>>
      %dma_start3A_239 = tpu.memref_squeeze %dma_start3A_238 : memref<1x1x512xf32, #tpu.memory_space<hbm>> -> memref<512xf32, #tpu.memory_space<hbm>>
      %dma_start3A_240 = arith.constant 0 : i32
      %dma_start3A_241 = tpu.memref_slice %arg8[%dma_start3A_240] : memref<18432xf32, #tpu.memory_space<vmem>> -> memref<512xf32, #tpu.memory_space<vmem>>
      tpu.enqueue_dma source(%dma_start3A_241 : memref<512xf32, #tpu.memory_space<vmem>>) target(%dma_start3A_239 : memref<512xf32, #tpu.memory_space<hbm>>) target_semaphore(%run_scoped3A_233 : memref<!tpu.dma_semaphore, #tpu.memory_space<semaphore_mem>>)
      %dma_wait3A_242 = arith.constant 0 : i32
      %dma_wait3A_243 = tpu.memref_slice %arg8[%dma_wait3A_242] : memref<18432xf32, #tpu.memory_space<vmem>> -> memref<512xf32, #tpu.memory_space<vmem>>
      %dma_wait3A_244 = tpu.memref_slice %arg4[%run_scoped3A, %run_scoped3A_126, %mul3A_2] : memref<6x8x16384xf32, #tpu.memory_space<hbm>> -> memref<1x1x512xf32, #tpu.memory_space<hbm>>
      %dma_wait3A_245 = tpu.memref_squeeze %dma_wait3A_244 : memref<1x1x512xf32, #tpu.memory_space<hbm>> -> memref<512xf32, #tpu.memory_space<hbm>>
      %dma_wait3A_246 = tpu.memref_slice %arg4[%run_scoped3A, %run_scoped3A_126, %mul3A_2] : memref<6x8x16384xf32, #tpu.memory_space<hbm>> -> memref<1x1x512xf32, #tpu.memory_space<hbm>>
      %dma_wait3A_247 = tpu.memref_squeeze %dma_wait3A_246 : memref<1x1x512xf32, #tpu.memory_space<hbm>> -> memref<512xf32, #tpu.memory_space<hbm>>
      %dma_wait3A_248 = arith.constant 0 : i32
      %dma_wait3A_249 = tpu.memref_slice %arg8[%dma_wait3A_248] : memref<18432xf32, #tpu.memory_space<vmem>> -> memref<512xf32, #tpu.memory_space<vmem>>
      tpu.wait_dma2 semaphore(%run_scoped3A_233 : memref<!tpu.dma_semaphore, #tpu.memory_space<semaphore_mem>>) src(%dma_wait3A_249 : memref<512xf32, #tpu.memory_space<vmem>>) dst(%dma_wait3A_247 : memref<512xf32, #tpu.memory_space<hbm>>)
      tpu.yield
    }) : () -> ()
    %run_scoped3A_127 = arith.constant 0 : i32
    %run_scoped3A_128 = arith.constant 1 : i32
    "tpu.region"() ({
      %run_scoped3A_233 = tpu.sem_alloc : memref<!tpu.dma_semaphore, #tpu.memory_space<semaphore_mem>>
      %dma_start3A_234 = arith.constant 512 : i32
      %dma_start3A_235 = tpu.memref_slice %arg8[%dma_start3A_234] : memref<18432xf32, #tpu.memory_space<vmem>> -> memref<512xf32, #tpu.memory_space<vmem>>
      %dma_start3A_236 = tpu.memref_slice %arg4[%run_scoped3A_127, %run_scoped3A_128, %mul3A_2] : memref<6x8x16384xf32, #tpu.memory_space<hbm>> -> memref<1x1x512xf32, #tpu.memory_space<hbm>>
      %dma_start3A_237 = tpu.memref_squeeze %dma_start3A_236 : memref<1x1x512xf32, #tpu.memory_space<hbm>> -> memref<512xf32, #tpu.memory_space<hbm>>
      %dma_start3A_238 = tpu.memref_slice %arg4[%run_scoped3A_127, %run_scoped3A_128, %mul3A_2] : memref<6x8x16384xf32, #tpu.memory_space<hbm>> -> memref<1x1x512xf32, #tpu.memory_space<hbm>>
      %dma_start3A_239 = tpu.memref_squeeze %dma_start3A_238 : memref<1x1x512xf32, #tpu.memory_space<hbm>> -> memref<512xf32, #tpu.memory_space<hbm>>
      %dma_start3A_240 = arith.constant 512 : i32
      %dma_start3A_241 = tpu.memref_slice %arg8[%dma_start3A_240] : memref<18432xf32, #tpu.memory_space<vmem>> -> memref<512xf32, #tpu.memory_space<vmem>>
      tpu.enqueue_dma source(%dma_start3A_241 : memref<512xf32, #tpu.memory_space<vmem>>) target(%dma_start3A_239 : memref<512xf32, #tpu.memory_space<hbm>>) target_semaphore(%run_scoped3A_233 : memref<!tpu.dma_semaphore, #tpu.memory_space<semaphore_mem>>)
      %dma_wait3A_242 = arith.constant 512 : i32
      %dma_wait3A_243 = tpu.memref_slice %arg8[%dma_wait3A_242] : memref<18432xf32, #tpu.memory_space<vmem>> -> memref<512xf32, #tpu.memory_space<vmem>>
      %dma_wait3A_244 = tpu.memref_slice %arg4[%run_scoped3A_127, %run_scoped3A_128, %mul3A_2] : memref<6x8x16384xf32, #tpu.memory_space<hbm>> -> memref<1x1x512xf32, #tpu.memory_space<hbm>>
      %dma_wait3A_245 = tpu.memref_squeeze %dma_wait3A_244 : memref<1x1x512xf32, #tpu.memory_space<hbm>> -> memref<512xf32, #tpu.memory_space<hbm>>
      %dma_wait3A_246 = tpu.memref_slice %arg4[%run_scoped3A_127, %run_scoped3A_128, %mul3A_2] : memref<6x8x16384xf32, #tpu.memory_space<hbm>> -> memref<1x1x512xf32, #tpu.memory_space<hbm>>
      %dma_wait3A_247 = tpu.memref_squeeze %dma_wait3A_246 : memref<1x1x512xf32, #tpu.memory_space<hbm>> -> memref<512xf32, #tpu.memory_space<hbm>>
      %dma_wait3A_248 = arith.constant 512 : i32
      %dma_wait3A_249 = tpu.memref_slice %arg8[%dma_wait3A_248] : memref<18432xf32, #tpu.memory_space<vmem>> -> memref<512xf32, #tpu.memory_space<vmem>>
      tpu.wait_dma2 semaphore(%run_scoped3A_233 : memref<!tpu.dma_semaphore, #tpu.memory_space<semaphore_mem>>) src(%dma_wait3A_249 : memref<512xf32, #tpu.memory_space<vmem>>) dst(%dma_wait3A_247 : memref<512xf32, #tpu.memory_space<hbm>>)
      tpu.yield
    }) : () -> ()
    %run_scoped3A_129 = arith.constant 0 : i32
    %run_scoped3A_130 = arith.constant 2 : i32
    "tpu.region"() ({
      %run_scoped3A_233 = tpu.sem_alloc : memref<!tpu.dma_semaphore, #tpu.memory_space<semaphore_mem>>
      %dma_start3A_234 = arith.constant 1024 : i32
      %dma_start3A_235 = tpu.memref_slice %arg8[%dma_start3A_234] : memref<18432xf32, #tpu.memory_space<vmem>> -> memref<512xf32, #tpu.memory_space<vmem>>
      %dma_start3A_236 = tpu.memref_slice %arg4[%run_scoped3A_129, %run_scoped3A_130, %mul3A_2] : memref<6x8x16384xf32, #tpu.memory_space<hbm>> -> memref<1x1x512xf32, #tpu.memory_space<hbm>>
      %dma_start3A_237 = tpu.memref_squeeze %dma_start3A_236 : memref<1x1x512xf32, #tpu.memory_space<hbm>> -> memref<512xf32, #tpu.memory_space<hbm>>
      %dma_start3A_238 = tpu.memref_slice %arg4[%run_scoped3A_129, %run_scoped3A_130, %mul3A_2] : memref<6x8x16384xf32, #tpu.memory_space<hbm>> -> memref<1x1x512xf32, #tpu.memory_space<hbm>>
      %dma_start3A_239 = tpu.memref_squeeze %dma_start3A_238 : memref<1x1x512xf32, #tpu.memory_space<hbm>> -> memref<512xf32, #tpu.memory_space<hbm>>
      %dma_start3A_240 = arith.constant 1024 : i32
      %dma_start3A_241 = tpu.memref_slice %arg8[%dma_start3A_240] : memref<18432xf32, #tpu.memory_space<vmem>> -> memref<512xf32, #tpu.memory_space<vmem>>
      tpu.enqueue_dma source(%dma_start3A_241 : memref<512xf32, #tpu.memory_space<vmem>>) target(%dma_start3A_239 : memref<512xf32, #tpu.memory_space<hbm>>) target_semaphore(%run_scoped3A_233 : memref<!tpu.dma_semaphore, #tpu.memory_space<semaphore_mem>>)
      %dma_wait3A_242 = arith.constant 1024 : i32
      %dma_wait3A_243 = tpu.memref_slice %arg8[%dma_wait3A_242] : memref<18432xf32, #tpu.memory_space<vmem>> -> memref<512xf32, #tpu.memory_space<vmem>>
      %dma_wait3A_244 = tpu.memref_slice %arg4[%run_scoped3A_129, %run_scoped3A_130, %mul3A_2] : memref<6x8x16384xf32, #tpu.memory_space<hbm>> -> memref<1x1x512xf32, #tpu.memory_space<hbm>>
      %dma_wait3A_245 = tpu.memref_squeeze %dma_wait3A_244 : memref<1x1x512xf32, #tpu.memory_space<hbm>> -> memref<512xf32, #tpu.memory_space<hbm>>
      %dma_wait3A_246 = tpu.memref_slice %arg4[%run_scoped3A_129, %run_scoped3A_130, %mul3A_2] : memref<6x8x16384xf32, #tpu.memory_space<hbm>> -> memref<1x1x512xf32, #tpu.memory_space<hbm>>
      %dma_wait3A_247 = tpu.memref_squeeze %dma_wait3A_246 : memref<1x1x512xf32, #tpu.memory_space<hbm>> -> memref<512xf32, #tpu.memory_space<hbm>>
      %dma_wait3A_248 = arith.constant 1024 : i32
      %dma_wait3A_249 = tpu.memref_slice %arg8[%dma_wait3A_248] : memref<18432xf32, #tpu.memory_space<vmem>> -> memref<512xf32, #tpu.memory_space<vmem>>
      tpu.wait_dma2 semaphore(%run_scoped3A_233 : memref<!tpu.dma_semaphore, #tpu.memory_space<semaphore_mem>>) src(%dma_wait3A_249 : memref<512xf32, #tpu.memory_space<vmem>>) dst(%dma_wait3A_247 : memref<512xf32, #tpu.memory_space<hbm>>)
      tpu.yield
    }) : () -> ()
    %run_scoped3A_131 = arith.constant 0 : i32
    %run_scoped3A_132 = arith.constant 3 : i32
    "tpu.region"() ({
      %run_scoped3A_233 = tpu.sem_alloc : memref<!tpu.dma_semaphore, #tpu.memory_space<semaphore_mem>>
      %dma_start3A_234 = arith.constant 1536 : i32
      %dma_start3A_235 = tpu.memref_slice %arg8[%dma_start3A_234] : memref<18432xf32, #tpu.memory_space<vmem>> -> memref<512xf32, #tpu.memory_space<vmem>>
      %dma_start3A_236 = tpu.memref_slice %arg4[%run_scoped3A_131, %run_scoped3A_132, %mul3A_2] : memref<6x8x16384xf32, #tpu.memory_space<hbm>> -> memref<1x1x512xf32, #tpu.memory_space<hbm>>
      %dma_start3A_237 = tpu.memref_squeeze %dma_start3A_236 : memref<1x1x512xf32, #tpu.memory_space<hbm>> -> memref<512xf32, #tpu.memory_space<hbm>>
      %dma_start3A_238 = tpu.memref_slice %arg4[%run_scoped3A_131, %run_scoped3A_132, %mul3A_2] : memref<6x8x16384xf32, #tpu.memory_space<hbm>> -> memref<1x1x512xf32, #tpu.memory_space<hbm>>
      %dma_start3A_239 = tpu.memref_squeeze %dma_start3A_238 : memref<1x1x512xf32, #tpu.memory_space<hbm>> -> memref<512xf32, #tpu.memory_space<hbm>>
      %dma_start3A_240 = arith.constant 1536 : i32
      %dma_start3A_241 = tpu.memref_slice %arg8[%dma_start3A_240] : memref<18432xf32, #tpu.memory_space<vmem>> -> memref<512xf32, #tpu.memory_space<vmem>>
      tpu.enqueue_dma source(%dma_start3A_241 : memref<512xf32, #tpu.memory_space<vmem>>) target(%dma_start3A_239 : memref<512xf32, #tpu.memory_space<hbm>>) target_semaphore(%run_scoped3A_233 : memref<!tpu.dma_semaphore, #tpu.memory_space<semaphore_mem>>)
      %dma_wait3A_242 = arith.constant 1536 : i32
      %dma_wait3A_243 = tpu.memref_slice %arg8[%dma_wait3A_242] : memref<18432xf32, #tpu.memory_space<vmem>> -> memref<512xf32, #tpu.memory_space<vmem>>
      %dma_wait3A_244 = tpu.memref_slice %arg4[%run_scoped3A_131, %run_scoped3A_132, %mul3A_2] : memref<6x8x16384xf32, #tpu.memory_space<hbm>> -> memref<1x1x512xf32, #tpu.memory_space<hbm>>
      %dma_wait3A_245 = tpu.memref_squeeze %dma_wait3A_244 : memref<1x1x512xf32, #tpu.memory_space<hbm>> -> memref<512xf32, #tpu.memory_space<hbm>>
      %dma_wait3A_246 = tpu.memref_slice %arg4[%run_scoped3A_131, %run_scoped3A_132, %mul3A_2] : memref<6x8x16384xf32, #tpu.memory_space<hbm>> -> memref<1x1x512xf32, #tpu.memory_space<hbm>>
      %dma_wait3A_247 = tpu.memref_squeeze %dma_wait3A_246 : memref<1x1x512xf32, #tpu.memory_space<hbm>> -> memref<512xf32, #tpu.memory_space<hbm>>
      %dma_wait3A_248 = arith.constant 1536 : i32
      %dma_wait3A_249 = tpu.memref_slice %arg8[%dma_wait3A_248] : memref<18432xf32, #tpu.memory_space<vmem>> -> memref<512xf32, #tpu.memory_space<vmem>>
      tpu.wait_dma2 semaphore(%run_scoped3A_233 : memref<!tpu.dma_semaphore, #tpu.memory_space<semaphore_mem>>) src(%dma_wait3A_249 : memref<512xf32, #tpu.memory_space<vmem>>) dst(%dma_wait3A_247 : memref<512xf32, #tpu.memory_space<hbm>>)
      tpu.yield
    }) : () -> ()
    %run_scoped3A_133 = arith.constant 0 : i32
    %run_scoped3A_134 = arith.constant 4 : i32
    "tpu.region"() ({
      %run_scoped3A_233 = tpu.sem_alloc : memref<!tpu.dma_semaphore, #tpu.memory_space<semaphore_mem>>
      %dma_start3A_234 = arith.constant 2048 : i32
      %dma_start3A_235 = tpu.memref_slice %arg8[%dma_start3A_234] : memref<18432xf32, #tpu.memory_space<vmem>> -> memref<512xf32, #tpu.memory_space<vmem>>
      %dma_start3A_236 = tpu.memref_slice %arg4[%run_scoped3A_133, %run_scoped3A_134, %mul3A_2] : memref<6x8x16384xf32, #tpu.memory_space<hbm>> -> memref<1x1x512xf32, #tpu.memory_space<hbm>>
      %dma_start3A_237 = tpu.memref_squeeze %dma_start3A_236 : memref<1x1x512xf32, #tpu.memory_space<hbm>> -> memref<512xf32, #tpu.memory_space<hbm>>
      %dma_start3A_238 = tpu.memref_slice %arg4[%run_scoped3A_133, %run_scoped3A_134, %mul3A_2] : memref<6x8x16384xf32, #tpu.memory_space<hbm>> -> memref<1x1x512xf32, #tpu.memory_space<hbm>>
      %dma_start3A_239 = tpu.memref_squeeze %dma_start3A_238 : memref<1x1x512xf32, #tpu.memory_space<hbm>> -> memref<512xf32, #tpu.memory_space<hbm>>
      %dma_start3A_240 = arith.constant 2048 : i32
      %dma_start3A_241 = tpu.memref_slice %arg8[%dma_start3A_240] : memref<18432xf32, #tpu.memory_space<vmem>> -> memref<512xf32, #tpu.memory_space<vmem>>
      tpu.enqueue_dma source(%dma_start3A_241 : memref<512xf32, #tpu.memory_space<vmem>>) target(%dma_start3A_239 : memref<512xf32, #tpu.memory_space<hbm>>) target_semaphore(%run_scoped3A_233 : memref<!tpu.dma_semaphore, #tpu.memory_space<semaphore_mem>>)
      %dma_wait3A_242 = arith.constant 2048 : i32
      %dma_wait3A_243 = tpu.memref_slice %arg8[%dma_wait3A_242] : memref<18432xf32, #tpu.memory_space<vmem>> -> memref<512xf32, #tpu.memory_space<vmem>>
      %dma_wait3A_244 = tpu.memref_slice %arg4[%run_scoped3A_133, %run_scoped3A_134, %mul3A_2] : memref<6x8x16384xf32, #tpu.memory_space<hbm>> -> memref<1x1x512xf32, #tpu.memory_space<hbm>>
      %dma_wait3A_245 = tpu.memref_squeeze %dma_wait3A_244 : memref<1x1x512xf32, #tpu.memory_space<hbm>> -> memref<512xf32, #tpu.memory_space<hbm>>
      %dma_wait3A_246 = tpu.memref_slice %arg4[%run_scoped3A_133, %run_scoped3A_134, %mul3A_2] : memref<6x8x16384xf32, #tpu.memory_space<hbm>> -> memref<1x1x512xf32, #tpu.memory_space<hbm>>
      %dma_wait3A_247 = tpu.memref_squeeze %dma_wait3A_246 : memref<1x1x512xf32, #tpu.memory_space<hbm>> -> memref<512xf32, #tpu.memory_space<hbm>>
      %dma_wait3A_248 = arith.constant 2048 : i32
      %dma_wait3A_249 = tpu.memref_slice %arg8[%dma_wait3A_248] : memref<18432xf32, #tpu.memory_space<vmem>> -> memref<512xf32, #tpu.memory_space<vmem>>
      tpu.wait_dma2 semaphore(%run_scoped3A_233 : memref<!tpu.dma_semaphore, #tpu.memory_space<semaphore_mem>>) src(%dma_wait3A_249 : memref<512xf32, #tpu.memory_space<vmem>>) dst(%dma_wait3A_247 : memref<512xf32, #tpu.memory_space<hbm>>)
      tpu.yield
    }) : () -> ()
    %run_scoped3A_135 = arith.constant 0 : i32
    %run_scoped3A_136 = arith.constant 5 : i32
    "tpu.region"() ({
      %run_scoped3A_233 = tpu.sem_alloc : memref<!tpu.dma_semaphore, #tpu.memory_space<semaphore_mem>>
      %dma_start3A_234 = arith.constant 2560 : i32
      %dma_start3A_235 = tpu.memref_slice %arg8[%dma_start3A_234] : memref<18432xf32, #tpu.memory_space<vmem>> -> memref<512xf32, #tpu.memory_space<vmem>>
      %dma_start3A_236 = tpu.memref_slice %arg4[%run_scoped3A_135, %run_scoped3A_136, %mul3A_2] : memref<6x8x16384xf32, #tpu.memory_space<hbm>> -> memref<1x1x512xf32, #tpu.memory_space<hbm>>
      %dma_start3A_237 = tpu.memref_squeeze %dma_start3A_236 : memref<1x1x512xf32, #tpu.memory_space<hbm>> -> memref<512xf32, #tpu.memory_space<hbm>>
      %dma_start3A_238 = tpu.memref_slice %arg4[%run_scoped3A_135, %run_scoped3A_136, %mul3A_2] : memref<6x8x16384xf32, #tpu.memory_space<hbm>> -> memref<1x1x512xf32, #tpu.memory_space<hbm>>
      %dma_start3A_239 = tpu.memref_squeeze %dma_start3A_238 : memref<1x1x512xf32, #tpu.memory_space<hbm>> -> memref<512xf32, #tpu.memory_space<hbm>>
      %dma_start3A_240 = arith.constant 2560 : i32
      %dma_start3A_241 = tpu.memref_slice %arg8[%dma_start3A_240] : memref<18432xf32, #tpu.memory_space<vmem>> -> memref<512xf32, #tpu.memory_space<vmem>>
      tpu.enqueue_dma source(%dma_start3A_241 : memref<512xf32, #tpu.memory_space<vmem>>) target(%dma_start3A_239 : memref<512xf32, #tpu.memory_space<hbm>>) target_semaphore(%run_scoped3A_233 : memref<!tpu.dma_semaphore, #tpu.memory_space<semaphore_mem>>)
      %dma_wait3A_242 = arith.constant 2560 : i32
      %dma_wait3A_243 = tpu.memref_slice %arg8[%dma_wait3A_242] : memref<18432xf32, #tpu.memory_space<vmem>> -> memref<512xf32, #tpu.memory_space<vmem>>
      %dma_wait3A_244 = tpu.memref_slice %arg4[%run_scoped3A_135, %run_scoped3A_136, %mul3A_2] : memref<6x8x16384xf32, #tpu.memory_space<hbm>> -> memref<1x1x512xf32, #tpu.memory_space<hbm>>
      %dma_wait3A_245 = tpu.memref_squeeze %dma_wait3A_244 : memref<1x1x512xf32, #tpu.memory_space<hbm>> -> memref<512xf32, #tpu.memory_space<hbm>>
      %dma_wait3A_246 = tpu.memref_slice %arg4[%run_scoped3A_135, %run_scoped3A_136, %mul3A_2] : memref<6x8x16384xf32, #tpu.memory_space<hbm>> -> memref<1x1x512xf32, #tpu.memory_space<hbm>>
      %dma_wait3A_247 = tpu.memref_squeeze %dma_wait3A_246 : memref<1x1x512xf32, #tpu.memory_space<hbm>> -> memref<512xf32, #tpu.memory_space<hbm>>
      %dma_wait3A_248 = arith.constant 2560 : i32
      %dma_wait3A_249 = tpu.memref_slice %arg8[%dma_wait3A_248] : memref<18432xf32, #tpu.memory_space<vmem>> -> memref<512xf32, #tpu.memory_space<vmem>>
      tpu.wait_dma2 semaphore(%run_scoped3A_233 : memref<!tpu.dma_semaphore, #tpu.memory_space<semaphore_mem>>) src(%dma_wait3A_249 : memref<512xf32, #tpu.memory_space<vmem>>) dst(%dma_wait3A_247 : memref<512xf32, #tpu.memory_space<hbm>>)
      tpu.yield
    }) : () -> ()
    %run_scoped3A_137 = arith.constant 1 : i32
    %run_scoped3A_138 = arith.constant 0 : i32
    "tpu.region"() ({
      %run_scoped3A_233 = tpu.sem_alloc : memref<!tpu.dma_semaphore, #tpu.memory_space<semaphore_mem>>
      %dma_start3A_234 = arith.constant 3072 : i32
      %dma_start3A_235 = tpu.memref_slice %arg8[%dma_start3A_234] : memref<18432xf32, #tpu.memory_space<vmem>> -> memref<512xf32, #tpu.memory_space<vmem>>
      %dma_start3A_236 = tpu.memref_slice %arg4[%run_scoped3A_137, %run_scoped3A_138, %mul3A_2] : memref<6x8x16384xf32, #tpu.memory_space<hbm>> -> memref<1x1x512xf32, #tpu.memory_space<hbm>>
      %dma_start3A_237 = tpu.memref_squeeze %dma_start3A_236 : memref<1x1x512xf32, #tpu.memory_space<hbm>> -> memref<512xf32, #tpu.memory_space<hbm>>
      %dma_start3A_238 = tpu.memref_slice %arg4[%run_scoped3A_137, %run_scoped3A_138, %mul3A_2] : memref<6x8x16384xf32, #tpu.memory_space<hbm>> -> memref<1x1x512xf32, #tpu.memory_space<hbm>>
      %dma_start3A_239 = tpu.memref_squeeze %dma_start3A_238 : memref<1x1x512xf32, #tpu.memory_space<hbm>> -> memref<512xf32, #tpu.memory_space<hbm>>
      %dma_start3A_240 = arith.constant 3072 : i32
      %dma_start3A_241 = tpu.memref_slice %arg8[%dma_start3A_240] : memref<18432xf32, #tpu.memory_space<vmem>> -> memref<512xf32, #tpu.memory_space<vmem>>
      tpu.enqueue_dma source(%dma_start3A_241 : memref<512xf32, #tpu.memory_space<vmem>>) target(%dma_start3A_239 : memref<512xf32, #tpu.memory_space<hbm>>) target_semaphore(%run_scoped3A_233 : memref<!tpu.dma_semaphore, #tpu.memory_space<semaphore_mem>>)
      %dma_wait3A_242 = arith.constant 3072 : i32
      %dma_wait3A_243 = tpu.memref_slice %arg8[%dma_wait3A_242] : memref<18432xf32, #tpu.memory_space<vmem>> -> memref<512xf32, #tpu.memory_space<vmem>>
      %dma_wait3A_244 = tpu.memref_slice %arg4[%run_scoped3A_137, %run_scoped3A_138, %mul3A_2] : memref<6x8x16384xf32, #tpu.memory_space<hbm>> -> memref<1x1x512xf32, #tpu.memory_space<hbm>>
      %dma_wait3A_245 = tpu.memref_squeeze %dma_wait3A_244 : memref<1x1x512xf32, #tpu.memory_space<hbm>> -> memref<512xf32, #tpu.memory_space<hbm>>
      %dma_wait3A_246 = tpu.memref_slice %arg4[%run_scoped3A_137, %run_scoped3A_138, %mul3A_2] : memref<6x8x16384xf32, #tpu.memory_space<hbm>> -> memref<1x1x512xf32, #tpu.memory_space<hbm>>
      %dma_wait3A_247 = tpu.memref_squeeze %dma_wait3A_246 : memref<1x1x512xf32, #tpu.memory_space<hbm>> -> memref<512xf32, #tpu.memory_space<hbm>>
      %dma_wait3A_248 = arith.constant 3072 : i32
      %dma_wait3A_249 = tpu.memref_slice %arg8[%dma_wait3A_248] : memref<18432xf32, #tpu.memory_space<vmem>> -> memref<512xf32, #tpu.memory_space<vmem>>
      tpu.wait_dma2 semaphore(%run_scoped3A_233 : memref<!tpu.dma_semaphore, #tpu.memory_space<semaphore_mem>>) src(%dma_wait3A_249 : memref<512xf32, #tpu.memory_space<vmem>>) dst(%dma_wait3A_247 : memref<512xf32, #tpu.memory_space<hbm>>)
      tpu.yield
    }) : () -> ()
    %run_scoped3A_139 = arith.constant 1 : i32
    %run_scoped3A_140 = arith.constant 1 : i32
    "tpu.region"() ({
      %run_scoped3A_233 = tpu.sem_alloc : memref<!tpu.dma_semaphore, #tpu.memory_space<semaphore_mem>>
      %dma_start3A_234 = arith.constant 3584 : i32
      %dma_start3A_235 = tpu.memref_slice %arg8[%dma_start3A_234] : memref<18432xf32, #tpu.memory_space<vmem>> -> memref<512xf32, #tpu.memory_space<vmem>>
      %dma_start3A_236 = tpu.memref_slice %arg4[%run_scoped3A_139, %run_scoped3A_140, %mul3A_2] : memref<6x8x16384xf32, #tpu.memory_space<hbm>> -> memref<1x1x512xf32, #tpu.memory_space<hbm>>
      %dma_start3A_237 = tpu.memref_squeeze %dma_start3A_236 : memref<1x1x512xf32, #tpu.memory_space<hbm>> -> memref<512xf32, #tpu.memory_space<hbm>>
      %dma_start3A_238 = tpu.memref_slice %arg4[%run_scoped3A_139, %run_scoped3A_140, %mul3A_2] : memref<6x8x16384xf32, #tpu.memory_space<hbm>> -> memref<1x1x512xf32, #tpu.memory_space<hbm>>
      %dma_start3A_239 = tpu.memref_squeeze %dma_start3A_238 : memref<1x1x512xf32, #tpu.memory_space<hbm>> -> memref<512xf32, #tpu.memory_space<hbm>>
      %dma_start3A_240 = arith.constant 3584 : i32
      %dma_start3A_241 = tpu.memref_slice %arg8[%dma_start3A_240] : memref<18432xf32, #tpu.memory_space<vmem>> -> memref<512xf32, #tpu.memory_space<vmem>>
      tpu.enqueue_dma source(%dma_start3A_241 : memref<512xf32, #tpu.memory_space<vmem>>) target(%dma_start3A_239 : memref<512xf32, #tpu.memory_space<hbm>>) target_semaphore(%run_scoped3A_233 : memref<!tpu.dma_semaphore, #tpu.memory_space<semaphore_mem>>)
      %dma_wait3A_242 = arith.constant 3584 : i32
      %dma_wait3A_243 = tpu.memref_slice %arg8[%dma_wait3A_242] : memref<18432xf32, #tpu.memory_space<vmem>> -> memref<512xf32, #tpu.memory_space<vmem>>
      %dma_wait3A_244 = tpu.memref_slice %arg4[%run_scoped3A_139, %run_scoped3A_140, %mul3A_2] : memref<6x8x16384xf32, #tpu.memory_space<hbm>> -> memref<1x1x512xf32, #tpu.memory_space<hbm>>
      %dma_wait3A_245 = tpu.memref_squeeze %dma_wait3A_244 : memref<1x1x512xf32, #tpu.memory_space<hbm>> -> memref<512xf32, #tpu.memory_space<hbm>>
      %dma_wait3A_246 = tpu.memref_slice %arg4[%run_scoped3A_139, %run_scoped3A_140, %mul3A_2] : memref<6x8x16384xf32, #tpu.memory_space<hbm>> -> memref<1x1x512xf32, #tpu.memory_space<hbm>>
      %dma_wait3A_247 = tpu.memref_squeeze %dma_wait3A_246 : memref<1x1x512xf32, #tpu.memory_space<hbm>> -> memref<512xf32, #tpu.memory_space<hbm>>
      %dma_wait3A_248 = arith.constant 3584 : i32
      %dma_wait3A_249 = tpu.memref_slice %arg8[%dma_wait3A_248] : memref<18432xf32, #tpu.memory_space<vmem>> -> memref<512xf32, #tpu.memory_space<vmem>>
      tpu.wait_dma2 semaphore(%run_scoped3A_233 : memref<!tpu.dma_semaphore, #tpu.memory_space<semaphore_mem>>) src(%dma_wait3A_249 : memref<512xf32, #tpu.memory_space<vmem>>) dst(%dma_wait3A_247 : memref<512xf32, #tpu.memory_space<hbm>>)
      tpu.yield
    }) : () -> ()
    %run_scoped3A_141 = arith.constant 1 : i32
    %run_scoped3A_142 = arith.constant 2 : i32
    "tpu.region"() ({
      %run_scoped3A_233 = tpu.sem_alloc : memref<!tpu.dma_semaphore, #tpu.memory_space<semaphore_mem>>
      %dma_start3A_234 = arith.constant 4096 : i32
      %dma_start3A_235 = tpu.memref_slice %arg8[%dma_start3A_234] : memref<18432xf32, #tpu.memory_space<vmem>> -> memref<512xf32, #tpu.memory_space<vmem>>
      %dma_start3A_236 = tpu.memref_slice %arg4[%run_scoped3A_141, %run_scoped3A_142, %mul3A_2] : memref<6x8x16384xf32, #tpu.memory_space<hbm>> -> memref<1x1x512xf32, #tpu.memory_space<hbm>>
      %dma_start3A_237 = tpu.memref_squeeze %dma_start3A_236 : memref<1x1x512xf32, #tpu.memory_space<hbm>> -> memref<512xf32, #tpu.memory_space<hbm>>
      %dma_start3A_238 = tpu.memref_slice %arg4[%run_scoped3A_141, %run_scoped3A_142, %mul3A_2] : memref<6x8x16384xf32, #tpu.memory_space<hbm>> -> memref<1x1x512xf32, #tpu.memory_space<hbm>>
      %dma_start3A_239 = tpu.memref_squeeze %dma_start3A_238 : memref<1x1x512xf32, #tpu.memory_space<hbm>> -> memref<512xf32, #tpu.memory_space<hbm>>
      %dma_start3A_240 = arith.constant 4096 : i32
      %dma_start3A_241 = tpu.memref_slice %arg8[%dma_start3A_240] : memref<18432xf32, #tpu.memory_space<vmem>> -> memref<512xf32, #tpu.memory_space<vmem>>
      tpu.enqueue_dma source(%dma_start3A_241 : memref<512xf32, #tpu.memory_space<vmem>>) target(%dma_start3A_239 : memref<512xf32, #tpu.memory_space<hbm>>) target_semaphore(%run_scoped3A_233 : memref<!tpu.dma_semaphore, #tpu.memory_space<semaphore_mem>>)
      %dma_wait3A_242 = arith.constant 4096 : i32
      %dma_wait3A_243 = tpu.memref_slice %arg8[%dma_wait3A_242] : memref<18432xf32, #tpu.memory_space<vmem>> -> memref<512xf32, #tpu.memory_space<vmem>>
      %dma_wait3A_244 = tpu.memref_slice %arg4[%run_scoped3A_141, %run_scoped3A_142, %mul3A_2] : memref<6x8x16384xf32, #tpu.memory_space<hbm>> -> memref<1x1x512xf32, #tpu.memory_space<hbm>>
      %dma_wait3A_245 = tpu.memref_squeeze %dma_wait3A_244 : memref<1x1x512xf32, #tpu.memory_space<hbm>> -> memref<512xf32, #tpu.memory_space<hbm>>
      %dma_wait3A_246 = tpu.memref_slice %arg4[%run_scoped3A_141, %run_scoped3A_142, %mul3A_2] : memref<6x8x16384xf32, #tpu.memory_space<hbm>> -> memref<1x1x512xf32, #tpu.memory_space<hbm>>
      %dma_wait3A_247 = tpu.memref_squeeze %dma_wait3A_246 : memref<1x1x512xf32, #tpu.memory_space<hbm>> -> memref<512xf32, #tpu.memory_space<hbm>>
      %dma_wait3A_248 = arith.constant 4096 : i32
      %dma_wait3A_249 = tpu.memref_slice %arg8[%dma_wait3A_248] : memref<18432xf32, #tpu.memory_space<vmem>> -> memref<512xf32, #tpu.memory_space<vmem>>
      tpu.wait_dma2 semaphore(%run_scoped3A_233 : memref<!tpu.dma_semaphore, #tpu.memory_space<semaphore_mem>>) src(%dma_wait3A_249 : memref<512xf32, #tpu.memory_space<vmem>>) dst(%dma_wait3A_247 : memref<512xf32, #tpu.memory_space<hbm>>)
      tpu.yield
    }) : () -> ()
    %run_scoped3A_143 = arith.constant 1 : i32
    %run_scoped3A_144 = arith.constant 3 : i32
    "tpu.region"() ({
      %run_scoped3A_233 = tpu.sem_alloc : memref<!tpu.dma_semaphore, #tpu.memory_space<semaphore_mem>>
      %dma_start3A_234 = arith.constant 4608 : i32
      %dma_start3A_235 = tpu.memref_slice %arg8[%dma_start3A_234] : memref<18432xf32, #tpu.memory_space<vmem>> -> memref<512xf32, #tpu.memory_space<vmem>>
      %dma_start3A_236 = tpu.memref_slice %arg4[%run_scoped3A_143, %run_scoped3A_144, %mul3A_2] : memref<6x8x16384xf32, #tpu.memory_space<hbm>> -> memref<1x1x512xf32, #tpu.memory_space<hbm>>
      %dma_start3A_237 = tpu.memref_squeeze %dma_start3A_236 : memref<1x1x512xf32, #tpu.memory_space<hbm>> -> memref<512xf32, #tpu.memory_space<hbm>>
      %dma_start3A_238 = tpu.memref_slice %arg4[%run_scoped3A_143, %run_scoped3A_144, %mul3A_2] : memref<6x8x16384xf32, #tpu.memory_space<hbm>> -> memref<1x1x512xf32, #tpu.memory_space<hbm>>
      %dma_start3A_239 = tpu.memref_squeeze %dma_start3A_238 : memref<1x1x512xf32, #tpu.memory_space<hbm>> -> memref<512xf32, #tpu.memory_space<hbm>>
      %dma_start3A_240 = arith.constant 4608 : i32
      %dma_start3A_241 = tpu.memref_slice %arg8[%dma_start3A_240] : memref<18432xf32, #tpu.memory_space<vmem>> -> memref<512xf32, #tpu.memory_space<vmem>>
      tpu.enqueue_dma source(%dma_start3A_241 : memref<512xf32, #tpu.memory_space<vmem>>) target(%dma_start3A_239 : memref<512xf32, #tpu.memory_space<hbm>>) target_semaphore(%run_scoped3A_233 : memref<!tpu.dma_semaphore, #tpu.memory_space<semaphore_mem>>)
      %dma_wait3A_242 = arith.constant 4608 : i32
      %dma_wait3A_243 = tpu.memref_slice %arg8[%dma_wait3A_242] : memref<18432xf32, #tpu.memory_space<vmem>> -> memref<512xf32, #tpu.memory_space<vmem>>
      %dma_wait3A_244 = tpu.memref_slice %arg4[%run_scoped3A_143, %run_scoped3A_144, %mul3A_2] : memref<6x8x16384xf32, #tpu.memory_space<hbm>> -> memref<1x1x512xf32, #tpu.memory_space<hbm>>
      %dma_wait3A_245 = tpu.memref_squeeze %dma_wait3A_244 : memref<1x1x512xf32, #tpu.memory_space<hbm>> -> memref<512xf32, #tpu.memory_space<hbm>>
      %dma_wait3A_246 = tpu.memref_slice %arg4[%run_scoped3A_143, %run_scoped3A_144, %mul3A_2] : memref<6x8x16384xf32, #tpu.memory_space<hbm>> -> memref<1x1x512xf32, #tpu.memory_space<hbm>>
      %dma_wait3A_247 = tpu.memref_squeeze %dma_wait3A_246 : memref<1x1x512xf32, #tpu.memory_space<hbm>> -> memref<512xf32, #tpu.memory_space<hbm>>
      %dma_wait3A_248 = arith.constant 4608 : i32
      %dma_wait3A_249 = tpu.memref_slice %arg8[%dma_wait3A_248] : memref<18432xf32, #tpu.memory_space<vmem>> -> memref<512xf32, #tpu.memory_space<vmem>>
      tpu.wait_dma2 semaphore(%run_scoped3A_233 : memref<!tpu.dma_semaphore, #tpu.memory_space<semaphore_mem>>) src(%dma_wait3A_249 : memref<512xf32, #tpu.memory_space<vmem>>) dst(%dma_wait3A_247 : memref<512xf32, #tpu.memory_space<hbm>>)
      tpu.yield
    }) : () -> ()
    %run_scoped3A_145 = arith.constant 1 : i32
    %run_scoped3A_146 = arith.constant 4 : i32
    "tpu.region"() ({
      %run_scoped3A_233 = tpu.sem_alloc : memref<!tpu.dma_semaphore, #tpu.memory_space<semaphore_mem>>
      %dma_start3A_234 = arith.constant 5120 : i32
      %dma_start3A_235 = tpu.memref_slice %arg8[%dma_start3A_234] : memref<18432xf32, #tpu.memory_space<vmem>> -> memref<512xf32, #tpu.memory_space<vmem>>
      %dma_start3A_236 = tpu.memref_slice %arg4[%run_scoped3A_145, %run_scoped3A_146, %mul3A_2] : memref<6x8x16384xf32, #tpu.memory_space<hbm>> -> memref<1x1x512xf32, #tpu.memory_space<hbm>>
      %dma_start3A_237 = tpu.memref_squeeze %dma_start3A_236 : memref<1x1x512xf32, #tpu.memory_space<hbm>> -> memref<512xf32, #tpu.memory_space<hbm>>
      %dma_start3A_238 = tpu.memref_slice %arg4[%run_scoped3A_145, %run_scoped3A_146, %mul3A_2] : memref<6x8x16384xf32, #tpu.memory_space<hbm>> -> memref<1x1x512xf32, #tpu.memory_space<hbm>>
      %dma_start3A_239 = tpu.memref_squeeze %dma_start3A_238 : memref<1x1x512xf32, #tpu.memory_space<hbm>> -> memref<512xf32, #tpu.memory_space<hbm>>
      %dma_start3A_240 = arith.constant 5120 : i32
      %dma_start3A_241 = tpu.memref_slice %arg8[%dma_start3A_240] : memref<18432xf32, #tpu.memory_space<vmem>> -> memref<512xf32, #tpu.memory_space<vmem>>
      tpu.enqueue_dma source(%dma_start3A_241 : memref<512xf32, #tpu.memory_space<vmem>>) target(%dma_start3A_239 : memref<512xf32, #tpu.memory_space<hbm>>) target_semaphore(%run_scoped3A_233 : memref<!tpu.dma_semaphore, #tpu.memory_space<semaphore_mem>>)
      %dma_wait3A_242 = arith.constant 5120 : i32
      %dma_wait3A_243 = tpu.memref_slice %arg8[%dma_wait3A_242] : memref<18432xf32, #tpu.memory_space<vmem>> -> memref<512xf32, #tpu.memory_space<vmem>>
      %dma_wait3A_244 = tpu.memref_slice %arg4[%run_scoped3A_145, %run_scoped3A_146, %mul3A_2] : memref<6x8x16384xf32, #tpu.memory_space<hbm>> -> memref<1x1x512xf32, #tpu.memory_space<hbm>>
      %dma_wait3A_245 = tpu.memref_squeeze %dma_wait3A_244 : memref<1x1x512xf32, #tpu.memory_space<hbm>> -> memref<512xf32, #tpu.memory_space<hbm>>
      %dma_wait3A_246 = tpu.memref_slice %arg4[%run_scoped3A_145, %run_scoped3A_146, %mul3A_2] : memref<6x8x16384xf32, #tpu.memory_space<hbm>> -> memref<1x1x512xf32, #tpu.memory_space<hbm>>
      %dma_wait3A_247 = tpu.memref_squeeze %dma_wait3A_246 : memref<1x1x512xf32, #tpu.memory_space<hbm>> -> memref<512xf32, #tpu.memory_space<hbm>>
      %dma_wait3A_248 = arith.constant 5120 : i32
      %dma_wait3A_249 = tpu.memref_slice %arg8[%dma_wait3A_248] : memref<18432xf32, #tpu.memory_space<vmem>> -> memref<512xf32, #tpu.memory_space<vmem>>
      tpu.wait_dma2 semaphore(%run_scoped3A_233 : memref<!tpu.dma_semaphore, #tpu.memory_space<semaphore_mem>>) src(%dma_wait3A_249 : memref<512xf32, #tpu.memory_space<vmem>>) dst(%dma_wait3A_247 : memref<512xf32, #tpu.memory_space<hbm>>)
      tpu.yield
    }) : () -> ()
    %run_scoped3A_147 = arith.constant 1 : i32
    %run_scoped3A_148 = arith.constant 5 : i32
    "tpu.region"() ({
      %run_scoped3A_233 = tpu.sem_alloc : memref<!tpu.dma_semaphore, #tpu.memory_space<semaphore_mem>>
      %dma_start3A_234 = arith.constant 5632 : i32
      %dma_start3A_235 = tpu.memref_slice %arg8[%dma_start3A_234] : memref<18432xf32, #tpu.memory_space<vmem>> -> memref<512xf32, #tpu.memory_space<vmem>>
      %dma_start3A_236 = tpu.memref_slice %arg4[%run_scoped3A_147, %run_scoped3A_148, %mul3A_2] : memref<6x8x16384xf32, #tpu.memory_space<hbm>> -> memref<1x1x512xf32, #tpu.memory_space<hbm>>
      %dma_start3A_237 = tpu.memref_squeeze %dma_start3A_236 : memref<1x1x512xf32, #tpu.memory_space<hbm>> -> memref<512xf32, #tpu.memory_space<hbm>>
      %dma_start3A_238 = tpu.memref_slice %arg4[%run_scoped3A_147, %run_scoped3A_148, %mul3A_2] : memref<6x8x16384xf32, #tpu.memory_space<hbm>> -> memref<1x1x512xf32, #tpu.memory_space<hbm>>
      %dma_start3A_239 = tpu.memref_squeeze %dma_start3A_238 : memref<1x1x512xf32, #tpu.memory_space<hbm>> -> memref<512xf32, #tpu.memory_space<hbm>>
      %dma_start3A_240 = arith.constant 5632 : i32
      %dma_start3A_241 = tpu.memref_slice %arg8[%dma_start3A_240] : memref<18432xf32, #tpu.memory_space<vmem>> -> memref<512xf32, #tpu.memory_space<vmem>>
      tpu.enqueue_dma source(%dma_start3A_241 : memref<512xf32, #tpu.memory_space<vmem>>) target(%dma_start3A_239 : memref<512xf32, #tpu.memory_space<hbm>>) target_semaphore(%run_scoped3A_233 : memref<!tpu.dma_semaphore, #tpu.memory_space<semaphore_mem>>)
      %dma_wait3A_242 = arith.constant 5632 : i32
      %dma_wait3A_243 = tpu.memref_slice %arg8[%dma_wait3A_242] : memref<18432xf32, #tpu.memory_space<vmem>> -> memref<512xf32, #tpu.memory_space<vmem>>
      %dma_wait3A_244 = tpu.memref_slice %arg4[%run_scoped3A_147, %run_scoped3A_148, %mul3A_2] : memref<6x8x16384xf32, #tpu.memory_space<hbm>> -> memref<1x1x512xf32, #tpu.memory_space<hbm>>
      %dma_wait3A_245 = tpu.memref_squeeze %dma_wait3A_244 : memref<1x1x512xf32, #tpu.memory_space<hbm>> -> memref<512xf32, #tpu.memory_space<hbm>>
      %dma_wait3A_246 = tpu.memref_slice %arg4[%run_scoped3A_147, %run_scoped3A_148, %mul3A_2] : memref<6x8x16384xf32, #tpu.memory_space<hbm>> -> memref<1x1x512xf32, #tpu.memory_space<hbm>>
      %dma_wait3A_247 = tpu.memref_squeeze %dma_wait3A_246 : memref<1x1x512xf32, #tpu.memory_space<hbm>> -> memref<512xf32, #tpu.memory_space<hbm>>
      %dma_wait3A_248 = arith.constant 5632 : i32
      %dma_wait3A_249 = tpu.memref_slice %arg8[%dma_wait3A_248] : memref<18432xf32, #tpu.memory_space<vmem>> -> memref<512xf32, #tpu.memory_space<vmem>>
      tpu.wait_dma2 semaphore(%run_scoped3A_233 : memref<!tpu.dma_semaphore, #tpu.memory_space<semaphore_mem>>) src(%dma_wait3A_249 : memref<512xf32, #tpu.memory_space<vmem>>) dst(%dma_wait3A_247 : memref<512xf32, #tpu.memory_space<hbm>>)
      tpu.yield
    }) : () -> ()
    %run_scoped3A_149 = arith.constant 2 : i32
    %run_scoped3A_150 = arith.constant 0 : i32
    "tpu.region"() ({
      %run_scoped3A_233 = tpu.sem_alloc : memref<!tpu.dma_semaphore, #tpu.memory_space<semaphore_mem>>
      %dma_start3A_234 = arith.constant 6144 : i32
      %dma_start3A_235 = tpu.memref_slice %arg8[%dma_start3A_234] : memref<18432xf32, #tpu.memory_space<vmem>> -> memref<512xf32, #tpu.memory_space<vmem>>
      %dma_start3A_236 = tpu.memref_slice %arg4[%run_scoped3A_149, %run_scoped3A_150, %mul3A_2] : memref<6x8x16384xf32, #tpu.memory_space<hbm>> -> memref<1x1x512xf32, #tpu.memory_space<hbm>>
      %dma_start3A_237 = tpu.memref_squeeze %dma_start3A_236 : memref<1x1x512xf32, #tpu.memory_space<hbm>> -> memref<512xf32, #tpu.memory_space<hbm>>
      %dma_start3A_238 = tpu.memref_slice %arg4[%run_scoped3A_149, %run_scoped3A_150, %mul3A_2] : memref<6x8x16384xf32, #tpu.memory_space<hbm>> -> memref<1x1x512xf32, #tpu.memory_space<hbm>>
      %dma_start3A_239 = tpu.memref_squeeze %dma_start3A_238 : memref<1x1x512xf32, #tpu.memory_space<hbm>> -> memref<512xf32, #tpu.memory_space<hbm>>
      %dma_start3A_240 = arith.constant 6144 : i32
      %dma_start3A_241 = tpu.memref_slice %arg8[%dma_start3A_240] : memref<18432xf32, #tpu.memory_space<vmem>> -> memref<512xf32, #tpu.memory_space<vmem>>
      tpu.enqueue_dma source(%dma_start3A_241 : memref<512xf32, #tpu.memory_space<vmem>>) target(%dma_start3A_239 : memref<512xf32, #tpu.memory_space<hbm>>) target_semaphore(%run_scoped3A_233 : memref<!tpu.dma_semaphore, #tpu.memory_space<semaphore_mem>>)
      %dma_wait3A_242 = arith.constant 6144 : i32
      %dma_wait3A_243 = tpu.memref_slice %arg8[%dma_wait3A_242] : memref<18432xf32, #tpu.memory_space<vmem>> -> memref<512xf32, #tpu.memory_space<vmem>>
      %dma_wait3A_244 = tpu.memref_slice %arg4[%run_scoped3A_149, %run_scoped3A_150, %mul3A_2] : memref<6x8x16384xf32, #tpu.memory_space<hbm>> -> memref<1x1x512xf32, #tpu.memory_space<hbm>>
      %dma_wait3A_245 = tpu.memref_squeeze %dma_wait3A_244 : memref<1x1x512xf32, #tpu.memory_space<hbm>> -> memref<512xf32, #tpu.memory_space<hbm>>
      %dma_wait3A_246 = tpu.memref_slice %arg4[%run_scoped3A_149, %run_scoped3A_150, %mul3A_2] : memref<6x8x16384xf32, #tpu.memory_space<hbm>> -> memref<1x1x512xf32, #tpu.memory_space<hbm>>
      %dma_wait3A_247 = tpu.memref_squeeze %dma_wait3A_246 : memref<1x1x512xf32, #tpu.memory_space<hbm>> -> memref<512xf32, #tpu.memory_space<hbm>>
      %dma_wait3A_248 = arith.constant 6144 : i32
      %dma_wait3A_249 = tpu.memref_slice %arg8[%dma_wait3A_248] : memref<18432xf32, #tpu.memory_space<vmem>> -> memref<512xf32, #tpu.memory_space<vmem>>
      tpu.wait_dma2 semaphore(%run_scoped3A_233 : memref<!tpu.dma_semaphore, #tpu.memory_space<semaphore_mem>>) src(%dma_wait3A_249 : memref<512xf32, #tpu.memory_space<vmem>>) dst(%dma_wait3A_247 : memref<512xf32, #tpu.memory_space<hbm>>)
      tpu.yield
    }) : () -> ()
    %run_scoped3A_151 = arith.constant 2 : i32
    %run_scoped3A_152 = arith.constant 1 : i32
    "tpu.region"() ({
      %run_scoped3A_233 = tpu.sem_alloc : memref<!tpu.dma_semaphore, #tpu.memory_space<semaphore_mem>>
      %dma_start3A_234 = arith.constant 6656 : i32
      %dma_start3A_235 = tpu.memref_slice %arg8[%dma_start3A_234] : memref<18432xf32, #tpu.memory_space<vmem>> -> memref<512xf32, #tpu.memory_space<vmem>>
      %dma_start3A_236 = tpu.memref_slice %arg4[%run_scoped3A_151, %run_scoped3A_152, %mul3A_2] : memref<6x8x16384xf32, #tpu.memory_space<hbm>> -> memref<1x1x512xf32, #tpu.memory_space<hbm>>
      %dma_start3A_237 = tpu.memref_squeeze %dma_start3A_236 : memref<1x1x512xf32, #tpu.memory_space<hbm>> -> memref<512xf32, #tpu.memory_space<hbm>>
      %dma_start3A_238 = tpu.memref_slice %arg4[%run_scoped3A_151, %run_scoped3A_152, %mul3A_2] : memref<6x8x16384xf32, #tpu.memory_space<hbm>> -> memref<1x1x512xf32, #tpu.memory_space<hbm>>
      %dma_start3A_239 = tpu.memref_squeeze %dma_start3A_238 : memref<1x1x512xf32, #tpu.memory_space<hbm>> -> memref<512xf32, #tpu.memory_space<hbm>>
      %dma_start3A_240 = arith.constant 6656 : i32
      %dma_start3A_241 = tpu.memref_slice %arg8[%dma_start3A_240] : memref<18432xf32, #tpu.memory_space<vmem>> -> memref<512xf32, #tpu.memory_space<vmem>>
      tpu.enqueue_dma source(%dma_start3A_241 : memref<512xf32, #tpu.memory_space<vmem>>) target(%dma_start3A_239 : memref<512xf32, #tpu.memory_space<hbm>>) target_semaphore(%run_scoped3A_233 : memref<!tpu.dma_semaphore, #tpu.memory_space<semaphore_mem>>)
      %dma_wait3A_242 = arith.constant 6656 : i32
      %dma_wait3A_243 = tpu.memref_slice %arg8[%dma_wait3A_242] : memref<18432xf32, #tpu.memory_space<vmem>> -> memref<512xf32, #tpu.memory_space<vmem>>
      %dma_wait3A_244 = tpu.memref_slice %arg4[%run_scoped3A_151, %run_scoped3A_152, %mul3A_2] : memref<6x8x16384xf32, #tpu.memory_space<hbm>> -> memref<1x1x512xf32, #tpu.memory_space<hbm>>
      %dma_wait3A_245 = tpu.memref_squeeze %dma_wait3A_244 : memref<1x1x512xf32, #tpu.memory_space<hbm>> -> memref<512xf32, #tpu.memory_space<hbm>>
      %dma_wait3A_246 = tpu.memref_slice %arg4[%run_scoped3A_151, %run_scoped3A_152, %mul3A_2] : memref<6x8x16384xf32, #tpu.memory_space<hbm>> -> memref<1x1x512xf32, #tpu.memory_space<hbm>>
      %dma_wait3A_247 = tpu.memref_squeeze %dma_wait3A_246 : memref<1x1x512xf32, #tpu.memory_space<hbm>> -> memref<512xf32, #tpu.memory_space<hbm>>
      %dma_wait3A_248 = arith.constant 6656 : i32
      %dma_wait3A_249 = tpu.memref_slice %arg8[%dma_wait3A_248] : memref<18432xf32, #tpu.memory_space<vmem>> -> memref<512xf32, #tpu.memory_space<vmem>>
      tpu.wait_dma2 semaphore(%run_scoped3A_233 : memref<!tpu.dma_semaphore, #tpu.memory_space<semaphore_mem>>) src(%dma_wait3A_249 : memref<512xf32, #tpu.memory_space<vmem>>) dst(%dma_wait3A_247 : memref<512xf32, #tpu.memory_space<hbm>>)
      tpu.yield
    }) : () -> ()
    %run_scoped3A_153 = arith.constant 2 : i32
    %run_scoped3A_154 = arith.constant 2 : i32
    "tpu.region"() ({
      %run_scoped3A_233 = tpu.sem_alloc : memref<!tpu.dma_semaphore, #tpu.memory_space<semaphore_mem>>
      %dma_start3A_234 = arith.constant 7168 : i32
      %dma_start3A_235 = tpu.memref_slice %arg8[%dma_start3A_234] : memref<18432xf32, #tpu.memory_space<vmem>> -> memref<512xf32, #tpu.memory_space<vmem>>
      %dma_start3A_236 = tpu.memref_slice %arg4[%run_scoped3A_153, %run_scoped3A_154, %mul3A_2] : memref<6x8x16384xf32, #tpu.memory_space<hbm>> -> memref<1x1x512xf32, #tpu.memory_space<hbm>>
      %dma_start3A_237 = tpu.memref_squeeze %dma_start3A_236 : memref<1x1x512xf32, #tpu.memory_space<hbm>> -> memref<512xf32, #tpu.memory_space<hbm>>
      %dma_start3A_238 = tpu.memref_slice %arg4[%run_scoped3A_153, %run_scoped3A_154, %mul3A_2] : memref<6x8x16384xf32, #tpu.memory_space<hbm>> -> memref<1x1x512xf32, #tpu.memory_space<hbm>>
      %dma_start3A_239 = tpu.memref_squeeze %dma_start3A_238 : memref<1x1x512xf32, #tpu.memory_space<hbm>> -> memref<512xf32, #tpu.memory_space<hbm>>
      %dma_start3A_240 = arith.constant 7168 : i32
      %dma_start3A_241 = tpu.memref_slice %arg8[%dma_start3A_240] : memref<18432xf32, #tpu.memory_space<vmem>> -> memref<512xf32, #tpu.memory_space<vmem>>
      tpu.enqueue_dma source(%dma_start3A_241 : memref<512xf32, #tpu.memory_space<vmem>>) target(%dma_start3A_239 : memref<512xf32, #tpu.memory_space<hbm>>) target_semaphore(%run_scoped3A_233 : memref<!tpu.dma_semaphore, #tpu.memory_space<semaphore_mem>>)
      %dma_wait3A_242 = arith.constant 7168 : i32
      %dma_wait3A_243 = tpu.memref_slice %arg8[%dma_wait3A_242] : memref<18432xf32, #tpu.memory_space<vmem>> -> memref<512xf32, #tpu.memory_space<vmem>>
      %dma_wait3A_244 = tpu.memref_slice %arg4[%run_scoped3A_153, %run_scoped3A_154, %mul3A_2] : memref<6x8x16384xf32, #tpu.memory_space<hbm>> -> memref<1x1x512xf32, #tpu.memory_space<hbm>>
      %dma_wait3A_245 = tpu.memref_squeeze %dma_wait3A_244 : memref<1x1x512xf32, #tpu.memory_space<hbm>> -> memref<512xf32, #tpu.memory_space<hbm>>
      %dma_wait3A_246 = tpu.memref_slice %arg4[%run_scoped3A_153, %run_scoped3A_154, %mul3A_2] : memref<6x8x16384xf32, #tpu.memory_space<hbm>> -> memref<1x1x512xf32, #tpu.memory_space<hbm>>
      %dma_wait3A_247 = tpu.memref_squeeze %dma_wait3A_246 : memref<1x1x512xf32, #tpu.memory_space<hbm>> -> memref<512xf32, #tpu.memory_space<hbm>>
      %dma_wait3A_248 = arith.constant 7168 : i32
      %dma_wait3A_249 = tpu.memref_slice %arg8[%dma_wait3A_248] : memref<18432xf32, #tpu.memory_space<vmem>> -> memref<512xf32, #tpu.memory_space<vmem>>
      tpu.wait_dma2 semaphore(%run_scoped3A_233 : memref<!tpu.dma_semaphore, #tpu.memory_space<semaphore_mem>>) src(%dma_wait3A_249 : memref<512xf32, #tpu.memory_space<vmem>>) dst(%dma_wait3A_247 : memref<512xf32, #tpu.memory_space<hbm>>)
      tpu.yield
    }) : () -> ()
    %run_scoped3A_155 = arith.constant 2 : i32
    %run_scoped3A_156 = arith.constant 3 : i32
    "tpu.region"() ({
      %run_scoped3A_233 = tpu.sem_alloc : memref<!tpu.dma_semaphore, #tpu.memory_space<semaphore_mem>>
      %dma_start3A_234 = arith.constant 7680 : i32
      %dma_start3A_235 = tpu.memref_slice %arg8[%dma_start3A_234] : memref<18432xf32, #tpu.memory_space<vmem>> -> memref<512xf32, #tpu.memory_space<vmem>>
      %dma_start3A_236 = tpu.memref_slice %arg4[%run_scoped3A_155, %run_scoped3A_156, %mul3A_2] : memref<6x8x16384xf32, #tpu.memory_space<hbm>> -> memref<1x1x512xf32, #tpu.memory_space<hbm>>
      %dma_start3A_237 = tpu.memref_squeeze %dma_start3A_236 : memref<1x1x512xf32, #tpu.memory_space<hbm>> -> memref<512xf32, #tpu.memory_space<hbm>>
      %dma_start3A_238 = tpu.memref_slice %arg4[%run_scoped3A_155, %run_scoped3A_156, %mul3A_2] : memref<6x8x16384xf32, #tpu.memory_space<hbm>> -> memref<1x1x512xf32, #tpu.memory_space<hbm>>
      %dma_start3A_239 = tpu.memref_squeeze %dma_start3A_238 : memref<1x1x512xf32, #tpu.memory_space<hbm>> -> memref<512xf32, #tpu.memory_space<hbm>>
      %dma_start3A_240 = arith.constant 7680 : i32
      %dma_start3A_241 = tpu.memref_slice %arg8[%dma_start3A_240] : memref<18432xf32, #tpu.memory_space<vmem>> -> memref<512xf32, #tpu.memory_space<vmem>>
      tpu.enqueue_dma source(%dma_start3A_241 : memref<512xf32, #tpu.memory_space<vmem>>) target(%dma_start3A_239 : memref<512xf32, #tpu.memory_space<hbm>>) target_semaphore(%run_scoped3A_233 : memref<!tpu.dma_semaphore, #tpu.memory_space<semaphore_mem>>)
      %dma_wait3A_242 = arith.constant 7680 : i32
      %dma_wait3A_243 = tpu.memref_slice %arg8[%dma_wait3A_242] : memref<18432xf32, #tpu.memory_space<vmem>> -> memref<512xf32, #tpu.memory_space<vmem>>
      %dma_wait3A_244 = tpu.memref_slice %arg4[%run_scoped3A_155, %run_scoped3A_156, %mul3A_2] : memref<6x8x16384xf32, #tpu.memory_space<hbm>> -> memref<1x1x512xf32, #tpu.memory_space<hbm>>
      %dma_wait3A_245 = tpu.memref_squeeze %dma_wait3A_244 : memref<1x1x512xf32, #tpu.memory_space<hbm>> -> memref<512xf32, #tpu.memory_space<hbm>>
      %dma_wait3A_246 = tpu.memref_slice %arg4[%run_scoped3A_155, %run_scoped3A_156, %mul3A_2] : memref<6x8x16384xf32, #tpu.memory_space<hbm>> -> memref<1x1x512xf32, #tpu.memory_space<hbm>>
      %dma_wait3A_247 = tpu.memref_squeeze %dma_wait3A_246 : memref<1x1x512xf32, #tpu.memory_space<hbm>> -> memref<512xf32, #tpu.memory_space<hbm>>
      %dma_wait3A_248 = arith.constant 7680 : i32
      %dma_wait3A_249 = tpu.memref_slice %arg8[%dma_wait3A_248] : memref<18432xf32, #tpu.memory_space<vmem>> -> memref<512xf32, #tpu.memory_space<vmem>>
      tpu.wait_dma2 semaphore(%run_scoped3A_233 : memref<!tpu.dma_semaphore, #tpu.memory_space<semaphore_mem>>) src(%dma_wait3A_249 : memref<512xf32, #tpu.memory_space<vmem>>) dst(%dma_wait3A_247 : memref<512xf32, #tpu.memory_space<hbm>>)
      tpu.yield
    }) : () -> ()
    %run_scoped3A_157 = arith.constant 2 : i32
    %run_scoped3A_158 = arith.constant 4 : i32
    "tpu.region"() ({
      %run_scoped3A_233 = tpu.sem_alloc : memref<!tpu.dma_semaphore, #tpu.memory_space<semaphore_mem>>
      %dma_start3A_234 = arith.constant 8192 : i32
      %dma_start3A_235 = tpu.memref_slice %arg8[%dma_start3A_234] : memref<18432xf32, #tpu.memory_space<vmem>> -> memref<512xf32, #tpu.memory_space<vmem>>
      %dma_start3A_236 = tpu.memref_slice %arg4[%run_scoped3A_157, %run_scoped3A_158, %mul3A_2] : memref<6x8x16384xf32, #tpu.memory_space<hbm>> -> memref<1x1x512xf32, #tpu.memory_space<hbm>>
      %dma_start3A_237 = tpu.memref_squeeze %dma_start3A_236 : memref<1x1x512xf32, #tpu.memory_space<hbm>> -> memref<512xf32, #tpu.memory_space<hbm>>
      %dma_start3A_238 = tpu.memref_slice %arg4[%run_scoped3A_157, %run_scoped3A_158, %mul3A_2] : memref<6x8x16384xf32, #tpu.memory_space<hbm>> -> memref<1x1x512xf32, #tpu.memory_space<hbm>>
      %dma_start3A_239 = tpu.memref_squeeze %dma_start3A_238 : memref<1x1x512xf32, #tpu.memory_space<hbm>> -> memref<512xf32, #tpu.memory_space<hbm>>
      %dma_start3A_240 = arith.constant 8192 : i32
      %dma_start3A_241 = tpu.memref_slice %arg8[%dma_start3A_240] : memref<18432xf32, #tpu.memory_space<vmem>> -> memref<512xf32, #tpu.memory_space<vmem>>
      tpu.enqueue_dma source(%dma_start3A_241 : memref<512xf32, #tpu.memory_space<vmem>>) target(%dma_start3A_239 : memref<512xf32, #tpu.memory_space<hbm>>) target_semaphore(%run_scoped3A_233 : memref<!tpu.dma_semaphore, #tpu.memory_space<semaphore_mem>>)
      %dma_wait3A_242 = arith.constant 8192 : i32
      %dma_wait3A_243 = tpu.memref_slice %arg8[%dma_wait3A_242] : memref<18432xf32, #tpu.memory_space<vmem>> -> memref<512xf32, #tpu.memory_space<vmem>>
      %dma_wait3A_244 = tpu.memref_slice %arg4[%run_scoped3A_157, %run_scoped3A_158, %mul3A_2] : memref<6x8x16384xf32, #tpu.memory_space<hbm>> -> memref<1x1x512xf32, #tpu.memory_space<hbm>>
      %dma_wait3A_245 = tpu.memref_squeeze %dma_wait3A_244 : memref<1x1x512xf32, #tpu.memory_space<hbm>> -> memref<512xf32, #tpu.memory_space<hbm>>
      %dma_wait3A_246 = tpu.memref_slice %arg4[%run_scoped3A_157, %run_scoped3A_158, %mul3A_2] : memref<6x8x16384xf32, #tpu.memory_space<hbm>> -> memref<1x1x512xf32, #tpu.memory_space<hbm>>
      %dma_wait3A_247 = tpu.memref_squeeze %dma_wait3A_246 : memref<1x1x512xf32, #tpu.memory_space<hbm>> -> memref<512xf32, #tpu.memory_space<hbm>>
      %dma_wait3A_248 = arith.constant 8192 : i32
      %dma_wait3A_249 = tpu.memref_slice %arg8[%dma_wait3A_248] : memref<18432xf32, #tpu.memory_space<vmem>> -> memref<512xf32, #tpu.memory_space<vmem>>
      tpu.wait_dma2 semaphore(%run_scoped3A_233 : memref<!tpu.dma_semaphore, #tpu.memory_space<semaphore_mem>>) src(%dma_wait3A_249 : memref<512xf32, #tpu.memory_space<vmem>>) dst(%dma_wait3A_247 : memref<512xf32, #tpu.memory_space<hbm>>)
      tpu.yield
    }) : () -> ()
    %run_scoped3A_159 = arith.constant 2 : i32
    %run_scoped3A_160 = arith.constant 5 : i32
    "tpu.region"() ({
      %run_scoped3A_233 = tpu.sem_alloc : memref<!tpu.dma_semaphore, #tpu.memory_space<semaphore_mem>>
      %dma_start3A_234 = arith.constant 8704 : i32
      %dma_start3A_235 = tpu.memref_slice %arg8[%dma_start3A_234] : memref<18432xf32, #tpu.memory_space<vmem>> -> memref<512xf32, #tpu.memory_space<vmem>>
      %dma_start3A_236 = tpu.memref_slice %arg4[%run_scoped3A_159, %run_scoped3A_160, %mul3A_2] : memref<6x8x16384xf32, #tpu.memory_space<hbm>> -> memref<1x1x512xf32, #tpu.memory_space<hbm>>
      %dma_start3A_237 = tpu.memref_squeeze %dma_start3A_236 : memref<1x1x512xf32, #tpu.memory_space<hbm>> -> memref<512xf32, #tpu.memory_space<hbm>>
      %dma_start3A_238 = tpu.memref_slice %arg4[%run_scoped3A_159, %run_scoped3A_160, %mul3A_2] : memref<6x8x16384xf32, #tpu.memory_space<hbm>> -> memref<1x1x512xf32, #tpu.memory_space<hbm>>
      %dma_start3A_239 = tpu.memref_squeeze %dma_start3A_238 : memref<1x1x512xf32, #tpu.memory_space<hbm>> -> memref<512xf32, #tpu.memory_space<hbm>>
      %dma_start3A_240 = arith.constant 8704 : i32
      %dma_start3A_241 = tpu.memref_slice %arg8[%dma_start3A_240] : memref<18432xf32, #tpu.memory_space<vmem>> -> memref<512xf32, #tpu.memory_space<vmem>>
      tpu.enqueue_dma source(%dma_start3A_241 : memref<512xf32, #tpu.memory_space<vmem>>) target(%dma_start3A_239 : memref<512xf32, #tpu.memory_space<hbm>>) target_semaphore(%run_scoped3A_233 : memref<!tpu.dma_semaphore, #tpu.memory_space<semaphore_mem>>)
      %dma_wait3A_242 = arith.constant 8704 : i32
      %dma_wait3A_243 = tpu.memref_slice %arg8[%dma_wait3A_242] : memref<18432xf32, #tpu.memory_space<vmem>> -> memref<512xf32, #tpu.memory_space<vmem>>
      %dma_wait3A_244 = tpu.memref_slice %arg4[%run_scoped3A_159, %run_scoped3A_160, %mul3A_2] : memref<6x8x16384xf32, #tpu.memory_space<hbm>> -> memref<1x1x512xf32, #tpu.memory_space<hbm>>
      %dma_wait3A_245 = tpu.memref_squeeze %dma_wait3A_244 : memref<1x1x512xf32, #tpu.memory_space<hbm>> -> memref<512xf32, #tpu.memory_space<hbm>>
      %dma_wait3A_246 = tpu.memref_slice %arg4[%run_scoped3A_159, %run_scoped3A_160, %mul3A_2] : memref<6x8x16384xf32, #tpu.memory_space<hbm>> -> memref<1x1x512xf32, #tpu.memory_space<hbm>>
      %dma_wait3A_247 = tpu.memref_squeeze %dma_wait3A_246 : memref<1x1x512xf32, #tpu.memory_space<hbm>> -> memref<512xf32, #tpu.memory_space<hbm>>
      %dma_wait3A_248 = arith.constant 8704 : i32
      %dma_wait3A_249 = tpu.memref_slice %arg8[%dma_wait3A_248] : memref<18432xf32, #tpu.memory_space<vmem>> -> memref<512xf32, #tpu.memory_space<vmem>>
      tpu.wait_dma2 semaphore(%run_scoped3A_233 : memref<!tpu.dma_semaphore, #tpu.memory_space<semaphore_mem>>) src(%dma_wait3A_249 : memref<512xf32, #tpu.memory_space<vmem>>) dst(%dma_wait3A_247 : memref<512xf32, #tpu.memory_space<hbm>>)
      tpu.yield
    }) : () -> ()
    %run_scoped3A_161 = arith.constant 3 : i32
    %run_scoped3A_162 = arith.constant 0 : i32
    "tpu.region"() ({
      %run_scoped3A_233 = tpu.sem_alloc : memref<!tpu.dma_semaphore, #tpu.memory_space<semaphore_mem>>
      %dma_start3A_234 = arith.constant 9216 : i32
      %dma_start3A_235 = tpu.memref_slice %arg8[%dma_start3A_234] : memref<18432xf32, #tpu.memory_space<vmem>> -> memref<512xf32, #tpu.memory_space<vmem>>
      %dma_start3A_236 = tpu.memref_slice %arg4[%run_scoped3A_161, %run_scoped3A_162, %mul3A_2] : memref<6x8x16384xf32, #tpu.memory_space<hbm>> -> memref<1x1x512xf32, #tpu.memory_space<hbm>>
      %dma_start3A_237 = tpu.memref_squeeze %dma_start3A_236 : memref<1x1x512xf32, #tpu.memory_space<hbm>> -> memref<512xf32, #tpu.memory_space<hbm>>
      %dma_start3A_238 = tpu.memref_slice %arg4[%run_scoped3A_161, %run_scoped3A_162, %mul3A_2] : memref<6x8x16384xf32, #tpu.memory_space<hbm>> -> memref<1x1x512xf32, #tpu.memory_space<hbm>>
      %dma_start3A_239 = tpu.memref_squeeze %dma_start3A_238 : memref<1x1x512xf32, #tpu.memory_space<hbm>> -> memref<512xf32, #tpu.memory_space<hbm>>
      %dma_start3A_240 = arith.constant 9216 : i32
      %dma_start3A_241 = tpu.memref_slice %arg8[%dma_start3A_240] : memref<18432xf32, #tpu.memory_space<vmem>> -> memref<512xf32, #tpu.memory_space<vmem>>
      tpu.enqueue_dma source(%dma_start3A_241 : memref<512xf32, #tpu.memory_space<vmem>>) target(%dma_start3A_239 : memref<512xf32, #tpu.memory_space<hbm>>) target_semaphore(%run_scoped3A_233 : memref<!tpu.dma_semaphore, #tpu.memory_space<semaphore_mem>>)
      %dma_wait3A_242 = arith.constant 9216 : i32
      %dma_wait3A_243 = tpu.memref_slice %arg8[%dma_wait3A_242] : memref<18432xf32, #tpu.memory_space<vmem>> -> memref<512xf32, #tpu.memory_space<vmem>>
      %dma_wait3A_244 = tpu.memref_slice %arg4[%run_scoped3A_161, %run_scoped3A_162, %mul3A_2] : memref<6x8x16384xf32, #tpu.memory_space<hbm>> -> memref<1x1x512xf32, #tpu.memory_space<hbm>>
      %dma_wait3A_245 = tpu.memref_squeeze %dma_wait3A_244 : memref<1x1x512xf32, #tpu.memory_space<hbm>> -> memref<512xf32, #tpu.memory_space<hbm>>
      %dma_wait3A_246 = tpu.memref_slice %arg4[%run_scoped3A_161, %run_scoped3A_162, %mul3A_2] : memref<6x8x16384xf32, #tpu.memory_space<hbm>> -> memref<1x1x512xf32, #tpu.memory_space<hbm>>
      %dma_wait3A_247 = tpu.memref_squeeze %dma_wait3A_246 : memref<1x1x512xf32, #tpu.memory_space<hbm>> -> memref<512xf32, #tpu.memory_space<hbm>>
      %dma_wait3A_248 = arith.constant 9216 : i32
      %dma_wait3A_249 = tpu.memref_slice %arg8[%dma_wait3A_248] : memref<18432xf32, #tpu.memory_space<vmem>> -> memref<512xf32, #tpu.memory_space<vmem>>
      tpu.wait_dma2 semaphore(%run_scoped3A_233 : memref<!tpu.dma_semaphore, #tpu.memory_space<semaphore_mem>>) src(%dma_wait3A_249 : memref<512xf32, #tpu.memory_space<vmem>>) dst(%dma_wait3A_247 : memref<512xf32, #tpu.memory_space<hbm>>)
      tpu.yield
    }) : () -> ()
    %run_scoped3A_163 = arith.constant 3 : i32
    %run_scoped3A_164 = arith.constant 1 : i32
    "tpu.region"() ({
      %run_scoped3A_233 = tpu.sem_alloc : memref<!tpu.dma_semaphore, #tpu.memory_space<semaphore_mem>>
      %dma_start3A_234 = arith.constant 9728 : i32
      %dma_start3A_235 = tpu.memref_slice %arg8[%dma_start3A_234] : memref<18432xf32, #tpu.memory_space<vmem>> -> memref<512xf32, #tpu.memory_space<vmem>>
      %dma_start3A_236 = tpu.memref_slice %arg4[%run_scoped3A_163, %run_scoped3A_164, %mul3A_2] : memref<6x8x16384xf32, #tpu.memory_space<hbm>> -> memref<1x1x512xf32, #tpu.memory_space<hbm>>
      %dma_start3A_237 = tpu.memref_squeeze %dma_start3A_236 : memref<1x1x512xf32, #tpu.memory_space<hbm>> -> memref<512xf32, #tpu.memory_space<hbm>>
      %dma_start3A_238 = tpu.memref_slice %arg4[%run_scoped3A_163, %run_scoped3A_164, %mul3A_2] : memref<6x8x16384xf32, #tpu.memory_space<hbm>> -> memref<1x1x512xf32, #tpu.memory_space<hbm>>
      %dma_start3A_239 = tpu.memref_squeeze %dma_start3A_238 : memref<1x1x512xf32, #tpu.memory_space<hbm>> -> memref<512xf32, #tpu.memory_space<hbm>>
      %dma_start3A_240 = arith.constant 9728 : i32
      %dma_start3A_241 = tpu.memref_slice %arg8[%dma_start3A_240] : memref<18432xf32, #tpu.memory_space<vmem>> -> memref<512xf32, #tpu.memory_space<vmem>>
      tpu.enqueue_dma source(%dma_start3A_241 : memref<512xf32, #tpu.memory_space<vmem>>) target(%dma_start3A_239 : memref<512xf32, #tpu.memory_space<hbm>>) target_semaphore(%run_scoped3A_233 : memref<!tpu.dma_semaphore, #tpu.memory_space<semaphore_mem>>)
      %dma_wait3A_242 = arith.constant 9728 : i32
      %dma_wait3A_243 = tpu.memref_slice %arg8[%dma_wait3A_242] : memref<18432xf32, #tpu.memory_space<vmem>> -> memref<512xf32, #tpu.memory_space<vmem>>
      %dma_wait3A_244 = tpu.memref_slice %arg4[%run_scoped3A_163, %run_scoped3A_164, %mul3A_2] : memref<6x8x16384xf32, #tpu.memory_space<hbm>> -> memref<1x1x512xf32, #tpu.memory_space<hbm>>
      %dma_wait3A_245 = tpu.memref_squeeze %dma_wait3A_244 : memref<1x1x512xf32, #tpu.memory_space<hbm>> -> memref<512xf32, #tpu.memory_space<hbm>>
      %dma_wait3A_246 = tpu.memref_slice %arg4[%run_scoped3A_163, %run_scoped3A_164, %mul3A_2] : memref<6x8x16384xf32, #tpu.memory_space<hbm>> -> memref<1x1x512xf32, #tpu.memory_space<hbm>>
      %dma_wait3A_247 = tpu.memref_squeeze %dma_wait3A_246 : memref<1x1x512xf32, #tpu.memory_space<hbm>> -> memref<512xf32, #tpu.memory_space<hbm>>
      %dma_wait3A_248 = arith.constant 9728 : i32
      %dma_wait3A_249 = tpu.memref_slice %arg8[%dma_wait3A_248] : memref<18432xf32, #tpu.memory_space<vmem>> -> memref<512xf32, #tpu.memory_space<vmem>>
      tpu.wait_dma2 semaphore(%run_scoped3A_233 : memref<!tpu.dma_semaphore, #tpu.memory_space<semaphore_mem>>) src(%dma_wait3A_249 : memref<512xf32, #tpu.memory_space<vmem>>) dst(%dma_wait3A_247 : memref<512xf32, #tpu.memory_space<hbm>>)
      tpu.yield
    }) : () -> ()
    %run_scoped3A_165 = arith.constant 3 : i32
    %run_scoped3A_166 = arith.constant 2 : i32
    "tpu.region"() ({
      %run_scoped3A_233 = tpu.sem_alloc : memref<!tpu.dma_semaphore, #tpu.memory_space<semaphore_mem>>
      %dma_start3A_234 = arith.constant 10240 : i32
      %dma_start3A_235 = tpu.memref_slice %arg8[%dma_start3A_234] : memref<18432xf32, #tpu.memory_space<vmem>> -> memref<512xf32, #tpu.memory_space<vmem>>
      %dma_start3A_236 = tpu.memref_slice %arg4[%run_scoped3A_165, %run_scoped3A_166, %mul3A_2] : memref<6x8x16384xf32, #tpu.memory_space<hbm>> -> memref<1x1x512xf32, #tpu.memory_space<hbm>>
      %dma_start3A_237 = tpu.memref_squeeze %dma_start3A_236 : memref<1x1x512xf32, #tpu.memory_space<hbm>> -> memref<512xf32, #tpu.memory_space<hbm>>
      %dma_start3A_238 = tpu.memref_slice %arg4[%run_scoped3A_165, %run_scoped3A_166, %mul3A_2] : memref<6x8x16384xf32, #tpu.memory_space<hbm>> -> memref<1x1x512xf32, #tpu.memory_space<hbm>>
      %dma_start3A_239 = tpu.memref_squeeze %dma_start3A_238 : memref<1x1x512xf32, #tpu.memory_space<hbm>> -> memref<512xf32, #tpu.memory_space<hbm>>
      %dma_start3A_240 = arith.constant 10240 : i32
      %dma_start3A_241 = tpu.memref_slice %arg8[%dma_start3A_240] : memref<18432xf32, #tpu.memory_space<vmem>> -> memref<512xf32, #tpu.memory_space<vmem>>
      tpu.enqueue_dma source(%dma_start3A_241 : memref<512xf32, #tpu.memory_space<vmem>>) target(%dma_start3A_239 : memref<512xf32, #tpu.memory_space<hbm>>) target_semaphore(%run_scoped3A_233 : memref<!tpu.dma_semaphore, #tpu.memory_space<semaphore_mem>>)
      %dma_wait3A_242 = arith.constant 10240 : i32
      %dma_wait3A_243 = tpu.memref_slice %arg8[%dma_wait3A_242] : memref<18432xf32, #tpu.memory_space<vmem>> -> memref<512xf32, #tpu.memory_space<vmem>>
      %dma_wait3A_244 = tpu.memref_slice %arg4[%run_scoped3A_165, %run_scoped3A_166, %mul3A_2] : memref<6x8x16384xf32, #tpu.memory_space<hbm>> -> memref<1x1x512xf32, #tpu.memory_space<hbm>>
      %dma_wait3A_245 = tpu.memref_squeeze %dma_wait3A_244 : memref<1x1x512xf32, #tpu.memory_space<hbm>> -> memref<512xf32, #tpu.memory_space<hbm>>
      %dma_wait3A_246 = tpu.memref_slice %arg4[%run_scoped3A_165, %run_scoped3A_166, %mul3A_2] : memref<6x8x16384xf32, #tpu.memory_space<hbm>> -> memref<1x1x512xf32, #tpu.memory_space<hbm>>
      %dma_wait3A_247 = tpu.memref_squeeze %dma_wait3A_246 : memref<1x1x512xf32, #tpu.memory_space<hbm>> -> memref<512xf32, #tpu.memory_space<hbm>>
      %dma_wait3A_248 = arith.constant 10240 : i32
      %dma_wait3A_249 = tpu.memref_slice %arg8[%dma_wait3A_248] : memref<18432xf32, #tpu.memory_space<vmem>> -> memref<512xf32, #tpu.memory_space<vmem>>
      tpu.wait_dma2 semaphore(%run_scoped3A_233 : memref<!tpu.dma_semaphore, #tpu.memory_space<semaphore_mem>>) src(%dma_wait3A_249 : memref<512xf32, #tpu.memory_space<vmem>>) dst(%dma_wait3A_247 : memref<512xf32, #tpu.memory_space<hbm>>)
      tpu.yield
    }) : () -> ()
    %run_scoped3A_167 = arith.constant 3 : i32
    %run_scoped3A_168 = arith.constant 3 : i32
    "tpu.region"() ({
      %run_scoped3A_233 = tpu.sem_alloc : memref<!tpu.dma_semaphore, #tpu.memory_space<semaphore_mem>>
      %dma_start3A_234 = arith.constant 10752 : i32
      %dma_start3A_235 = tpu.memref_slice %arg8[%dma_start3A_234] : memref<18432xf32, #tpu.memory_space<vmem>> -> memref<512xf32, #tpu.memory_space<vmem>>
      %dma_start3A_236 = tpu.memref_slice %arg4[%run_scoped3A_167, %run_scoped3A_168, %mul3A_2] : memref<6x8x16384xf32, #tpu.memory_space<hbm>> -> memref<1x1x512xf32, #tpu.memory_space<hbm>>
      %dma_start3A_237 = tpu.memref_squeeze %dma_start3A_236 : memref<1x1x512xf32, #tpu.memory_space<hbm>> -> memref<512xf32, #tpu.memory_space<hbm>>
      %dma_start3A_238 = tpu.memref_slice %arg4[%run_scoped3A_167, %run_scoped3A_168, %mul3A_2] : memref<6x8x16384xf32, #tpu.memory_space<hbm>> -> memref<1x1x512xf32, #tpu.memory_space<hbm>>
      %dma_start3A_239 = tpu.memref_squeeze %dma_start3A_238 : memref<1x1x512xf32, #tpu.memory_space<hbm>> -> memref<512xf32, #tpu.memory_space<hbm>>
      %dma_start3A_240 = arith.constant 10752 : i32
      %dma_start3A_241 = tpu.memref_slice %arg8[%dma_start3A_240] : memref<18432xf32, #tpu.memory_space<vmem>> -> memref<512xf32, #tpu.memory_space<vmem>>
      tpu.enqueue_dma source(%dma_start3A_241 : memref<512xf32, #tpu.memory_space<vmem>>) target(%dma_start3A_239 : memref<512xf32, #tpu.memory_space<hbm>>) target_semaphore(%run_scoped3A_233 : memref<!tpu.dma_semaphore, #tpu.memory_space<semaphore_mem>>)
      %dma_wait3A_242 = arith.constant 10752 : i32
      %dma_wait3A_243 = tpu.memref_slice %arg8[%dma_wait3A_242] : memref<18432xf32, #tpu.memory_space<vmem>> -> memref<512xf32, #tpu.memory_space<vmem>>
      %dma_wait3A_244 = tpu.memref_slice %arg4[%run_scoped3A_167, %run_scoped3A_168, %mul3A_2] : memref<6x8x16384xf32, #tpu.memory_space<hbm>> -> memref<1x1x512xf32, #tpu.memory_space<hbm>>
      %dma_wait3A_245 = tpu.memref_squeeze %dma_wait3A_244 : memref<1x1x512xf32, #tpu.memory_space<hbm>> -> memref<512xf32, #tpu.memory_space<hbm>>
      %dma_wait3A_246 = tpu.memref_slice %arg4[%run_scoped3A_167, %run_scoped3A_168, %mul3A_2] : memref<6x8x16384xf32, #tpu.memory_space<hbm>> -> memref<1x1x512xf32, #tpu.memory_space<hbm>>
      %dma_wait3A_247 = tpu.memref_squeeze %dma_wait3A_246 : memref<1x1x512xf32, #tpu.memory_space<hbm>> -> memref<512xf32, #tpu.memory_space<hbm>>
      %dma_wait3A_248 = arith.constant 10752 : i32
      %dma_wait3A_249 = tpu.memref_slice %arg8[%dma_wait3A_248] : memref<18432xf32, #tpu.memory_space<vmem>> -> memref<512xf32, #tpu.memory_space<vmem>>
      tpu.wait_dma2 semaphore(%run_scoped3A_233 : memref<!tpu.dma_semaphore, #tpu.memory_space<semaphore_mem>>) src(%dma_wait3A_249 : memref<512xf32, #tpu.memory_space<vmem>>) dst(%dma_wait3A_247 : memref<512xf32, #tpu.memory_space<hbm>>)
      tpu.yield
    }) : () -> ()
    %run_scoped3A_169 = arith.constant 3 : i32
    %run_scoped3A_170 = arith.constant 4 : i32
    "tpu.region"() ({
      %run_scoped3A_233 = tpu.sem_alloc : memref<!tpu.dma_semaphore, #tpu.memory_space<semaphore_mem>>
      %dma_start3A_234 = arith.constant 11264 : i32
      %dma_start3A_235 = tpu.memref_slice %arg8[%dma_start3A_234] : memref<18432xf32, #tpu.memory_space<vmem>> -> memref<512xf32, #tpu.memory_space<vmem>>
      %dma_start3A_236 = tpu.memref_slice %arg4[%run_scoped3A_169, %run_scoped3A_170, %mul3A_2] : memref<6x8x16384xf32, #tpu.memory_space<hbm>> -> memref<1x1x512xf32, #tpu.memory_space<hbm>>
      %dma_start3A_237 = tpu.memref_squeeze %dma_start3A_236 : memref<1x1x512xf32, #tpu.memory_space<hbm>> -> memref<512xf32, #tpu.memory_space<hbm>>
      %dma_start3A_238 = tpu.memref_slice %arg4[%run_scoped3A_169, %run_scoped3A_170, %mul3A_2] : memref<6x8x16384xf32, #tpu.memory_space<hbm>> -> memref<1x1x512xf32, #tpu.memory_space<hbm>>
      %dma_start3A_239 = tpu.memref_squeeze %dma_start3A_238 : memref<1x1x512xf32, #tpu.memory_space<hbm>> -> memref<512xf32, #tpu.memory_space<hbm>>
      %dma_start3A_240 = arith.constant 11264 : i32
      %dma_start3A_241 = tpu.memref_slice %arg8[%dma_start3A_240] : memref<18432xf32, #tpu.memory_space<vmem>> -> memref<512xf32, #tpu.memory_space<vmem>>
      tpu.enqueue_dma source(%dma_start3A_241 : memref<512xf32, #tpu.memory_space<vmem>>) target(%dma_start3A_239 : memref<512xf32, #tpu.memory_space<hbm>>) target_semaphore(%run_scoped3A_233 : memref<!tpu.dma_semaphore, #tpu.memory_space<semaphore_mem>>)
      %dma_wait3A_242 = arith.constant 11264 : i32
      %dma_wait3A_243 = tpu.memref_slice %arg8[%dma_wait3A_242] : memref<18432xf32, #tpu.memory_space<vmem>> -> memref<512xf32, #tpu.memory_space<vmem>>
      %dma_wait3A_244 = tpu.memref_slice %arg4[%run_scoped3A_169, %run_scoped3A_170, %mul3A_2] : memref<6x8x16384xf32, #tpu.memory_space<hbm>> -> memref<1x1x512xf32, #tpu.memory_space<hbm>>
      %dma_wait3A_245 = tpu.memref_squeeze %dma_wait3A_244 : memref<1x1x512xf32, #tpu.memory_space<hbm>> -> memref<512xf32, #tpu.memory_space<hbm>>
      %dma_wait3A_246 = tpu.memref_slice %arg4[%run_scoped3A_169, %run_scoped3A_170, %mul3A_2] : memref<6x8x16384xf32, #tpu.memory_space<hbm>> -> memref<1x1x512xf32, #tpu.memory_space<hbm>>
      %dma_wait3A_247 = tpu.memref_squeeze %dma_wait3A_246 : memref<1x1x512xf32, #tpu.memory_space<hbm>> -> memref<512xf32, #tpu.memory_space<hbm>>
      %dma_wait3A_248 = arith.constant 11264 : i32
      %dma_wait3A_249 = tpu.memref_slice %arg8[%dma_wait3A_248] : memref<18432xf32, #tpu.memory_space<vmem>> -> memref<512xf32, #tpu.memory_space<vmem>>
      tpu.wait_dma2 semaphore(%run_scoped3A_233 : memref<!tpu.dma_semaphore, #tpu.memory_space<semaphore_mem>>) src(%dma_wait3A_249 : memref<512xf32, #tpu.memory_space<vmem>>) dst(%dma_wait3A_247 : memref<512xf32, #tpu.memory_space<hbm>>)
      tpu.yield
    }) : () -> ()
    %run_scoped3A_171 = arith.constant 3 : i32
    %run_scoped3A_172 = arith.constant 5 : i32
    "tpu.region"() ({
      %run_scoped3A_233 = tpu.sem_alloc : memref<!tpu.dma_semaphore, #tpu.memory_space<semaphore_mem>>
      %dma_start3A_234 = arith.constant 11776 : i32
      %dma_start3A_235 = tpu.memref_slice %arg8[%dma_start3A_234] : memref<18432xf32, #tpu.memory_space<vmem>> -> memref<512xf32, #tpu.memory_space<vmem>>
      %dma_start3A_236 = tpu.memref_slice %arg4[%run_scoped3A_171, %run_scoped3A_172, %mul3A_2] : memref<6x8x16384xf32, #tpu.memory_space<hbm>> -> memref<1x1x512xf32, #tpu.memory_space<hbm>>
      %dma_start3A_237 = tpu.memref_squeeze %dma_start3A_236 : memref<1x1x512xf32, #tpu.memory_space<hbm>> -> memref<512xf32, #tpu.memory_space<hbm>>
      %dma_start3A_238 = tpu.memref_slice %arg4[%run_scoped3A_171, %run_scoped3A_172, %mul3A_2] : memref<6x8x16384xf32, #tpu.memory_space<hbm>> -> memref<1x1x512xf32, #tpu.memory_space<hbm>>
      %dma_start3A_239 = tpu.memref_squeeze %dma_start3A_238 : memref<1x1x512xf32, #tpu.memory_space<hbm>> -> memref<512xf32, #tpu.memory_space<hbm>>
      %dma_start3A_240 = arith.constant 11776 : i32
      %dma_start3A_241 = tpu.memref_slice %arg8[%dma_start3A_240] : memref<18432xf32, #tpu.memory_space<vmem>> -> memref<512xf32, #tpu.memory_space<vmem>>
      tpu.enqueue_dma source(%dma_start3A_241 : memref<512xf32, #tpu.memory_space<vmem>>) target(%dma_start3A_239 : memref<512xf32, #tpu.memory_space<hbm>>) target_semaphore(%run_scoped3A_233 : memref<!tpu.dma_semaphore, #tpu.memory_space<semaphore_mem>>)
      %dma_wait3A_242 = arith.constant 11776 : i32
      %dma_wait3A_243 = tpu.memref_slice %arg8[%dma_wait3A_242] : memref<18432xf32, #tpu.memory_space<vmem>> -> memref<512xf32, #tpu.memory_space<vmem>>
      %dma_wait3A_244 = tpu.memref_slice %arg4[%run_scoped3A_171, %run_scoped3A_172, %mul3A_2] : memref<6x8x16384xf32, #tpu.memory_space<hbm>> -> memref<1x1x512xf32, #tpu.memory_space<hbm>>
      %dma_wait3A_245 = tpu.memref_squeeze %dma_wait3A_244 : memref<1x1x512xf32, #tpu.memory_space<hbm>> -> memref<512xf32, #tpu.memory_space<hbm>>
      %dma_wait3A_246 = tpu.memref_slice %arg4[%run_scoped3A_171, %run_scoped3A_172, %mul3A_2] : memref<6x8x16384xf32, #tpu.memory_space<hbm>> -> memref<1x1x512xf32, #tpu.memory_space<hbm>>
      %dma_wait3A_247 = tpu.memref_squeeze %dma_wait3A_246 : memref<1x1x512xf32, #tpu.memory_space<hbm>> -> memref<512xf32, #tpu.memory_space<hbm>>
      %dma_wait3A_248 = arith.constant 11776 : i32
      %dma_wait3A_249 = tpu.memref_slice %arg8[%dma_wait3A_248] : memref<18432xf32, #tpu.memory_space<vmem>> -> memref<512xf32, #tpu.memory_space<vmem>>
      tpu.wait_dma2 semaphore(%run_scoped3A_233 : memref<!tpu.dma_semaphore, #tpu.memory_space<semaphore_mem>>) src(%dma_wait3A_249 : memref<512xf32, #tpu.memory_space<vmem>>) dst(%dma_wait3A_247 : memref<512xf32, #tpu.memory_space<hbm>>)
      tpu.yield
    }) : () -> ()
    %run_scoped3A_173 = arith.constant 4 : i32
    %run_scoped3A_174 = arith.constant 0 : i32
    "tpu.region"() ({
      %run_scoped3A_233 = tpu.sem_alloc : memref<!tpu.dma_semaphore, #tpu.memory_space<semaphore_mem>>
      %dma_start3A_234 = arith.constant 12288 : i32
      %dma_start3A_235 = tpu.memref_slice %arg8[%dma_start3A_234] : memref<18432xf32, #tpu.memory_space<vmem>> -> memref<512xf32, #tpu.memory_space<vmem>>
      %dma_start3A_236 = tpu.memref_slice %arg4[%run_scoped3A_173, %run_scoped3A_174, %mul3A_2] : memref<6x8x16384xf32, #tpu.memory_space<hbm>> -> memref<1x1x512xf32, #tpu.memory_space<hbm>>
      %dma_start3A_237 = tpu.memref_squeeze %dma_start3A_236 : memref<1x1x512xf32, #tpu.memory_space<hbm>> -> memref<512xf32, #tpu.memory_space<hbm>>
      %dma_start3A_238 = tpu.memref_slice %arg4[%run_scoped3A_173, %run_scoped3A_174, %mul3A_2] : memref<6x8x16384xf32, #tpu.memory_space<hbm>> -> memref<1x1x512xf32, #tpu.memory_space<hbm>>
      %dma_start3A_239 = tpu.memref_squeeze %dma_start3A_238 : memref<1x1x512xf32, #tpu.memory_space<hbm>> -> memref<512xf32, #tpu.memory_space<hbm>>
      %dma_start3A_240 = arith.constant 12288 : i32
      %dma_start3A_241 = tpu.memref_slice %arg8[%dma_start3A_240] : memref<18432xf32, #tpu.memory_space<vmem>> -> memref<512xf32, #tpu.memory_space<vmem>>
      tpu.enqueue_dma source(%dma_start3A_241 : memref<512xf32, #tpu.memory_space<vmem>>) target(%dma_start3A_239 : memref<512xf32, #tpu.memory_space<hbm>>) target_semaphore(%run_scoped3A_233 : memref<!tpu.dma_semaphore, #tpu.memory_space<semaphore_mem>>)
      %dma_wait3A_242 = arith.constant 12288 : i32
      %dma_wait3A_243 = tpu.memref_slice %arg8[%dma_wait3A_242] : memref<18432xf32, #tpu.memory_space<vmem>> -> memref<512xf32, #tpu.memory_space<vmem>>
      %dma_wait3A_244 = tpu.memref_slice %arg4[%run_scoped3A_173, %run_scoped3A_174, %mul3A_2] : memref<6x8x16384xf32, #tpu.memory_space<hbm>> -> memref<1x1x512xf32, #tpu.memory_space<hbm>>
      %dma_wait3A_245 = tpu.memref_squeeze %dma_wait3A_244 : memref<1x1x512xf32, #tpu.memory_space<hbm>> -> memref<512xf32, #tpu.memory_space<hbm>>
      %dma_wait3A_246 = tpu.memref_slice %arg4[%run_scoped3A_173, %run_scoped3A_174, %mul3A_2] : memref<6x8x16384xf32, #tpu.memory_space<hbm>> -> memref<1x1x512xf32, #tpu.memory_space<hbm>>
      %dma_wait3A_247 = tpu.memref_squeeze %dma_wait3A_246 : memref<1x1x512xf32, #tpu.memory_space<hbm>> -> memref<512xf32, #tpu.memory_space<hbm>>
      %dma_wait3A_248 = arith.constant 12288 : i32
      %dma_wait3A_249 = tpu.memref_slice %arg8[%dma_wait3A_248] : memref<18432xf32, #tpu.memory_space<vmem>> -> memref<512xf32, #tpu.memory_space<vmem>>
      tpu.wait_dma2 semaphore(%run_scoped3A_233 : memref<!tpu.dma_semaphore, #tpu.memory_space<semaphore_mem>>) src(%dma_wait3A_249 : memref<512xf32, #tpu.memory_space<vmem>>) dst(%dma_wait3A_247 : memref<512xf32, #tpu.memory_space<hbm>>)
      tpu.yield
    }) : () -> ()
    %run_scoped3A_175 = arith.constant 4 : i32
    %run_scoped3A_176 = arith.constant 1 : i32
    "tpu.region"() ({
      %run_scoped3A_233 = tpu.sem_alloc : memref<!tpu.dma_semaphore, #tpu.memory_space<semaphore_mem>>
      %dma_start3A_234 = arith.constant 12800 : i32
      %dma_start3A_235 = tpu.memref_slice %arg8[%dma_start3A_234] : memref<18432xf32, #tpu.memory_space<vmem>> -> memref<512xf32, #tpu.memory_space<vmem>>
      %dma_start3A_236 = tpu.memref_slice %arg4[%run_scoped3A_175, %run_scoped3A_176, %mul3A_2] : memref<6x8x16384xf32, #tpu.memory_space<hbm>> -> memref<1x1x512xf32, #tpu.memory_space<hbm>>
      %dma_start3A_237 = tpu.memref_squeeze %dma_start3A_236 : memref<1x1x512xf32, #tpu.memory_space<hbm>> -> memref<512xf32, #tpu.memory_space<hbm>>
      %dma_start3A_238 = tpu.memref_slice %arg4[%run_scoped3A_175, %run_scoped3A_176, %mul3A_2] : memref<6x8x16384xf32, #tpu.memory_space<hbm>> -> memref<1x1x512xf32, #tpu.memory_space<hbm>>
      %dma_start3A_239 = tpu.memref_squeeze %dma_start3A_238 : memref<1x1x512xf32, #tpu.memory_space<hbm>> -> memref<512xf32, #tpu.memory_space<hbm>>
      %dma_start3A_240 = arith.constant 12800 : i32
      %dma_start3A_241 = tpu.memref_slice %arg8[%dma_start3A_240] : memref<18432xf32, #tpu.memory_space<vmem>> -> memref<512xf32, #tpu.memory_space<vmem>>
      tpu.enqueue_dma source(%dma_start3A_241 : memref<512xf32, #tpu.memory_space<vmem>>) target(%dma_start3A_239 : memref<512xf32, #tpu.memory_space<hbm>>) target_semaphore(%run_scoped3A_233 : memref<!tpu.dma_semaphore, #tpu.memory_space<semaphore_mem>>)
      %dma_wait3A_242 = arith.constant 12800 : i32
      %dma_wait3A_243 = tpu.memref_slice %arg8[%dma_wait3A_242] : memref<18432xf32, #tpu.memory_space<vmem>> -> memref<512xf32, #tpu.memory_space<vmem>>
      %dma_wait3A_244 = tpu.memref_slice %arg4[%run_scoped3A_175, %run_scoped3A_176, %mul3A_2] : memref<6x8x16384xf32, #tpu.memory_space<hbm>> -> memref<1x1x512xf32, #tpu.memory_space<hbm>>
      %dma_wait3A_245 = tpu.memref_squeeze %dma_wait3A_244 : memref<1x1x512xf32, #tpu.memory_space<hbm>> -> memref<512xf32, #tpu.memory_space<hbm>>
      %dma_wait3A_246 = tpu.memref_slice %arg4[%run_scoped3A_175, %run_scoped3A_176, %mul3A_2] : memref<6x8x16384xf32, #tpu.memory_space<hbm>> -> memref<1x1x512xf32, #tpu.memory_space<hbm>>
      %dma_wait3A_247 = tpu.memref_squeeze %dma_wait3A_246 : memref<1x1x512xf32, #tpu.memory_space<hbm>> -> memref<512xf32, #tpu.memory_space<hbm>>
      %dma_wait3A_248 = arith.constant 12800 : i32
      %dma_wait3A_249 = tpu.memref_slice %arg8[%dma_wait3A_248] : memref<18432xf32, #tpu.memory_space<vmem>> -> memref<512xf32, #tpu.memory_space<vmem>>
      tpu.wait_dma2 semaphore(%run_scoped3A_233 : memref<!tpu.dma_semaphore, #tpu.memory_space<semaphore_mem>>) src(%dma_wait3A_249 : memref<512xf32, #tpu.memory_space<vmem>>) dst(%dma_wait3A_247 : memref<512xf32, #tpu.memory_space<hbm>>)
      tpu.yield
    }) : () -> ()
    %run_scoped3A_177 = arith.constant 4 : i32
    %run_scoped3A_178 = arith.constant 2 : i32
    "tpu.region"() ({
      %run_scoped3A_233 = tpu.sem_alloc : memref<!tpu.dma_semaphore, #tpu.memory_space<semaphore_mem>>
      %dma_start3A_234 = arith.constant 13312 : i32
      %dma_start3A_235 = tpu.memref_slice %arg8[%dma_start3A_234] : memref<18432xf32, #tpu.memory_space<vmem>> -> memref<512xf32, #tpu.memory_space<vmem>>
      %dma_start3A_236 = tpu.memref_slice %arg4[%run_scoped3A_177, %run_scoped3A_178, %mul3A_2] : memref<6x8x16384xf32, #tpu.memory_space<hbm>> -> memref<1x1x512xf32, #tpu.memory_space<hbm>>
      %dma_start3A_237 = tpu.memref_squeeze %dma_start3A_236 : memref<1x1x512xf32, #tpu.memory_space<hbm>> -> memref<512xf32, #tpu.memory_space<hbm>>
      %dma_start3A_238 = tpu.memref_slice %arg4[%run_scoped3A_177, %run_scoped3A_178, %mul3A_2] : memref<6x8x16384xf32, #tpu.memory_space<hbm>> -> memref<1x1x512xf32, #tpu.memory_space<hbm>>
      %dma_start3A_239 = tpu.memref_squeeze %dma_start3A_238 : memref<1x1x512xf32, #tpu.memory_space<hbm>> -> memref<512xf32, #tpu.memory_space<hbm>>
      %dma_start3A_240 = arith.constant 13312 : i32
      %dma_start3A_241 = tpu.memref_slice %arg8[%dma_start3A_240] : memref<18432xf32, #tpu.memory_space<vmem>> -> memref<512xf32, #tpu.memory_space<vmem>>
      tpu.enqueue_dma source(%dma_start3A_241 : memref<512xf32, #tpu.memory_space<vmem>>) target(%dma_start3A_239 : memref<512xf32, #tpu.memory_space<hbm>>) target_semaphore(%run_scoped3A_233 : memref<!tpu.dma_semaphore, #tpu.memory_space<semaphore_mem>>)
      %dma_wait3A_242 = arith.constant 13312 : i32
      %dma_wait3A_243 = tpu.memref_slice %arg8[%dma_wait3A_242] : memref<18432xf32, #tpu.memory_space<vmem>> -> memref<512xf32, #tpu.memory_space<vmem>>
      %dma_wait3A_244 = tpu.memref_slice %arg4[%run_scoped3A_177, %run_scoped3A_178, %mul3A_2] : memref<6x8x16384xf32, #tpu.memory_space<hbm>> -> memref<1x1x512xf32, #tpu.memory_space<hbm>>
      %dma_wait3A_245 = tpu.memref_squeeze %dma_wait3A_244 : memref<1x1x512xf32, #tpu.memory_space<hbm>> -> memref<512xf32, #tpu.memory_space<hbm>>
      %dma_wait3A_246 = tpu.memref_slice %arg4[%run_scoped3A_177, %run_scoped3A_178, %mul3A_2] : memref<6x8x16384xf32, #tpu.memory_space<hbm>> -> memref<1x1x512xf32, #tpu.memory_space<hbm>>
      %dma_wait3A_247 = tpu.memref_squeeze %dma_wait3A_246 : memref<1x1x512xf32, #tpu.memory_space<hbm>> -> memref<512xf32, #tpu.memory_space<hbm>>
      %dma_wait3A_248 = arith.constant 13312 : i32
      %dma_wait3A_249 = tpu.memref_slice %arg8[%dma_wait3A_248] : memref<18432xf32, #tpu.memory_space<vmem>> -> memref<512xf32, #tpu.memory_space<vmem>>
      tpu.wait_dma2 semaphore(%run_scoped3A_233 : memref<!tpu.dma_semaphore, #tpu.memory_space<semaphore_mem>>) src(%dma_wait3A_249 : memref<512xf32, #tpu.memory_space<vmem>>) dst(%dma_wait3A_247 : memref<512xf32, #tpu.memory_space<hbm>>)
      tpu.yield
    }) : () -> ()
    %run_scoped3A_179 = arith.constant 4 : i32
    %run_scoped3A_180 = arith.constant 3 : i32
    "tpu.region"() ({
      %run_scoped3A_233 = tpu.sem_alloc : memref<!tpu.dma_semaphore, #tpu.memory_space<semaphore_mem>>
      %dma_start3A_234 = arith.constant 13824 : i32
      %dma_start3A_235 = tpu.memref_slice %arg8[%dma_start3A_234] : memref<18432xf32, #tpu.memory_space<vmem>> -> memref<512xf32, #tpu.memory_space<vmem>>
      %dma_start3A_236 = tpu.memref_slice %arg4[%run_scoped3A_179, %run_scoped3A_180, %mul3A_2] : memref<6x8x16384xf32, #tpu.memory_space<hbm>> -> memref<1x1x512xf32, #tpu.memory_space<hbm>>
      %dma_start3A_237 = tpu.memref_squeeze %dma_start3A_236 : memref<1x1x512xf32, #tpu.memory_space<hbm>> -> memref<512xf32, #tpu.memory_space<hbm>>
      %dma_start3A_238 = tpu.memref_slice %arg4[%run_scoped3A_179, %run_scoped3A_180, %mul3A_2] : memref<6x8x16384xf32, #tpu.memory_space<hbm>> -> memref<1x1x512xf32, #tpu.memory_space<hbm>>
      %dma_start3A_239 = tpu.memref_squeeze %dma_start3A_238 : memref<1x1x512xf32, #tpu.memory_space<hbm>> -> memref<512xf32, #tpu.memory_space<hbm>>
      %dma_start3A_240 = arith.constant 13824 : i32
      %dma_start3A_241 = tpu.memref_slice %arg8[%dma_start3A_240] : memref<18432xf32, #tpu.memory_space<vmem>> -> memref<512xf32, #tpu.memory_space<vmem>>
      tpu.enqueue_dma source(%dma_start3A_241 : memref<512xf32, #tpu.memory_space<vmem>>) target(%dma_start3A_239 : memref<512xf32, #tpu.memory_space<hbm>>) target_semaphore(%run_scoped3A_233 : memref<!tpu.dma_semaphore, #tpu.memory_space<semaphore_mem>>)
      %dma_wait3A_242 = arith.constant 13824 : i32
      %dma_wait3A_243 = tpu.memref_slice %arg8[%dma_wait3A_242] : memref<18432xf32, #tpu.memory_space<vmem>> -> memref<512xf32, #tpu.memory_space<vmem>>
      %dma_wait3A_244 = tpu.memref_slice %arg4[%run_scoped3A_179, %run_scoped3A_180, %mul3A_2] : memref<6x8x16384xf32, #tpu.memory_space<hbm>> -> memref<1x1x512xf32, #tpu.memory_space<hbm>>
      %dma_wait3A_245 = tpu.memref_squeeze %dma_wait3A_244 : memref<1x1x512xf32, #tpu.memory_space<hbm>> -> memref<512xf32, #tpu.memory_space<hbm>>
      %dma_wait3A_246 = tpu.memref_slice %arg4[%run_scoped3A_179, %run_scoped3A_180, %mul3A_2] : memref<6x8x16384xf32, #tpu.memory_space<hbm>> -> memref<1x1x512xf32, #tpu.memory_space<hbm>>
      %dma_wait3A_247 = tpu.memref_squeeze %dma_wait3A_246 : memref<1x1x512xf32, #tpu.memory_space<hbm>> -> memref<512xf32, #tpu.memory_space<hbm>>
      %dma_wait3A_248 = arith.constant 13824 : i32
      %dma_wait3A_249 = tpu.memref_slice %arg8[%dma_wait3A_248] : memref<18432xf32, #tpu.memory_space<vmem>> -> memref<512xf32, #tpu.memory_space<vmem>>
      tpu.wait_dma2 semaphore(%run_scoped3A_233 : memref<!tpu.dma_semaphore, #tpu.memory_space<semaphore_mem>>) src(%dma_wait3A_249 : memref<512xf32, #tpu.memory_space<vmem>>) dst(%dma_wait3A_247 : memref<512xf32, #tpu.memory_space<hbm>>)
      tpu.yield
    }) : () -> ()
    %run_scoped3A_181 = arith.constant 4 : i32
    %run_scoped3A_182 = arith.constant 4 : i32
    "tpu.region"() ({
      %run_scoped3A_233 = tpu.sem_alloc : memref<!tpu.dma_semaphore, #tpu.memory_space<semaphore_mem>>
      %dma_start3A_234 = arith.constant 14336 : i32
      %dma_start3A_235 = tpu.memref_slice %arg8[%dma_start3A_234] : memref<18432xf32, #tpu.memory_space<vmem>> -> memref<512xf32, #tpu.memory_space<vmem>>
      %dma_start3A_236 = tpu.memref_slice %arg4[%run_scoped3A_181, %run_scoped3A_182, %mul3A_2] : memref<6x8x16384xf32, #tpu.memory_space<hbm>> -> memref<1x1x512xf32, #tpu.memory_space<hbm>>
      %dma_start3A_237 = tpu.memref_squeeze %dma_start3A_236 : memref<1x1x512xf32, #tpu.memory_space<hbm>> -> memref<512xf32, #tpu.memory_space<hbm>>
      %dma_start3A_238 = tpu.memref_slice %arg4[%run_scoped3A_181, %run_scoped3A_182, %mul3A_2] : memref<6x8x16384xf32, #tpu.memory_space<hbm>> -> memref<1x1x512xf32, #tpu.memory_space<hbm>>
      %dma_start3A_239 = tpu.memref_squeeze %dma_start3A_238 : memref<1x1x512xf32, #tpu.memory_space<hbm>> -> memref<512xf32, #tpu.memory_space<hbm>>
      %dma_start3A_240 = arith.constant 14336 : i32
      %dma_start3A_241 = tpu.memref_slice %arg8[%dma_start3A_240] : memref<18432xf32, #tpu.memory_space<vmem>> -> memref<512xf32, #tpu.memory_space<vmem>>
      tpu.enqueue_dma source(%dma_start3A_241 : memref<512xf32, #tpu.memory_space<vmem>>) target(%dma_start3A_239 : memref<512xf32, #tpu.memory_space<hbm>>) target_semaphore(%run_scoped3A_233 : memref<!tpu.dma_semaphore, #tpu.memory_space<semaphore_mem>>)
      %dma_wait3A_242 = arith.constant 14336 : i32
      %dma_wait3A_243 = tpu.memref_slice %arg8[%dma_wait3A_242] : memref<18432xf32, #tpu.memory_space<vmem>> -> memref<512xf32, #tpu.memory_space<vmem>>
      %dma_wait3A_244 = tpu.memref_slice %arg4[%run_scoped3A_181, %run_scoped3A_182, %mul3A_2] : memref<6x8x16384xf32, #tpu.memory_space<hbm>> -> memref<1x1x512xf32, #tpu.memory_space<hbm>>
      %dma_wait3A_245 = tpu.memref_squeeze %dma_wait3A_244 : memref<1x1x512xf32, #tpu.memory_space<hbm>> -> memref<512xf32, #tpu.memory_space<hbm>>
      %dma_wait3A_246 = tpu.memref_slice %arg4[%run_scoped3A_181, %run_scoped3A_182, %mul3A_2] : memref<6x8x16384xf32, #tpu.memory_space<hbm>> -> memref<1x1x512xf32, #tpu.memory_space<hbm>>
      %dma_wait3A_247 = tpu.memref_squeeze %dma_wait3A_246 : memref<1x1x512xf32, #tpu.memory_space<hbm>> -> memref<512xf32, #tpu.memory_space<hbm>>
      %dma_wait3A_248 = arith.constant 14336 : i32
      %dma_wait3A_249 = tpu.memref_slice %arg8[%dma_wait3A_248] : memref<18432xf32, #tpu.memory_space<vmem>> -> memref<512xf32, #tpu.memory_space<vmem>>
      tpu.wait_dma2 semaphore(%run_scoped3A_233 : memref<!tpu.dma_semaphore, #tpu.memory_space<semaphore_mem>>) src(%dma_wait3A_249 : memref<512xf32, #tpu.memory_space<vmem>>) dst(%dma_wait3A_247 : memref<512xf32, #tpu.memory_space<hbm>>)
      tpu.yield
    }) : () -> ()
    %run_scoped3A_183 = arith.constant 4 : i32
    %run_scoped3A_184 = arith.constant 5 : i32
    "tpu.region"() ({
      %run_scoped3A_233 = tpu.sem_alloc : memref<!tpu.dma_semaphore, #tpu.memory_space<semaphore_mem>>
      %dma_start3A_234 = arith.constant 14848 : i32
      %dma_start3A_235 = tpu.memref_slice %arg8[%dma_start3A_234] : memref<18432xf32, #tpu.memory_space<vmem>> -> memref<512xf32, #tpu.memory_space<vmem>>
      %dma_start3A_236 = tpu.memref_slice %arg4[%run_scoped3A_183, %run_scoped3A_184, %mul3A_2] : memref<6x8x16384xf32, #tpu.memory_space<hbm>> -> memref<1x1x512xf32, #tpu.memory_space<hbm>>
      %dma_start3A_237 = tpu.memref_squeeze %dma_start3A_236 : memref<1x1x512xf32, #tpu.memory_space<hbm>> -> memref<512xf32, #tpu.memory_space<hbm>>
      %dma_start3A_238 = tpu.memref_slice %arg4[%run_scoped3A_183, %run_scoped3A_184, %mul3A_2] : memref<6x8x16384xf32, #tpu.memory_space<hbm>> -> memref<1x1x512xf32, #tpu.memory_space<hbm>>
      %dma_start3A_239 = tpu.memref_squeeze %dma_start3A_238 : memref<1x1x512xf32, #tpu.memory_space<hbm>> -> memref<512xf32, #tpu.memory_space<hbm>>
      %dma_start3A_240 = arith.constant 14848 : i32
      %dma_start3A_241 = tpu.memref_slice %arg8[%dma_start3A_240] : memref<18432xf32, #tpu.memory_space<vmem>> -> memref<512xf32, #tpu.memory_space<vmem>>
      tpu.enqueue_dma source(%dma_start3A_241 : memref<512xf32, #tpu.memory_space<vmem>>) target(%dma_start3A_239 : memref<512xf32, #tpu.memory_space<hbm>>) target_semaphore(%run_scoped3A_233 : memref<!tpu.dma_semaphore, #tpu.memory_space<semaphore_mem>>)
      %dma_wait3A_242 = arith.constant 14848 : i32
      %dma_wait3A_243 = tpu.memref_slice %arg8[%dma_wait3A_242] : memref<18432xf32, #tpu.memory_space<vmem>> -> memref<512xf32, #tpu.memory_space<vmem>>
      %dma_wait3A_244 = tpu.memref_slice %arg4[%run_scoped3A_183, %run_scoped3A_184, %mul3A_2] : memref<6x8x16384xf32, #tpu.memory_space<hbm>> -> memref<1x1x512xf32, #tpu.memory_space<hbm>>
      %dma_wait3A_245 = tpu.memref_squeeze %dma_wait3A_244 : memref<1x1x512xf32, #tpu.memory_space<hbm>> -> memref<512xf32, #tpu.memory_space<hbm>>
      %dma_wait3A_246 = tpu.memref_slice %arg4[%run_scoped3A_183, %run_scoped3A_184, %mul3A_2] : memref<6x8x16384xf32, #tpu.memory_space<hbm>> -> memref<1x1x512xf32, #tpu.memory_space<hbm>>
      %dma_wait3A_247 = tpu.memref_squeeze %dma_wait3A_246 : memref<1x1x512xf32, #tpu.memory_space<hbm>> -> memref<512xf32, #tpu.memory_space<hbm>>
      %dma_wait3A_248 = arith.constant 14848 : i32
      %dma_wait3A_249 = tpu.memref_slice %arg8[%dma_wait3A_248] : memref<18432xf32, #tpu.memory_space<vmem>> -> memref<512xf32, #tpu.memory_space<vmem>>
      tpu.wait_dma2 semaphore(%run_scoped3A_233 : memref<!tpu.dma_semaphore, #tpu.memory_space<semaphore_mem>>) src(%dma_wait3A_249 : memref<512xf32, #tpu.memory_space<vmem>>) dst(%dma_wait3A_247 : memref<512xf32, #tpu.memory_space<hbm>>)
      tpu.yield
    }) : () -> ()
    %run_scoped3A_185 = arith.constant 5 : i32
    %run_scoped3A_186 = arith.constant 0 : i32
    "tpu.region"() ({
      %run_scoped3A_233 = tpu.sem_alloc : memref<!tpu.dma_semaphore, #tpu.memory_space<semaphore_mem>>
      %dma_start3A_234 = arith.constant 15360 : i32
      %dma_start3A_235 = tpu.memref_slice %arg8[%dma_start3A_234] : memref<18432xf32, #tpu.memory_space<vmem>> -> memref<512xf32, #tpu.memory_space<vmem>>
      %dma_start3A_236 = tpu.memref_slice %arg4[%run_scoped3A_185, %run_scoped3A_186, %mul3A_2] : memref<6x8x16384xf32, #tpu.memory_space<hbm>> -> memref<1x1x512xf32, #tpu.memory_space<hbm>>
      %dma_start3A_237 = tpu.memref_squeeze %dma_start3A_236 : memref<1x1x512xf32, #tpu.memory_space<hbm>> -> memref<512xf32, #tpu.memory_space<hbm>>
      %dma_start3A_238 = tpu.memref_slice %arg4[%run_scoped3A_185, %run_scoped3A_186, %mul3A_2] : memref<6x8x16384xf32, #tpu.memory_space<hbm>> -> memref<1x1x512xf32, #tpu.memory_space<hbm>>
      %dma_start3A_239 = tpu.memref_squeeze %dma_start3A_238 : memref<1x1x512xf32, #tpu.memory_space<hbm>> -> memref<512xf32, #tpu.memory_space<hbm>>
      %dma_start3A_240 = arith.constant 15360 : i32
      %dma_start3A_241 = tpu.memref_slice %arg8[%dma_start3A_240] : memref<18432xf32, #tpu.memory_space<vmem>> -> memref<512xf32, #tpu.memory_space<vmem>>
      tpu.enqueue_dma source(%dma_start3A_241 : memref<512xf32, #tpu.memory_space<vmem>>) target(%dma_start3A_239 : memref<512xf32, #tpu.memory_space<hbm>>) target_semaphore(%run_scoped3A_233 : memref<!tpu.dma_semaphore, #tpu.memory_space<semaphore_mem>>)
      %dma_wait3A_242 = arith.constant 15360 : i32
      %dma_wait3A_243 = tpu.memref_slice %arg8[%dma_wait3A_242] : memref<18432xf32, #tpu.memory_space<vmem>> -> memref<512xf32, #tpu.memory_space<vmem>>
      %dma_wait3A_244 = tpu.memref_slice %arg4[%run_scoped3A_185, %run_scoped3A_186, %mul3A_2] : memref<6x8x16384xf32, #tpu.memory_space<hbm>> -> memref<1x1x512xf32, #tpu.memory_space<hbm>>
      %dma_wait3A_245 = tpu.memref_squeeze %dma_wait3A_244 : memref<1x1x512xf32, #tpu.memory_space<hbm>> -> memref<512xf32, #tpu.memory_space<hbm>>
      %dma_wait3A_246 = tpu.memref_slice %arg4[%run_scoped3A_185, %run_scoped3A_186, %mul3A_2] : memref<6x8x16384xf32, #tpu.memory_space<hbm>> -> memref<1x1x512xf32, #tpu.memory_space<hbm>>
      %dma_wait3A_247 = tpu.memref_squeeze %dma_wait3A_246 : memref<1x1x512xf32, #tpu.memory_space<hbm>> -> memref<512xf32, #tpu.memory_space<hbm>>
      %dma_wait3A_248 = arith.constant 15360 : i32
      %dma_wait3A_249 = tpu.memref_slice %arg8[%dma_wait3A_248] : memref<18432xf32, #tpu.memory_space<vmem>> -> memref<512xf32, #tpu.memory_space<vmem>>
      tpu.wait_dma2 semaphore(%run_scoped3A_233 : memref<!tpu.dma_semaphore, #tpu.memory_space<semaphore_mem>>) src(%dma_wait3A_249 : memref<512xf32, #tpu.memory_space<vmem>>) dst(%dma_wait3A_247 : memref<512xf32, #tpu.memory_space<hbm>>)
      tpu.yield
    }) : () -> ()
    %run_scoped3A_187 = arith.constant 5 : i32
    %run_scoped3A_188 = arith.constant 1 : i32
    "tpu.region"() ({
      %run_scoped3A_233 = tpu.sem_alloc : memref<!tpu.dma_semaphore, #tpu.memory_space<semaphore_mem>>
      %dma_start3A_234 = arith.constant 15872 : i32
      %dma_start3A_235 = tpu.memref_slice %arg8[%dma_start3A_234] : memref<18432xf32, #tpu.memory_space<vmem>> -> memref<512xf32, #tpu.memory_space<vmem>>
      %dma_start3A_236 = tpu.memref_slice %arg4[%run_scoped3A_187, %run_scoped3A_188, %mul3A_2] : memref<6x8x16384xf32, #tpu.memory_space<hbm>> -> memref<1x1x512xf32, #tpu.memory_space<hbm>>
      %dma_start3A_237 = tpu.memref_squeeze %dma_start3A_236 : memref<1x1x512xf32, #tpu.memory_space<hbm>> -> memref<512xf32, #tpu.memory_space<hbm>>
      %dma_start3A_238 = tpu.memref_slice %arg4[%run_scoped3A_187, %run_scoped3A_188, %mul3A_2] : memref<6x8x16384xf32, #tpu.memory_space<hbm>> -> memref<1x1x512xf32, #tpu.memory_space<hbm>>
      %dma_start3A_239 = tpu.memref_squeeze %dma_start3A_238 : memref<1x1x512xf32, #tpu.memory_space<hbm>> -> memref<512xf32, #tpu.memory_space<hbm>>
      %dma_start3A_240 = arith.constant 15872 : i32
      %dma_start3A_241 = tpu.memref_slice %arg8[%dma_start3A_240] : memref<18432xf32, #tpu.memory_space<vmem>> -> memref<512xf32, #tpu.memory_space<vmem>>
      tpu.enqueue_dma source(%dma_start3A_241 : memref<512xf32, #tpu.memory_space<vmem>>) target(%dma_start3A_239 : memref<512xf32, #tpu.memory_space<hbm>>) target_semaphore(%run_scoped3A_233 : memref<!tpu.dma_semaphore, #tpu.memory_space<semaphore_mem>>)
      %dma_wait3A_242 = arith.constant 15872 : i32
      %dma_wait3A_243 = tpu.memref_slice %arg8[%dma_wait3A_242] : memref<18432xf32, #tpu.memory_space<vmem>> -> memref<512xf32, #tpu.memory_space<vmem>>
      %dma_wait3A_244 = tpu.memref_slice %arg4[%run_scoped3A_187, %run_scoped3A_188, %mul3A_2] : memref<6x8x16384xf32, #tpu.memory_space<hbm>> -> memref<1x1x512xf32, #tpu.memory_space<hbm>>
      %dma_wait3A_245 = tpu.memref_squeeze %dma_wait3A_244 : memref<1x1x512xf32, #tpu.memory_space<hbm>> -> memref<512xf32, #tpu.memory_space<hbm>>
      %dma_wait3A_246 = tpu.memref_slice %arg4[%run_scoped3A_187, %run_scoped3A_188, %mul3A_2] : memref<6x8x16384xf32, #tpu.memory_space<hbm>> -> memref<1x1x512xf32, #tpu.memory_space<hbm>>
      %dma_wait3A_247 = tpu.memref_squeeze %dma_wait3A_246 : memref<1x1x512xf32, #tpu.memory_space<hbm>> -> memref<512xf32, #tpu.memory_space<hbm>>
      %dma_wait3A_248 = arith.constant 15872 : i32
      %dma_wait3A_249 = tpu.memref_slice %arg8[%dma_wait3A_248] : memref<18432xf32, #tpu.memory_space<vmem>> -> memref<512xf32, #tpu.memory_space<vmem>>
      tpu.wait_dma2 semaphore(%run_scoped3A_233 : memref<!tpu.dma_semaphore, #tpu.memory_space<semaphore_mem>>) src(%dma_wait3A_249 : memref<512xf32, #tpu.memory_space<vmem>>) dst(%dma_wait3A_247 : memref<512xf32, #tpu.memory_space<hbm>>)
      tpu.yield
    }) : () -> ()
    %run_scoped3A_189 = arith.constant 5 : i32
    %run_scoped3A_190 = arith.constant 2 : i32
    "tpu.region"() ({
      %run_scoped3A_233 = tpu.sem_alloc : memref<!tpu.dma_semaphore, #tpu.memory_space<semaphore_mem>>
      %dma_start3A_234 = arith.constant 16384 : i32
      %dma_start3A_235 = tpu.memref_slice %arg8[%dma_start3A_234] : memref<18432xf32, #tpu.memory_space<vmem>> -> memref<512xf32, #tpu.memory_space<vmem>>
      %dma_start3A_236 = tpu.memref_slice %arg4[%run_scoped3A_189, %run_scoped3A_190, %mul3A_2] : memref<6x8x16384xf32, #tpu.memory_space<hbm>> -> memref<1x1x512xf32, #tpu.memory_space<hbm>>
      %dma_start3A_237 = tpu.memref_squeeze %dma_start3A_236 : memref<1x1x512xf32, #tpu.memory_space<hbm>> -> memref<512xf32, #tpu.memory_space<hbm>>
      %dma_start3A_238 = tpu.memref_slice %arg4[%run_scoped3A_189, %run_scoped3A_190, %mul3A_2] : memref<6x8x16384xf32, #tpu.memory_space<hbm>> -> memref<1x1x512xf32, #tpu.memory_space<hbm>>
      %dma_start3A_239 = tpu.memref_squeeze %dma_start3A_238 : memref<1x1x512xf32, #tpu.memory_space<hbm>> -> memref<512xf32, #tpu.memory_space<hbm>>
      %dma_start3A_240 = arith.constant 16384 : i32
      %dma_start3A_241 = tpu.memref_slice %arg8[%dma_start3A_240] : memref<18432xf32, #tpu.memory_space<vmem>> -> memref<512xf32, #tpu.memory_space<vmem>>
      tpu.enqueue_dma source(%dma_start3A_241 : memref<512xf32, #tpu.memory_space<vmem>>) target(%dma_start3A_239 : memref<512xf32, #tpu.memory_space<hbm>>) target_semaphore(%run_scoped3A_233 : memref<!tpu.dma_semaphore, #tpu.memory_space<semaphore_mem>>)
      %dma_wait3A_242 = arith.constant 16384 : i32
      %dma_wait3A_243 = tpu.memref_slice %arg8[%dma_wait3A_242] : memref<18432xf32, #tpu.memory_space<vmem>> -> memref<512xf32, #tpu.memory_space<vmem>>
      %dma_wait3A_244 = tpu.memref_slice %arg4[%run_scoped3A_189, %run_scoped3A_190, %mul3A_2] : memref<6x8x16384xf32, #tpu.memory_space<hbm>> -> memref<1x1x512xf32, #tpu.memory_space<hbm>>
      %dma_wait3A_245 = tpu.memref_squeeze %dma_wait3A_244 : memref<1x1x512xf32, #tpu.memory_space<hbm>> -> memref<512xf32, #tpu.memory_space<hbm>>
      %dma_wait3A_246 = tpu.memref_slice %arg4[%run_scoped3A_189, %run_scoped3A_190, %mul3A_2] : memref<6x8x16384xf32, #tpu.memory_space<hbm>> -> memref<1x1x512xf32, #tpu.memory_space<hbm>>
      %dma_wait3A_247 = tpu.memref_squeeze %dma_wait3A_246 : memref<1x1x512xf32, #tpu.memory_space<hbm>> -> memref<512xf32, #tpu.memory_space<hbm>>
      %dma_wait3A_248 = arith.constant 16384 : i32
      %dma_wait3A_249 = tpu.memref_slice %arg8[%dma_wait3A_248] : memref<18432xf32, #tpu.memory_space<vmem>> -> memref<512xf32, #tpu.memory_space<vmem>>
      tpu.wait_dma2 semaphore(%run_scoped3A_233 : memref<!tpu.dma_semaphore, #tpu.memory_space<semaphore_mem>>) src(%dma_wait3A_249 : memref<512xf32, #tpu.memory_space<vmem>>) dst(%dma_wait3A_247 : memref<512xf32, #tpu.memory_space<hbm>>)
      tpu.yield
    }) : () -> ()
    %run_scoped3A_191 = arith.constant 5 : i32
    %run_scoped3A_192 = arith.constant 3 : i32
    "tpu.region"() ({
      %run_scoped3A_233 = tpu.sem_alloc : memref<!tpu.dma_semaphore, #tpu.memory_space<semaphore_mem>>
      %dma_start3A_234 = arith.constant 16896 : i32
      %dma_start3A_235 = tpu.memref_slice %arg8[%dma_start3A_234] : memref<18432xf32, #tpu.memory_space<vmem>> -> memref<512xf32, #tpu.memory_space<vmem>>
      %dma_start3A_236 = tpu.memref_slice %arg4[%run_scoped3A_191, %run_scoped3A_192, %mul3A_2] : memref<6x8x16384xf32, #tpu.memory_space<hbm>> -> memref<1x1x512xf32, #tpu.memory_space<hbm>>
      %dma_start3A_237 = tpu.memref_squeeze %dma_start3A_236 : memref<1x1x512xf32, #tpu.memory_space<hbm>> -> memref<512xf32, #tpu.memory_space<hbm>>
      %dma_start3A_238 = tpu.memref_slice %arg4[%run_scoped3A_191, %run_scoped3A_192, %mul3A_2] : memref<6x8x16384xf32, #tpu.memory_space<hbm>> -> memref<1x1x512xf32, #tpu.memory_space<hbm>>
      %dma_start3A_239 = tpu.memref_squeeze %dma_start3A_238 : memref<1x1x512xf32, #tpu.memory_space<hbm>> -> memref<512xf32, #tpu.memory_space<hbm>>
      %dma_start3A_240 = arith.constant 16896 : i32
      %dma_start3A_241 = tpu.memref_slice %arg8[%dma_start3A_240] : memref<18432xf32, #tpu.memory_space<vmem>> -> memref<512xf32, #tpu.memory_space<vmem>>
      tpu.enqueue_dma source(%dma_start3A_241 : memref<512xf32, #tpu.memory_space<vmem>>) target(%dma_start3A_239 : memref<512xf32, #tpu.memory_space<hbm>>) target_semaphore(%run_scoped3A_233 : memref<!tpu.dma_semaphore, #tpu.memory_space<semaphore_mem>>)
      %dma_wait3A_242 = arith.constant 16896 : i32
      %dma_wait3A_243 = tpu.memref_slice %arg8[%dma_wait3A_242] : memref<18432xf32, #tpu.memory_space<vmem>> -> memref<512xf32, #tpu.memory_space<vmem>>
      %dma_wait3A_244 = tpu.memref_slice %arg4[%run_scoped3A_191, %run_scoped3A_192, %mul3A_2] : memref<6x8x16384xf32, #tpu.memory_space<hbm>> -> memref<1x1x512xf32, #tpu.memory_space<hbm>>
      %dma_wait3A_245 = tpu.memref_squeeze %dma_wait3A_244 : memref<1x1x512xf32, #tpu.memory_space<hbm>> -> memref<512xf32, #tpu.memory_space<hbm>>
      %dma_wait3A_246 = tpu.memref_slice %arg4[%run_scoped3A_191, %run_scoped3A_192, %mul3A_2] : memref<6x8x16384xf32, #tpu.memory_space<hbm>> -> memref<1x1x512xf32, #tpu.memory_space<hbm>>
      %dma_wait3A_247 = tpu.memref_squeeze %dma_wait3A_246 : memref<1x1x512xf32, #tpu.memory_space<hbm>> -> memref<512xf32, #tpu.memory_space<hbm>>
      %dma_wait3A_248 = arith.constant 16896 : i32
      %dma_wait3A_249 = tpu.memref_slice %arg8[%dma_wait3A_248] : memref<18432xf32, #tpu.memory_space<vmem>> -> memref<512xf32, #tpu.memory_space<vmem>>
      tpu.wait_dma2 semaphore(%run_scoped3A_233 : memref<!tpu.dma_semaphore, #tpu.memory_space<semaphore_mem>>) src(%dma_wait3A_249 : memref<512xf32, #tpu.memory_space<vmem>>) dst(%dma_wait3A_247 : memref<512xf32, #tpu.memory_space<hbm>>)
      tpu.yield
    }) : () -> ()
    %run_scoped3A_193 = arith.constant 5 : i32
    %run_scoped3A_194 = arith.constant 4 : i32
    "tpu.region"() ({
      %run_scoped3A_233 = tpu.sem_alloc : memref<!tpu.dma_semaphore, #tpu.memory_space<semaphore_mem>>
      %dma_start3A_234 = arith.constant 17408 : i32
      %dma_start3A_235 = tpu.memref_slice %arg8[%dma_start3A_234] : memref<18432xf32, #tpu.memory_space<vmem>> -> memref<512xf32, #tpu.memory_space<vmem>>
      %dma_start3A_236 = tpu.memref_slice %arg4[%run_scoped3A_193, %run_scoped3A_194, %mul3A_2] : memref<6x8x16384xf32, #tpu.memory_space<hbm>> -> memref<1x1x512xf32, #tpu.memory_space<hbm>>
      %dma_start3A_237 = tpu.memref_squeeze %dma_start3A_236 : memref<1x1x512xf32, #tpu.memory_space<hbm>> -> memref<512xf32, #tpu.memory_space<hbm>>
      %dma_start3A_238 = tpu.memref_slice %arg4[%run_scoped3A_193, %run_scoped3A_194, %mul3A_2] : memref<6x8x16384xf32, #tpu.memory_space<hbm>> -> memref<1x1x512xf32, #tpu.memory_space<hbm>>
      %dma_start3A_239 = tpu.memref_squeeze %dma_start3A_238 : memref<1x1x512xf32, #tpu.memory_space<hbm>> -> memref<512xf32, #tpu.memory_space<hbm>>
      %dma_start3A_240 = arith.constant 17408 : i32
      %dma_start3A_241 = tpu.memref_slice %arg8[%dma_start3A_240] : memref<18432xf32, #tpu.memory_space<vmem>> -> memref<512xf32, #tpu.memory_space<vmem>>
      tpu.enqueue_dma source(%dma_start3A_241 : memref<512xf32, #tpu.memory_space<vmem>>) target(%dma_start3A_239 : memref<512xf32, #tpu.memory_space<hbm>>) target_semaphore(%run_scoped3A_233 : memref<!tpu.dma_semaphore, #tpu.memory_space<semaphore_mem>>)
      %dma_wait3A_242 = arith.constant 17408 : i32
      %dma_wait3A_243 = tpu.memref_slice %arg8[%dma_wait3A_242] : memref<18432xf32, #tpu.memory_space<vmem>> -> memref<512xf32, #tpu.memory_space<vmem>>
      %dma_wait3A_244 = tpu.memref_slice %arg4[%run_scoped3A_193, %run_scoped3A_194, %mul3A_2] : memref<6x8x16384xf32, #tpu.memory_space<hbm>> -> memref<1x1x512xf32, #tpu.memory_space<hbm>>
      %dma_wait3A_245 = tpu.memref_squeeze %dma_wait3A_244 : memref<1x1x512xf32, #tpu.memory_space<hbm>> -> memref<512xf32, #tpu.memory_space<hbm>>
      %dma_wait3A_246 = tpu.memref_slice %arg4[%run_scoped3A_193, %run_scoped3A_194, %mul3A_2] : memref<6x8x16384xf32, #tpu.memory_space<hbm>> -> memref<1x1x512xf32, #tpu.memory_space<hbm>>
      %dma_wait3A_247 = tpu.memref_squeeze %dma_wait3A_246 : memref<1x1x512xf32, #tpu.memory_space<hbm>> -> memref<512xf32, #tpu.memory_space<hbm>>
      %dma_wait3A_248 = arith.constant 17408 : i32
      %dma_wait3A_249 = tpu.memref_slice %arg8[%dma_wait3A_248] : memref<18432xf32, #tpu.memory_space<vmem>> -> memref<512xf32, #tpu.memory_space<vmem>>
      tpu.wait_dma2 semaphore(%run_scoped3A_233 : memref<!tpu.dma_semaphore, #tpu.memory_space<semaphore_mem>>) src(%dma_wait3A_249 : memref<512xf32, #tpu.memory_space<vmem>>) dst(%dma_wait3A_247 : memref<512xf32, #tpu.memory_space<hbm>>)
      tpu.yield
    }) : () -> ()
    %run_scoped3A_195 = arith.constant 5 : i32
    %run_scoped3A_196 = arith.constant 5 : i32
    "tpu.region"() ({
      %run_scoped3A_233 = tpu.sem_alloc : memref<!tpu.dma_semaphore, #tpu.memory_space<semaphore_mem>>
      %dma_start3A_234 = arith.constant 17920 : i32
      %dma_start3A_235 = tpu.memref_slice %arg8[%dma_start3A_234] : memref<18432xf32, #tpu.memory_space<vmem>> -> memref<512xf32, #tpu.memory_space<vmem>>
      %dma_start3A_236 = tpu.memref_slice %arg4[%run_scoped3A_195, %run_scoped3A_196, %mul3A_2] : memref<6x8x16384xf32, #tpu.memory_space<hbm>> -> memref<1x1x512xf32, #tpu.memory_space<hbm>>
      %dma_start3A_237 = tpu.memref_squeeze %dma_start3A_236 : memref<1x1x512xf32, #tpu.memory_space<hbm>> -> memref<512xf32, #tpu.memory_space<hbm>>
      %dma_start3A_238 = tpu.memref_slice %arg4[%run_scoped3A_195, %run_scoped3A_196, %mul3A_2] : memref<6x8x16384xf32, #tpu.memory_space<hbm>> -> memref<1x1x512xf32, #tpu.memory_space<hbm>>
      %dma_start3A_239 = tpu.memref_squeeze %dma_start3A_238 : memref<1x1x512xf32, #tpu.memory_space<hbm>> -> memref<512xf32, #tpu.memory_space<hbm>>
      %dma_start3A_240 = arith.constant 17920 : i32
      %dma_start3A_241 = tpu.memref_slice %arg8[%dma_start3A_240] : memref<18432xf32, #tpu.memory_space<vmem>> -> memref<512xf32, #tpu.memory_space<vmem>>
      tpu.enqueue_dma source(%dma_start3A_241 : memref<512xf32, #tpu.memory_space<vmem>>) target(%dma_start3A_239 : memref<512xf32, #tpu.memory_space<hbm>>) target_semaphore(%run_scoped3A_233 : memref<!tpu.dma_semaphore, #tpu.memory_space<semaphore_mem>>)
      %dma_wait3A_242 = arith.constant 17920 : i32
      %dma_wait3A_243 = tpu.memref_slice %arg8[%dma_wait3A_242] : memref<18432xf32, #tpu.memory_space<vmem>> -> memref<512xf32, #tpu.memory_space<vmem>>
      %dma_wait3A_244 = tpu.memref_slice %arg4[%run_scoped3A_195, %run_scoped3A_196, %mul3A_2] : memref<6x8x16384xf32, #tpu.memory_space<hbm>> -> memref<1x1x512xf32, #tpu.memory_space<hbm>>
      %dma_wait3A_245 = tpu.memref_squeeze %dma_wait3A_244 : memref<1x1x512xf32, #tpu.memory_space<hbm>> -> memref<512xf32, #tpu.memory_space<hbm>>
      %dma_wait3A_246 = tpu.memref_slice %arg4[%run_scoped3A_195, %run_scoped3A_196, %mul3A_2] : memref<6x8x16384xf32, #tpu.memory_space<hbm>> -> memref<1x1x512xf32, #tpu.memory_space<hbm>>
      %dma_wait3A_247 = tpu.memref_squeeze %dma_wait3A_246 : memref<1x1x512xf32, #tpu.memory_space<hbm>> -> memref<512xf32, #tpu.memory_space<hbm>>
      %dma_wait3A_248 = arith.constant 17920 : i32
      %dma_wait3A_249 = tpu.memref_slice %arg8[%dma_wait3A_248] : memref<18432xf32, #tpu.memory_space<vmem>> -> memref<512xf32, #tpu.memory_space<vmem>>
      tpu.wait_dma2 semaphore(%run_scoped3A_233 : memref<!tpu.dma_semaphore, #tpu.memory_space<semaphore_mem>>) src(%dma_wait3A_249 : memref<512xf32, #tpu.memory_space<vmem>>) dst(%dma_wait3A_247 : memref<512xf32, #tpu.memory_space<hbm>>)
      tpu.yield
    }) : () -> ()
    %run_scoped3A_197 = arith.constant 0 : i32
    %run_scoped3A_198 = arith.constant 0 : i32
    "tpu.region"() ({
      %run_scoped3A_233 = tpu.sem_alloc : memref<!tpu.dma_semaphore, #tpu.memory_space<semaphore_mem>>
      %dma_start3A_234 = arith.constant 0 : i32
      %dma_start3A_235 = tpu.memref_slice %arg9[%dma_start3A_234] : memref<9216xf32, #tpu.memory_space<vmem>> -> memref<512xf32, #tpu.memory_space<vmem>>
      %dma_start3A_236 = tpu.memref_slice %arg5[%run_scoped3A_197, %run_scoped3A_198, %mul3A_2] : memref<6x4x16384xf32, #tpu.memory_space<hbm>> -> memref<1x1x512xf32, #tpu.memory_space<hbm>>
      %dma_start3A_237 = tpu.memref_squeeze %dma_start3A_236 : memref<1x1x512xf32, #tpu.memory_space<hbm>> -> memref<512xf32, #tpu.memory_space<hbm>>
      %dma_start3A_238 = tpu.memref_slice %arg5[%run_scoped3A_197, %run_scoped3A_198, %mul3A_2] : memref<6x4x16384xf32, #tpu.memory_space<hbm>> -> memref<1x1x512xf32, #tpu.memory_space<hbm>>
      %dma_start3A_239 = tpu.memref_squeeze %dma_start3A_238 : memref<1x1x512xf32, #tpu.memory_space<hbm>> -> memref<512xf32, #tpu.memory_space<hbm>>
      %dma_start3A_240 = arith.constant 0 : i32
      %dma_start3A_241 = tpu.memref_slice %arg9[%dma_start3A_240] : memref<9216xf32, #tpu.memory_space<vmem>> -> memref<512xf32, #tpu.memory_space<vmem>>
      tpu.enqueue_dma source(%dma_start3A_241 : memref<512xf32, #tpu.memory_space<vmem>>) target(%dma_start3A_239 : memref<512xf32, #tpu.memory_space<hbm>>) target_semaphore(%run_scoped3A_233 : memref<!tpu.dma_semaphore, #tpu.memory_space<semaphore_mem>>)
      %dma_wait3A_242 = arith.constant 0 : i32
      %dma_wait3A_243 = tpu.memref_slice %arg9[%dma_wait3A_242] : memref<9216xf32, #tpu.memory_space<vmem>> -> memref<512xf32, #tpu.memory_space<vmem>>
      %dma_wait3A_244 = tpu.memref_slice %arg5[%run_scoped3A_197, %run_scoped3A_198, %mul3A_2] : memref<6x4x16384xf32, #tpu.memory_space<hbm>> -> memref<1x1x512xf32, #tpu.memory_space<hbm>>
      %dma_wait3A_245 = tpu.memref_squeeze %dma_wait3A_244 : memref<1x1x512xf32, #tpu.memory_space<hbm>> -> memref<512xf32, #tpu.memory_space<hbm>>
      %dma_wait3A_246 = tpu.memref_slice %arg5[%run_scoped3A_197, %run_scoped3A_198, %mul3A_2] : memref<6x4x16384xf32, #tpu.memory_space<hbm>> -> memref<1x1x512xf32, #tpu.memory_space<hbm>>
      %dma_wait3A_247 = tpu.memref_squeeze %dma_wait3A_246 : memref<1x1x512xf32, #tpu.memory_space<hbm>> -> memref<512xf32, #tpu.memory_space<hbm>>
      %dma_wait3A_248 = arith.constant 0 : i32
      %dma_wait3A_249 = tpu.memref_slice %arg9[%dma_wait3A_248] : memref<9216xf32, #tpu.memory_space<vmem>> -> memref<512xf32, #tpu.memory_space<vmem>>
      tpu.wait_dma2 semaphore(%run_scoped3A_233 : memref<!tpu.dma_semaphore, #tpu.memory_space<semaphore_mem>>) src(%dma_wait3A_249 : memref<512xf32, #tpu.memory_space<vmem>>) dst(%dma_wait3A_247 : memref<512xf32, #tpu.memory_space<hbm>>)
      tpu.yield
    }) : () -> ()
    %run_scoped3A_199 = arith.constant 0 : i32
    %run_scoped3A_200 = arith.constant 1 : i32
    "tpu.region"() ({
      %run_scoped3A_233 = tpu.sem_alloc : memref<!tpu.dma_semaphore, #tpu.memory_space<semaphore_mem>>
      %dma_start3A_234 = arith.constant 512 : i32
      %dma_start3A_235 = tpu.memref_slice %arg9[%dma_start3A_234] : memref<9216xf32, #tpu.memory_space<vmem>> -> memref<512xf32, #tpu.memory_space<vmem>>
      %dma_start3A_236 = tpu.memref_slice %arg5[%run_scoped3A_199, %run_scoped3A_200, %mul3A_2] : memref<6x4x16384xf32, #tpu.memory_space<hbm>> -> memref<1x1x512xf32, #tpu.memory_space<hbm>>
      %dma_start3A_237 = tpu.memref_squeeze %dma_start3A_236 : memref<1x1x512xf32, #tpu.memory_space<hbm>> -> memref<512xf32, #tpu.memory_space<hbm>>
      %dma_start3A_238 = tpu.memref_slice %arg5[%run_scoped3A_199, %run_scoped3A_200, %mul3A_2] : memref<6x4x16384xf32, #tpu.memory_space<hbm>> -> memref<1x1x512xf32, #tpu.memory_space<hbm>>
      %dma_start3A_239 = tpu.memref_squeeze %dma_start3A_238 : memref<1x1x512xf32, #tpu.memory_space<hbm>> -> memref<512xf32, #tpu.memory_space<hbm>>
      %dma_start3A_240 = arith.constant 512 : i32
      %dma_start3A_241 = tpu.memref_slice %arg9[%dma_start3A_240] : memref<9216xf32, #tpu.memory_space<vmem>> -> memref<512xf32, #tpu.memory_space<vmem>>
      tpu.enqueue_dma source(%dma_start3A_241 : memref<512xf32, #tpu.memory_space<vmem>>) target(%dma_start3A_239 : memref<512xf32, #tpu.memory_space<hbm>>) target_semaphore(%run_scoped3A_233 : memref<!tpu.dma_semaphore, #tpu.memory_space<semaphore_mem>>)
      %dma_wait3A_242 = arith.constant 512 : i32
      %dma_wait3A_243 = tpu.memref_slice %arg9[%dma_wait3A_242] : memref<9216xf32, #tpu.memory_space<vmem>> -> memref<512xf32, #tpu.memory_space<vmem>>
      %dma_wait3A_244 = tpu.memref_slice %arg5[%run_scoped3A_199, %run_scoped3A_200, %mul3A_2] : memref<6x4x16384xf32, #tpu.memory_space<hbm>> -> memref<1x1x512xf32, #tpu.memory_space<hbm>>
      %dma_wait3A_245 = tpu.memref_squeeze %dma_wait3A_244 : memref<1x1x512xf32, #tpu.memory_space<hbm>> -> memref<512xf32, #tpu.memory_space<hbm>>
      %dma_wait3A_246 = tpu.memref_slice %arg5[%run_scoped3A_199, %run_scoped3A_200, %mul3A_2] : memref<6x4x16384xf32, #tpu.memory_space<hbm>> -> memref<1x1x512xf32, #tpu.memory_space<hbm>>
      %dma_wait3A_247 = tpu.memref_squeeze %dma_wait3A_246 : memref<1x1x512xf32, #tpu.memory_space<hbm>> -> memref<512xf32, #tpu.memory_space<hbm>>
      %dma_wait3A_248 = arith.constant 512 : i32
      %dma_wait3A_249 = tpu.memref_slice %arg9[%dma_wait3A_248] : memref<9216xf32, #tpu.memory_space<vmem>> -> memref<512xf32, #tpu.memory_space<vmem>>
      tpu.wait_dma2 semaphore(%run_scoped3A_233 : memref<!tpu.dma_semaphore, #tpu.memory_space<semaphore_mem>>) src(%dma_wait3A_249 : memref<512xf32, #tpu.memory_space<vmem>>) dst(%dma_wait3A_247 : memref<512xf32, #tpu.memory_space<hbm>>)
      tpu.yield
    }) : () -> ()
    %run_scoped3A_201 = arith.constant 0 : i32
    %run_scoped3A_202 = arith.constant 2 : i32
    "tpu.region"() ({
      %run_scoped3A_233 = tpu.sem_alloc : memref<!tpu.dma_semaphore, #tpu.memory_space<semaphore_mem>>
      %dma_start3A_234 = arith.constant 1024 : i32
      %dma_start3A_235 = tpu.memref_slice %arg9[%dma_start3A_234] : memref<9216xf32, #tpu.memory_space<vmem>> -> memref<512xf32, #tpu.memory_space<vmem>>
      %dma_start3A_236 = tpu.memref_slice %arg5[%run_scoped3A_201, %run_scoped3A_202, %mul3A_2] : memref<6x4x16384xf32, #tpu.memory_space<hbm>> -> memref<1x1x512xf32, #tpu.memory_space<hbm>>
      %dma_start3A_237 = tpu.memref_squeeze %dma_start3A_236 : memref<1x1x512xf32, #tpu.memory_space<hbm>> -> memref<512xf32, #tpu.memory_space<hbm>>
      %dma_start3A_238 = tpu.memref_slice %arg5[%run_scoped3A_201, %run_scoped3A_202, %mul3A_2] : memref<6x4x16384xf32, #tpu.memory_space<hbm>> -> memref<1x1x512xf32, #tpu.memory_space<hbm>>
      %dma_start3A_239 = tpu.memref_squeeze %dma_start3A_238 : memref<1x1x512xf32, #tpu.memory_space<hbm>> -> memref<512xf32, #tpu.memory_space<hbm>>
      %dma_start3A_240 = arith.constant 1024 : i32
      %dma_start3A_241 = tpu.memref_slice %arg9[%dma_start3A_240] : memref<9216xf32, #tpu.memory_space<vmem>> -> memref<512xf32, #tpu.memory_space<vmem>>
      tpu.enqueue_dma source(%dma_start3A_241 : memref<512xf32, #tpu.memory_space<vmem>>) target(%dma_start3A_239 : memref<512xf32, #tpu.memory_space<hbm>>) target_semaphore(%run_scoped3A_233 : memref<!tpu.dma_semaphore, #tpu.memory_space<semaphore_mem>>)
      %dma_wait3A_242 = arith.constant 1024 : i32
      %dma_wait3A_243 = tpu.memref_slice %arg9[%dma_wait3A_242] : memref<9216xf32, #tpu.memory_space<vmem>> -> memref<512xf32, #tpu.memory_space<vmem>>
      %dma_wait3A_244 = tpu.memref_slice %arg5[%run_scoped3A_201, %run_scoped3A_202, %mul3A_2] : memref<6x4x16384xf32, #tpu.memory_space<hbm>> -> memref<1x1x512xf32, #tpu.memory_space<hbm>>
      %dma_wait3A_245 = tpu.memref_squeeze %dma_wait3A_244 : memref<1x1x512xf32, #tpu.memory_space<hbm>> -> memref<512xf32, #tpu.memory_space<hbm>>
      %dma_wait3A_246 = tpu.memref_slice %arg5[%run_scoped3A_201, %run_scoped3A_202, %mul3A_2] : memref<6x4x16384xf32, #tpu.memory_space<hbm>> -> memref<1x1x512xf32, #tpu.memory_space<hbm>>
      %dma_wait3A_247 = tpu.memref_squeeze %dma_wait3A_246 : memref<1x1x512xf32, #tpu.memory_space<hbm>> -> memref<512xf32, #tpu.memory_space<hbm>>
      %dma_wait3A_248 = arith.constant 1024 : i32
      %dma_wait3A_249 = tpu.memref_slice %arg9[%dma_wait3A_248] : memref<9216xf32, #tpu.memory_space<vmem>> -> memref<512xf32, #tpu.memory_space<vmem>>
      tpu.wait_dma2 semaphore(%run_scoped3A_233 : memref<!tpu.dma_semaphore, #tpu.memory_space<semaphore_mem>>) src(%dma_wait3A_249 : memref<512xf32, #tpu.memory_space<vmem>>) dst(%dma_wait3A_247 : memref<512xf32, #tpu.memory_space<hbm>>)
      tpu.yield
    }) : () -> ()
    %run_scoped3A_203 = arith.constant 1 : i32
    %run_scoped3A_204 = arith.constant 0 : i32
    "tpu.region"() ({
      %run_scoped3A_233 = tpu.sem_alloc : memref<!tpu.dma_semaphore, #tpu.memory_space<semaphore_mem>>
      %dma_start3A_234 = arith.constant 1536 : i32
      %dma_start3A_235 = tpu.memref_slice %arg9[%dma_start3A_234] : memref<9216xf32, #tpu.memory_space<vmem>> -> memref<512xf32, #tpu.memory_space<vmem>>
      %dma_start3A_236 = tpu.memref_slice %arg5[%run_scoped3A_203, %run_scoped3A_204, %mul3A_2] : memref<6x4x16384xf32, #tpu.memory_space<hbm>> -> memref<1x1x512xf32, #tpu.memory_space<hbm>>
      %dma_start3A_237 = tpu.memref_squeeze %dma_start3A_236 : memref<1x1x512xf32, #tpu.memory_space<hbm>> -> memref<512xf32, #tpu.memory_space<hbm>>
      %dma_start3A_238 = tpu.memref_slice %arg5[%run_scoped3A_203, %run_scoped3A_204, %mul3A_2] : memref<6x4x16384xf32, #tpu.memory_space<hbm>> -> memref<1x1x512xf32, #tpu.memory_space<hbm>>
      %dma_start3A_239 = tpu.memref_squeeze %dma_start3A_238 : memref<1x1x512xf32, #tpu.memory_space<hbm>> -> memref<512xf32, #tpu.memory_space<hbm>>
      %dma_start3A_240 = arith.constant 1536 : i32
      %dma_start3A_241 = tpu.memref_slice %arg9[%dma_start3A_240] : memref<9216xf32, #tpu.memory_space<vmem>> -> memref<512xf32, #tpu.memory_space<vmem>>
      tpu.enqueue_dma source(%dma_start3A_241 : memref<512xf32, #tpu.memory_space<vmem>>) target(%dma_start3A_239 : memref<512xf32, #tpu.memory_space<hbm>>) target_semaphore(%run_scoped3A_233 : memref<!tpu.dma_semaphore, #tpu.memory_space<semaphore_mem>>)
      %dma_wait3A_242 = arith.constant 1536 : i32
      %dma_wait3A_243 = tpu.memref_slice %arg9[%dma_wait3A_242] : memref<9216xf32, #tpu.memory_space<vmem>> -> memref<512xf32, #tpu.memory_space<vmem>>
      %dma_wait3A_244 = tpu.memref_slice %arg5[%run_scoped3A_203, %run_scoped3A_204, %mul3A_2] : memref<6x4x16384xf32, #tpu.memory_space<hbm>> -> memref<1x1x512xf32, #tpu.memory_space<hbm>>
      %dma_wait3A_245 = tpu.memref_squeeze %dma_wait3A_244 : memref<1x1x512xf32, #tpu.memory_space<hbm>> -> memref<512xf32, #tpu.memory_space<hbm>>
      %dma_wait3A_246 = tpu.memref_slice %arg5[%run_scoped3A_203, %run_scoped3A_204, %mul3A_2] : memref<6x4x16384xf32, #tpu.memory_space<hbm>> -> memref<1x1x512xf32, #tpu.memory_space<hbm>>
      %dma_wait3A_247 = tpu.memref_squeeze %dma_wait3A_246 : memref<1x1x512xf32, #tpu.memory_space<hbm>> -> memref<512xf32, #tpu.memory_space<hbm>>
      %dma_wait3A_248 = arith.constant 1536 : i32
      %dma_wait3A_249 = tpu.memref_slice %arg9[%dma_wait3A_248] : memref<9216xf32, #tpu.memory_space<vmem>> -> memref<512xf32, #tpu.memory_space<vmem>>
      tpu.wait_dma2 semaphore(%run_scoped3A_233 : memref<!tpu.dma_semaphore, #tpu.memory_space<semaphore_mem>>) src(%dma_wait3A_249 : memref<512xf32, #tpu.memory_space<vmem>>) dst(%dma_wait3A_247 : memref<512xf32, #tpu.memory_space<hbm>>)
      tpu.yield
    }) : () -> ()
    %run_scoped3A_205 = arith.constant 1 : i32
    %run_scoped3A_206 = arith.constant 1 : i32
    "tpu.region"() ({
      %run_scoped3A_233 = tpu.sem_alloc : memref<!tpu.dma_semaphore, #tpu.memory_space<semaphore_mem>>
      %dma_start3A_234 = arith.constant 2048 : i32
      %dma_start3A_235 = tpu.memref_slice %arg9[%dma_start3A_234] : memref<9216xf32, #tpu.memory_space<vmem>> -> memref<512xf32, #tpu.memory_space<vmem>>
      %dma_start3A_236 = tpu.memref_slice %arg5[%run_scoped3A_205, %run_scoped3A_206, %mul3A_2] : memref<6x4x16384xf32, #tpu.memory_space<hbm>> -> memref<1x1x512xf32, #tpu.memory_space<hbm>>
      %dma_start3A_237 = tpu.memref_squeeze %dma_start3A_236 : memref<1x1x512xf32, #tpu.memory_space<hbm>> -> memref<512xf32, #tpu.memory_space<hbm>>
      %dma_start3A_238 = tpu.memref_slice %arg5[%run_scoped3A_205, %run_scoped3A_206, %mul3A_2] : memref<6x4x16384xf32, #tpu.memory_space<hbm>> -> memref<1x1x512xf32, #tpu.memory_space<hbm>>
      %dma_start3A_239 = tpu.memref_squeeze %dma_start3A_238 : memref<1x1x512xf32, #tpu.memory_space<hbm>> -> memref<512xf32, #tpu.memory_space<hbm>>
      %dma_start3A_240 = arith.constant 2048 : i32
      %dma_start3A_241 = tpu.memref_slice %arg9[%dma_start3A_240] : memref<9216xf32, #tpu.memory_space<vmem>> -> memref<512xf32, #tpu.memory_space<vmem>>
      tpu.enqueue_dma source(%dma_start3A_241 : memref<512xf32, #tpu.memory_space<vmem>>) target(%dma_start3A_239 : memref<512xf32, #tpu.memory_space<hbm>>) target_semaphore(%run_scoped3A_233 : memref<!tpu.dma_semaphore, #tpu.memory_space<semaphore_mem>>)
      %dma_wait3A_242 = arith.constant 2048 : i32
      %dma_wait3A_243 = tpu.memref_slice %arg9[%dma_wait3A_242] : memref<9216xf32, #tpu.memory_space<vmem>> -> memref<512xf32, #tpu.memory_space<vmem>>
      %dma_wait3A_244 = tpu.memref_slice %arg5[%run_scoped3A_205, %run_scoped3A_206, %mul3A_2] : memref<6x4x16384xf32, #tpu.memory_space<hbm>> -> memref<1x1x512xf32, #tpu.memory_space<hbm>>
      %dma_wait3A_245 = tpu.memref_squeeze %dma_wait3A_244 : memref<1x1x512xf32, #tpu.memory_space<hbm>> -> memref<512xf32, #tpu.memory_space<hbm>>
      %dma_wait3A_246 = tpu.memref_slice %arg5[%run_scoped3A_205, %run_scoped3A_206, %mul3A_2] : memref<6x4x16384xf32, #tpu.memory_space<hbm>> -> memref<1x1x512xf32, #tpu.memory_space<hbm>>
      %dma_wait3A_247 = tpu.memref_squeeze %dma_wait3A_246 : memref<1x1x512xf32, #tpu.memory_space<hbm>> -> memref<512xf32, #tpu.memory_space<hbm>>
      %dma_wait3A_248 = arith.constant 2048 : i32
      %dma_wait3A_249 = tpu.memref_slice %arg9[%dma_wait3A_248] : memref<9216xf32, #tpu.memory_space<vmem>> -> memref<512xf32, #tpu.memory_space<vmem>>
      tpu.wait_dma2 semaphore(%run_scoped3A_233 : memref<!tpu.dma_semaphore, #tpu.memory_space<semaphore_mem>>) src(%dma_wait3A_249 : memref<512xf32, #tpu.memory_space<vmem>>) dst(%dma_wait3A_247 : memref<512xf32, #tpu.memory_space<hbm>>)
      tpu.yield
    }) : () -> ()
    %run_scoped3A_207 = arith.constant 1 : i32
    %run_scoped3A_208 = arith.constant 2 : i32
    "tpu.region"() ({
      %run_scoped3A_233 = tpu.sem_alloc : memref<!tpu.dma_semaphore, #tpu.memory_space<semaphore_mem>>
      %dma_start3A_234 = arith.constant 2560 : i32
      %dma_start3A_235 = tpu.memref_slice %arg9[%dma_start3A_234] : memref<9216xf32, #tpu.memory_space<vmem>> -> memref<512xf32, #tpu.memory_space<vmem>>
      %dma_start3A_236 = tpu.memref_slice %arg5[%run_scoped3A_207, %run_scoped3A_208, %mul3A_2] : memref<6x4x16384xf32, #tpu.memory_space<hbm>> -> memref<1x1x512xf32, #tpu.memory_space<hbm>>
      %dma_start3A_237 = tpu.memref_squeeze %dma_start3A_236 : memref<1x1x512xf32, #tpu.memory_space<hbm>> -> memref<512xf32, #tpu.memory_space<hbm>>
      %dma_start3A_238 = tpu.memref_slice %arg5[%run_scoped3A_207, %run_scoped3A_208, %mul3A_2] : memref<6x4x16384xf32, #tpu.memory_space<hbm>> -> memref<1x1x512xf32, #tpu.memory_space<hbm>>
      %dma_start3A_239 = tpu.memref_squeeze %dma_start3A_238 : memref<1x1x512xf32, #tpu.memory_space<hbm>> -> memref<512xf32, #tpu.memory_space<hbm>>
      %dma_start3A_240 = arith.constant 2560 : i32
      %dma_start3A_241 = tpu.memref_slice %arg9[%dma_start3A_240] : memref<9216xf32, #tpu.memory_space<vmem>> -> memref<512xf32, #tpu.memory_space<vmem>>
      tpu.enqueue_dma source(%dma_start3A_241 : memref<512xf32, #tpu.memory_space<vmem>>) target(%dma_start3A_239 : memref<512xf32, #tpu.memory_space<hbm>>) target_semaphore(%run_scoped3A_233 : memref<!tpu.dma_semaphore, #tpu.memory_space<semaphore_mem>>)
      %dma_wait3A_242 = arith.constant 2560 : i32
      %dma_wait3A_243 = tpu.memref_slice %arg9[%dma_wait3A_242] : memref<9216xf32, #tpu.memory_space<vmem>> -> memref<512xf32, #tpu.memory_space<vmem>>
      %dma_wait3A_244 = tpu.memref_slice %arg5[%run_scoped3A_207, %run_scoped3A_208, %mul3A_2] : memref<6x4x16384xf32, #tpu.memory_space<hbm>> -> memref<1x1x512xf32, #tpu.memory_space<hbm>>
      %dma_wait3A_245 = tpu.memref_squeeze %dma_wait3A_244 : memref<1x1x512xf32, #tpu.memory_space<hbm>> -> memref<512xf32, #tpu.memory_space<hbm>>
      %dma_wait3A_246 = tpu.memref_slice %arg5[%run_scoped3A_207, %run_scoped3A_208, %mul3A_2] : memref<6x4x16384xf32, #tpu.memory_space<hbm>> -> memref<1x1x512xf32, #tpu.memory_space<hbm>>
      %dma_wait3A_247 = tpu.memref_squeeze %dma_wait3A_246 : memref<1x1x512xf32, #tpu.memory_space<hbm>> -> memref<512xf32, #tpu.memory_space<hbm>>
      %dma_wait3A_248 = arith.constant 2560 : i32
      %dma_wait3A_249 = tpu.memref_slice %arg9[%dma_wait3A_248] : memref<9216xf32, #tpu.memory_space<vmem>> -> memref<512xf32, #tpu.memory_space<vmem>>
      tpu.wait_dma2 semaphore(%run_scoped3A_233 : memref<!tpu.dma_semaphore, #tpu.memory_space<semaphore_mem>>) src(%dma_wait3A_249 : memref<512xf32, #tpu.memory_space<vmem>>) dst(%dma_wait3A_247 : memref<512xf32, #tpu.memory_space<hbm>>)
      tpu.yield
    }) : () -> ()
    %run_scoped3A_209 = arith.constant 2 : i32
    %run_scoped3A_210 = arith.constant 0 : i32
    "tpu.region"() ({
      %run_scoped3A_233 = tpu.sem_alloc : memref<!tpu.dma_semaphore, #tpu.memory_space<semaphore_mem>>
      %dma_start3A_234 = arith.constant 3072 : i32
      %dma_start3A_235 = tpu.memref_slice %arg9[%dma_start3A_234] : memref<9216xf32, #tpu.memory_space<vmem>> -> memref<512xf32, #tpu.memory_space<vmem>>
      %dma_start3A_236 = tpu.memref_slice %arg5[%run_scoped3A_209, %run_scoped3A_210, %mul3A_2] : memref<6x4x16384xf32, #tpu.memory_space<hbm>> -> memref<1x1x512xf32, #tpu.memory_space<hbm>>
      %dma_start3A_237 = tpu.memref_squeeze %dma_start3A_236 : memref<1x1x512xf32, #tpu.memory_space<hbm>> -> memref<512xf32, #tpu.memory_space<hbm>>
      %dma_start3A_238 = tpu.memref_slice %arg5[%run_scoped3A_209, %run_scoped3A_210, %mul3A_2] : memref<6x4x16384xf32, #tpu.memory_space<hbm>> -> memref<1x1x512xf32, #tpu.memory_space<hbm>>
      %dma_start3A_239 = tpu.memref_squeeze %dma_start3A_238 : memref<1x1x512xf32, #tpu.memory_space<hbm>> -> memref<512xf32, #tpu.memory_space<hbm>>
      %dma_start3A_240 = arith.constant 3072 : i32
      %dma_start3A_241 = tpu.memref_slice %arg9[%dma_start3A_240] : memref<9216xf32, #tpu.memory_space<vmem>> -> memref<512xf32, #tpu.memory_space<vmem>>
      tpu.enqueue_dma source(%dma_start3A_241 : memref<512xf32, #tpu.memory_space<vmem>>) target(%dma_start3A_239 : memref<512xf32, #tpu.memory_space<hbm>>) target_semaphore(%run_scoped3A_233 : memref<!tpu.dma_semaphore, #tpu.memory_space<semaphore_mem>>)
      %dma_wait3A_242 = arith.constant 3072 : i32
      %dma_wait3A_243 = tpu.memref_slice %arg9[%dma_wait3A_242] : memref<9216xf32, #tpu.memory_space<vmem>> -> memref<512xf32, #tpu.memory_space<vmem>>
      %dma_wait3A_244 = tpu.memref_slice %arg5[%run_scoped3A_209, %run_scoped3A_210, %mul3A_2] : memref<6x4x16384xf32, #tpu.memory_space<hbm>> -> memref<1x1x512xf32, #tpu.memory_space<hbm>>
      %dma_wait3A_245 = tpu.memref_squeeze %dma_wait3A_244 : memref<1x1x512xf32, #tpu.memory_space<hbm>> -> memref<512xf32, #tpu.memory_space<hbm>>
      %dma_wait3A_246 = tpu.memref_slice %arg5[%run_scoped3A_209, %run_scoped3A_210, %mul3A_2] : memref<6x4x16384xf32, #tpu.memory_space<hbm>> -> memref<1x1x512xf32, #tpu.memory_space<hbm>>
      %dma_wait3A_247 = tpu.memref_squeeze %dma_wait3A_246 : memref<1x1x512xf32, #tpu.memory_space<hbm>> -> memref<512xf32, #tpu.memory_space<hbm>>
      %dma_wait3A_248 = arith.constant 3072 : i32
      %dma_wait3A_249 = tpu.memref_slice %arg9[%dma_wait3A_248] : memref<9216xf32, #tpu.memory_space<vmem>> -> memref<512xf32, #tpu.memory_space<vmem>>
      tpu.wait_dma2 semaphore(%run_scoped3A_233 : memref<!tpu.dma_semaphore, #tpu.memory_space<semaphore_mem>>) src(%dma_wait3A_249 : memref<512xf32, #tpu.memory_space<vmem>>) dst(%dma_wait3A_247 : memref<512xf32, #tpu.memory_space<hbm>>)
      tpu.yield
    }) : () -> ()
    %run_scoped3A_211 = arith.constant 2 : i32
    %run_scoped3A_212 = arith.constant 1 : i32
    "tpu.region"() ({
      %run_scoped3A_233 = tpu.sem_alloc : memref<!tpu.dma_semaphore, #tpu.memory_space<semaphore_mem>>
      %dma_start3A_234 = arith.constant 3584 : i32
      %dma_start3A_235 = tpu.memref_slice %arg9[%dma_start3A_234] : memref<9216xf32, #tpu.memory_space<vmem>> -> memref<512xf32, #tpu.memory_space<vmem>>
      %dma_start3A_236 = tpu.memref_slice %arg5[%run_scoped3A_211, %run_scoped3A_212, %mul3A_2] : memref<6x4x16384xf32, #tpu.memory_space<hbm>> -> memref<1x1x512xf32, #tpu.memory_space<hbm>>
      %dma_start3A_237 = tpu.memref_squeeze %dma_start3A_236 : memref<1x1x512xf32, #tpu.memory_space<hbm>> -> memref<512xf32, #tpu.memory_space<hbm>>
      %dma_start3A_238 = tpu.memref_slice %arg5[%run_scoped3A_211, %run_scoped3A_212, %mul3A_2] : memref<6x4x16384xf32, #tpu.memory_space<hbm>> -> memref<1x1x512xf32, #tpu.memory_space<hbm>>
      %dma_start3A_239 = tpu.memref_squeeze %dma_start3A_238 : memref<1x1x512xf32, #tpu.memory_space<hbm>> -> memref<512xf32, #tpu.memory_space<hbm>>
      %dma_start3A_240 = arith.constant 3584 : i32
      %dma_start3A_241 = tpu.memref_slice %arg9[%dma_start3A_240] : memref<9216xf32, #tpu.memory_space<vmem>> -> memref<512xf32, #tpu.memory_space<vmem>>
      tpu.enqueue_dma source(%dma_start3A_241 : memref<512xf32, #tpu.memory_space<vmem>>) target(%dma_start3A_239 : memref<512xf32, #tpu.memory_space<hbm>>) target_semaphore(%run_scoped3A_233 : memref<!tpu.dma_semaphore, #tpu.memory_space<semaphore_mem>>)
      %dma_wait3A_242 = arith.constant 3584 : i32
      %dma_wait3A_243 = tpu.memref_slice %arg9[%dma_wait3A_242] : memref<9216xf32, #tpu.memory_space<vmem>> -> memref<512xf32, #tpu.memory_space<vmem>>
      %dma_wait3A_244 = tpu.memref_slice %arg5[%run_scoped3A_211, %run_scoped3A_212, %mul3A_2] : memref<6x4x16384xf32, #tpu.memory_space<hbm>> -> memref<1x1x512xf32, #tpu.memory_space<hbm>>
      %dma_wait3A_245 = tpu.memref_squeeze %dma_wait3A_244 : memref<1x1x512xf32, #tpu.memory_space<hbm>> -> memref<512xf32, #tpu.memory_space<hbm>>
      %dma_wait3A_246 = tpu.memref_slice %arg5[%run_scoped3A_211, %run_scoped3A_212, %mul3A_2] : memref<6x4x16384xf32, #tpu.memory_space<hbm>> -> memref<1x1x512xf32, #tpu.memory_space<hbm>>
      %dma_wait3A_247 = tpu.memref_squeeze %dma_wait3A_246 : memref<1x1x512xf32, #tpu.memory_space<hbm>> -> memref<512xf32, #tpu.memory_space<hbm>>
      %dma_wait3A_248 = arith.constant 3584 : i32
      %dma_wait3A_249 = tpu.memref_slice %arg9[%dma_wait3A_248] : memref<9216xf32, #tpu.memory_space<vmem>> -> memref<512xf32, #tpu.memory_space<vmem>>
      tpu.wait_dma2 semaphore(%run_scoped3A_233 : memref<!tpu.dma_semaphore, #tpu.memory_space<semaphore_mem>>) src(%dma_wait3A_249 : memref<512xf32, #tpu.memory_space<vmem>>) dst(%dma_wait3A_247 : memref<512xf32, #tpu.memory_space<hbm>>)
      tpu.yield
    }) : () -> ()
    %run_scoped3A_213 = arith.constant 2 : i32
    %run_scoped3A_214 = arith.constant 2 : i32
    "tpu.region"() ({
      %run_scoped3A_233 = tpu.sem_alloc : memref<!tpu.dma_semaphore, #tpu.memory_space<semaphore_mem>>
      %dma_start3A_234 = arith.constant 4096 : i32
      %dma_start3A_235 = tpu.memref_slice %arg9[%dma_start3A_234] : memref<9216xf32, #tpu.memory_space<vmem>> -> memref<512xf32, #tpu.memory_space<vmem>>
      %dma_start3A_236 = tpu.memref_slice %arg5[%run_scoped3A_213, %run_scoped3A_214, %mul3A_2] : memref<6x4x16384xf32, #tpu.memory_space<hbm>> -> memref<1x1x512xf32, #tpu.memory_space<hbm>>
      %dma_start3A_237 = tpu.memref_squeeze %dma_start3A_236 : memref<1x1x512xf32, #tpu.memory_space<hbm>> -> memref<512xf32, #tpu.memory_space<hbm>>
      %dma_start3A_238 = tpu.memref_slice %arg5[%run_scoped3A_213, %run_scoped3A_214, %mul3A_2] : memref<6x4x16384xf32, #tpu.memory_space<hbm>> -> memref<1x1x512xf32, #tpu.memory_space<hbm>>
      %dma_start3A_239 = tpu.memref_squeeze %dma_start3A_238 : memref<1x1x512xf32, #tpu.memory_space<hbm>> -> memref<512xf32, #tpu.memory_space<hbm>>
      %dma_start3A_240 = arith.constant 4096 : i32
      %dma_start3A_241 = tpu.memref_slice %arg9[%dma_start3A_240] : memref<9216xf32, #tpu.memory_space<vmem>> -> memref<512xf32, #tpu.memory_space<vmem>>
      tpu.enqueue_dma source(%dma_start3A_241 : memref<512xf32, #tpu.memory_space<vmem>>) target(%dma_start3A_239 : memref<512xf32, #tpu.memory_space<hbm>>) target_semaphore(%run_scoped3A_233 : memref<!tpu.dma_semaphore, #tpu.memory_space<semaphore_mem>>)
      %dma_wait3A_242 = arith.constant 4096 : i32
      %dma_wait3A_243 = tpu.memref_slice %arg9[%dma_wait3A_242] : memref<9216xf32, #tpu.memory_space<vmem>> -> memref<512xf32, #tpu.memory_space<vmem>>
      %dma_wait3A_244 = tpu.memref_slice %arg5[%run_scoped3A_213, %run_scoped3A_214, %mul3A_2] : memref<6x4x16384xf32, #tpu.memory_space<hbm>> -> memref<1x1x512xf32, #tpu.memory_space<hbm>>
      %dma_wait3A_245 = tpu.memref_squeeze %dma_wait3A_244 : memref<1x1x512xf32, #tpu.memory_space<hbm>> -> memref<512xf32, #tpu.memory_space<hbm>>
      %dma_wait3A_246 = tpu.memref_slice %arg5[%run_scoped3A_213, %run_scoped3A_214, %mul3A_2] : memref<6x4x16384xf32, #tpu.memory_space<hbm>> -> memref<1x1x512xf32, #tpu.memory_space<hbm>>
      %dma_wait3A_247 = tpu.memref_squeeze %dma_wait3A_246 : memref<1x1x512xf32, #tpu.memory_space<hbm>> -> memref<512xf32, #tpu.memory_space<hbm>>
      %dma_wait3A_248 = arith.constant 4096 : i32
      %dma_wait3A_249 = tpu.memref_slice %arg9[%dma_wait3A_248] : memref<9216xf32, #tpu.memory_space<vmem>> -> memref<512xf32, #tpu.memory_space<vmem>>
      tpu.wait_dma2 semaphore(%run_scoped3A_233 : memref<!tpu.dma_semaphore, #tpu.memory_space<semaphore_mem>>) src(%dma_wait3A_249 : memref<512xf32, #tpu.memory_space<vmem>>) dst(%dma_wait3A_247 : memref<512xf32, #tpu.memory_space<hbm>>)
      tpu.yield
    }) : () -> ()
    %run_scoped3A_215 = arith.constant 3 : i32
    %run_scoped3A_216 = arith.constant 0 : i32
    "tpu.region"() ({
      %run_scoped3A_233 = tpu.sem_alloc : memref<!tpu.dma_semaphore, #tpu.memory_space<semaphore_mem>>
      %dma_start3A_234 = arith.constant 4608 : i32
      %dma_start3A_235 = tpu.memref_slice %arg9[%dma_start3A_234] : memref<9216xf32, #tpu.memory_space<vmem>> -> memref<512xf32, #tpu.memory_space<vmem>>
      %dma_start3A_236 = tpu.memref_slice %arg5[%run_scoped3A_215, %run_scoped3A_216, %mul3A_2] : memref<6x4x16384xf32, #tpu.memory_space<hbm>> -> memref<1x1x512xf32, #tpu.memory_space<hbm>>
      %dma_start3A_237 = tpu.memref_squeeze %dma_start3A_236 : memref<1x1x512xf32, #tpu.memory_space<hbm>> -> memref<512xf32, #tpu.memory_space<hbm>>
      %dma_start3A_238 = tpu.memref_slice %arg5[%run_scoped3A_215, %run_scoped3A_216, %mul3A_2] : memref<6x4x16384xf32, #tpu.memory_space<hbm>> -> memref<1x1x512xf32, #tpu.memory_space<hbm>>
      %dma_start3A_239 = tpu.memref_squeeze %dma_start3A_238 : memref<1x1x512xf32, #tpu.memory_space<hbm>> -> memref<512xf32, #tpu.memory_space<hbm>>
      %dma_start3A_240 = arith.constant 4608 : i32
      %dma_start3A_241 = tpu.memref_slice %arg9[%dma_start3A_240] : memref<9216xf32, #tpu.memory_space<vmem>> -> memref<512xf32, #tpu.memory_space<vmem>>
      tpu.enqueue_dma source(%dma_start3A_241 : memref<512xf32, #tpu.memory_space<vmem>>) target(%dma_start3A_239 : memref<512xf32, #tpu.memory_space<hbm>>) target_semaphore(%run_scoped3A_233 : memref<!tpu.dma_semaphore, #tpu.memory_space<semaphore_mem>>)
      %dma_wait3A_242 = arith.constant 4608 : i32
      %dma_wait3A_243 = tpu.memref_slice %arg9[%dma_wait3A_242] : memref<9216xf32, #tpu.memory_space<vmem>> -> memref<512xf32, #tpu.memory_space<vmem>>
      %dma_wait3A_244 = tpu.memref_slice %arg5[%run_scoped3A_215, %run_scoped3A_216, %mul3A_2] : memref<6x4x16384xf32, #tpu.memory_space<hbm>> -> memref<1x1x512xf32, #tpu.memory_space<hbm>>
      %dma_wait3A_245 = tpu.memref_squeeze %dma_wait3A_244 : memref<1x1x512xf32, #tpu.memory_space<hbm>> -> memref<512xf32, #tpu.memory_space<hbm>>
      %dma_wait3A_246 = tpu.memref_slice %arg5[%run_scoped3A_215, %run_scoped3A_216, %mul3A_2] : memref<6x4x16384xf32, #tpu.memory_space<hbm>> -> memref<1x1x512xf32, #tpu.memory_space<hbm>>
      %dma_wait3A_247 = tpu.memref_squeeze %dma_wait3A_246 : memref<1x1x512xf32, #tpu.memory_space<hbm>> -> memref<512xf32, #tpu.memory_space<hbm>>
      %dma_wait3A_248 = arith.constant 4608 : i32
      %dma_wait3A_249 = tpu.memref_slice %arg9[%dma_wait3A_248] : memref<9216xf32, #tpu.memory_space<vmem>> -> memref<512xf32, #tpu.memory_space<vmem>>
      tpu.wait_dma2 semaphore(%run_scoped3A_233 : memref<!tpu.dma_semaphore, #tpu.memory_space<semaphore_mem>>) src(%dma_wait3A_249 : memref<512xf32, #tpu.memory_space<vmem>>) dst(%dma_wait3A_247 : memref<512xf32, #tpu.memory_space<hbm>>)
      tpu.yield
    }) : () -> ()
    %run_scoped3A_217 = arith.constant 3 : i32
    %run_scoped3A_218 = arith.constant 1 : i32
    "tpu.region"() ({
      %run_scoped3A_233 = tpu.sem_alloc : memref<!tpu.dma_semaphore, #tpu.memory_space<semaphore_mem>>
      %dma_start3A_234 = arith.constant 5120 : i32
      %dma_start3A_235 = tpu.memref_slice %arg9[%dma_start3A_234] : memref<9216xf32, #tpu.memory_space<vmem>> -> memref<512xf32, #tpu.memory_space<vmem>>
      %dma_start3A_236 = tpu.memref_slice %arg5[%run_scoped3A_217, %run_scoped3A_218, %mul3A_2] : memref<6x4x16384xf32, #tpu.memory_space<hbm>> -> memref<1x1x512xf32, #tpu.memory_space<hbm>>
      %dma_start3A_237 = tpu.memref_squeeze %dma_start3A_236 : memref<1x1x512xf32, #tpu.memory_space<hbm>> -> memref<512xf32, #tpu.memory_space<hbm>>
      %dma_start3A_238 = tpu.memref_slice %arg5[%run_scoped3A_217, %run_scoped3A_218, %mul3A_2] : memref<6x4x16384xf32, #tpu.memory_space<hbm>> -> memref<1x1x512xf32, #tpu.memory_space<hbm>>
      %dma_start3A_239 = tpu.memref_squeeze %dma_start3A_238 : memref<1x1x512xf32, #tpu.memory_space<hbm>> -> memref<512xf32, #tpu.memory_space<hbm>>
      %dma_start3A_240 = arith.constant 5120 : i32
      %dma_start3A_241 = tpu.memref_slice %arg9[%dma_start3A_240] : memref<9216xf32, #tpu.memory_space<vmem>> -> memref<512xf32, #tpu.memory_space<vmem>>
      tpu.enqueue_dma source(%dma_start3A_241 : memref<512xf32, #tpu.memory_space<vmem>>) target(%dma_start3A_239 : memref<512xf32, #tpu.memory_space<hbm>>) target_semaphore(%run_scoped3A_233 : memref<!tpu.dma_semaphore, #tpu.memory_space<semaphore_mem>>)
      %dma_wait3A_242 = arith.constant 5120 : i32
      %dma_wait3A_243 = tpu.memref_slice %arg9[%dma_wait3A_242] : memref<9216xf32, #tpu.memory_space<vmem>> -> memref<512xf32, #tpu.memory_space<vmem>>
      %dma_wait3A_244 = tpu.memref_slice %arg5[%run_scoped3A_217, %run_scoped3A_218, %mul3A_2] : memref<6x4x16384xf32, #tpu.memory_space<hbm>> -> memref<1x1x512xf32, #tpu.memory_space<hbm>>
      %dma_wait3A_245 = tpu.memref_squeeze %dma_wait3A_244 : memref<1x1x512xf32, #tpu.memory_space<hbm>> -> memref<512xf32, #tpu.memory_space<hbm>>
      %dma_wait3A_246 = tpu.memref_slice %arg5[%run_scoped3A_217, %run_scoped3A_218, %mul3A_2] : memref<6x4x16384xf32, #tpu.memory_space<hbm>> -> memref<1x1x512xf32, #tpu.memory_space<hbm>>
      %dma_wait3A_247 = tpu.memref_squeeze %dma_wait3A_246 : memref<1x1x512xf32, #tpu.memory_space<hbm>> -> memref<512xf32, #tpu.memory_space<hbm>>
      %dma_wait3A_248 = arith.constant 5120 : i32
      %dma_wait3A_249 = tpu.memref_slice %arg9[%dma_wait3A_248] : memref<9216xf32, #tpu.memory_space<vmem>> -> memref<512xf32, #tpu.memory_space<vmem>>
      tpu.wait_dma2 semaphore(%run_scoped3A_233 : memref<!tpu.dma_semaphore, #tpu.memory_space<semaphore_mem>>) src(%dma_wait3A_249 : memref<512xf32, #tpu.memory_space<vmem>>) dst(%dma_wait3A_247 : memref<512xf32, #tpu.memory_space<hbm>>)
      tpu.yield
    }) : () -> ()
    %run_scoped3A_219 = arith.constant 3 : i32
    %run_scoped3A_220 = arith.constant 2 : i32
    "tpu.region"() ({
      %run_scoped3A_233 = tpu.sem_alloc : memref<!tpu.dma_semaphore, #tpu.memory_space<semaphore_mem>>
      %dma_start3A_234 = arith.constant 5632 : i32
      %dma_start3A_235 = tpu.memref_slice %arg9[%dma_start3A_234] : memref<9216xf32, #tpu.memory_space<vmem>> -> memref<512xf32, #tpu.memory_space<vmem>>
      %dma_start3A_236 = tpu.memref_slice %arg5[%run_scoped3A_219, %run_scoped3A_220, %mul3A_2] : memref<6x4x16384xf32, #tpu.memory_space<hbm>> -> memref<1x1x512xf32, #tpu.memory_space<hbm>>
      %dma_start3A_237 = tpu.memref_squeeze %dma_start3A_236 : memref<1x1x512xf32, #tpu.memory_space<hbm>> -> memref<512xf32, #tpu.memory_space<hbm>>
      %dma_start3A_238 = tpu.memref_slice %arg5[%run_scoped3A_219, %run_scoped3A_220, %mul3A_2] : memref<6x4x16384xf32, #tpu.memory_space<hbm>> -> memref<1x1x512xf32, #tpu.memory_space<hbm>>
      %dma_start3A_239 = tpu.memref_squeeze %dma_start3A_238 : memref<1x1x512xf32, #tpu.memory_space<hbm>> -> memref<512xf32, #tpu.memory_space<hbm>>
      %dma_start3A_240 = arith.constant 5632 : i32
      %dma_start3A_241 = tpu.memref_slice %arg9[%dma_start3A_240] : memref<9216xf32, #tpu.memory_space<vmem>> -> memref<512xf32, #tpu.memory_space<vmem>>
      tpu.enqueue_dma source(%dma_start3A_241 : memref<512xf32, #tpu.memory_space<vmem>>) target(%dma_start3A_239 : memref<512xf32, #tpu.memory_space<hbm>>) target_semaphore(%run_scoped3A_233 : memref<!tpu.dma_semaphore, #tpu.memory_space<semaphore_mem>>)
      %dma_wait3A_242 = arith.constant 5632 : i32
      %dma_wait3A_243 = tpu.memref_slice %arg9[%dma_wait3A_242] : memref<9216xf32, #tpu.memory_space<vmem>> -> memref<512xf32, #tpu.memory_space<vmem>>
      %dma_wait3A_244 = tpu.memref_slice %arg5[%run_scoped3A_219, %run_scoped3A_220, %mul3A_2] : memref<6x4x16384xf32, #tpu.memory_space<hbm>> -> memref<1x1x512xf32, #tpu.memory_space<hbm>>
      %dma_wait3A_245 = tpu.memref_squeeze %dma_wait3A_244 : memref<1x1x512xf32, #tpu.memory_space<hbm>> -> memref<512xf32, #tpu.memory_space<hbm>>
      %dma_wait3A_246 = tpu.memref_slice %arg5[%run_scoped3A_219, %run_scoped3A_220, %mul3A_2] : memref<6x4x16384xf32, #tpu.memory_space<hbm>> -> memref<1x1x512xf32, #tpu.memory_space<hbm>>
      %dma_wait3A_247 = tpu.memref_squeeze %dma_wait3A_246 : memref<1x1x512xf32, #tpu.memory_space<hbm>> -> memref<512xf32, #tpu.memory_space<hbm>>
      %dma_wait3A_248 = arith.constant 5632 : i32
      %dma_wait3A_249 = tpu.memref_slice %arg9[%dma_wait3A_248] : memref<9216xf32, #tpu.memory_space<vmem>> -> memref<512xf32, #tpu.memory_space<vmem>>
      tpu.wait_dma2 semaphore(%run_scoped3A_233 : memref<!tpu.dma_semaphore, #tpu.memory_space<semaphore_mem>>) src(%dma_wait3A_249 : memref<512xf32, #tpu.memory_space<vmem>>) dst(%dma_wait3A_247 : memref<512xf32, #tpu.memory_space<hbm>>)
      tpu.yield
    }) : () -> ()
    %run_scoped3A_221 = arith.constant 4 : i32
    %run_scoped3A_222 = arith.constant 0 : i32
    "tpu.region"() ({
      %run_scoped3A_233 = tpu.sem_alloc : memref<!tpu.dma_semaphore, #tpu.memory_space<semaphore_mem>>
      %dma_start3A_234 = arith.constant 6144 : i32
      %dma_start3A_235 = tpu.memref_slice %arg9[%dma_start3A_234] : memref<9216xf32, #tpu.memory_space<vmem>> -> memref<512xf32, #tpu.memory_space<vmem>>
      %dma_start3A_236 = tpu.memref_slice %arg5[%run_scoped3A_221, %run_scoped3A_222, %mul3A_2] : memref<6x4x16384xf32, #tpu.memory_space<hbm>> -> memref<1x1x512xf32, #tpu.memory_space<hbm>>
      %dma_start3A_237 = tpu.memref_squeeze %dma_start3A_236 : memref<1x1x512xf32, #tpu.memory_space<hbm>> -> memref<512xf32, #tpu.memory_space<hbm>>
      %dma_start3A_238 = tpu.memref_slice %arg5[%run_scoped3A_221, %run_scoped3A_222, %mul3A_2] : memref<6x4x16384xf32, #tpu.memory_space<hbm>> -> memref<1x1x512xf32, #tpu.memory_space<hbm>>
      %dma_start3A_239 = tpu.memref_squeeze %dma_start3A_238 : memref<1x1x512xf32, #tpu.memory_space<hbm>> -> memref<512xf32, #tpu.memory_space<hbm>>
      %dma_start3A_240 = arith.constant 6144 : i32
      %dma_start3A_241 = tpu.memref_slice %arg9[%dma_start3A_240] : memref<9216xf32, #tpu.memory_space<vmem>> -> memref<512xf32, #tpu.memory_space<vmem>>
      tpu.enqueue_dma source(%dma_start3A_241 : memref<512xf32, #tpu.memory_space<vmem>>) target(%dma_start3A_239 : memref<512xf32, #tpu.memory_space<hbm>>) target_semaphore(%run_scoped3A_233 : memref<!tpu.dma_semaphore, #tpu.memory_space<semaphore_mem>>)
      %dma_wait3A_242 = arith.constant 6144 : i32
      %dma_wait3A_243 = tpu.memref_slice %arg9[%dma_wait3A_242] : memref<9216xf32, #tpu.memory_space<vmem>> -> memref<512xf32, #tpu.memory_space<vmem>>
      %dma_wait3A_244 = tpu.memref_slice %arg5[%run_scoped3A_221, %run_scoped3A_222, %mul3A_2] : memref<6x4x16384xf32, #tpu.memory_space<hbm>> -> memref<1x1x512xf32, #tpu.memory_space<hbm>>
      %dma_wait3A_245 = tpu.memref_squeeze %dma_wait3A_244 : memref<1x1x512xf32, #tpu.memory_space<hbm>> -> memref<512xf32, #tpu.memory_space<hbm>>
      %dma_wait3A_246 = tpu.memref_slice %arg5[%run_scoped3A_221, %run_scoped3A_222, %mul3A_2] : memref<6x4x16384xf32, #tpu.memory_space<hbm>> -> memref<1x1x512xf32, #tpu.memory_space<hbm>>
      %dma_wait3A_247 = tpu.memref_squeeze %dma_wait3A_246 : memref<1x1x512xf32, #tpu.memory_space<hbm>> -> memref<512xf32, #tpu.memory_space<hbm>>
      %dma_wait3A_248 = arith.constant 6144 : i32
      %dma_wait3A_249 = tpu.memref_slice %arg9[%dma_wait3A_248] : memref<9216xf32, #tpu.memory_space<vmem>> -> memref<512xf32, #tpu.memory_space<vmem>>
      tpu.wait_dma2 semaphore(%run_scoped3A_233 : memref<!tpu.dma_semaphore, #tpu.memory_space<semaphore_mem>>) src(%dma_wait3A_249 : memref<512xf32, #tpu.memory_space<vmem>>) dst(%dma_wait3A_247 : memref<512xf32, #tpu.memory_space<hbm>>)
      tpu.yield
    }) : () -> ()
    %run_scoped3A_223 = arith.constant 4 : i32
    %run_scoped3A_224 = arith.constant 1 : i32
    "tpu.region"() ({
      %run_scoped3A_233 = tpu.sem_alloc : memref<!tpu.dma_semaphore, #tpu.memory_space<semaphore_mem>>
      %dma_start3A_234 = arith.constant 6656 : i32
      %dma_start3A_235 = tpu.memref_slice %arg9[%dma_start3A_234] : memref<9216xf32, #tpu.memory_space<vmem>> -> memref<512xf32, #tpu.memory_space<vmem>>
      %dma_start3A_236 = tpu.memref_slice %arg5[%run_scoped3A_223, %run_scoped3A_224, %mul3A_2] : memref<6x4x16384xf32, #tpu.memory_space<hbm>> -> memref<1x1x512xf32, #tpu.memory_space<hbm>>
      %dma_start3A_237 = tpu.memref_squeeze %dma_start3A_236 : memref<1x1x512xf32, #tpu.memory_space<hbm>> -> memref<512xf32, #tpu.memory_space<hbm>>
      %dma_start3A_238 = tpu.memref_slice %arg5[%run_scoped3A_223, %run_scoped3A_224, %mul3A_2] : memref<6x4x16384xf32, #tpu.memory_space<hbm>> -> memref<1x1x512xf32, #tpu.memory_space<hbm>>
      %dma_start3A_239 = tpu.memref_squeeze %dma_start3A_238 : memref<1x1x512xf32, #tpu.memory_space<hbm>> -> memref<512xf32, #tpu.memory_space<hbm>>
      %dma_start3A_240 = arith.constant 6656 : i32
      %dma_start3A_241 = tpu.memref_slice %arg9[%dma_start3A_240] : memref<9216xf32, #tpu.memory_space<vmem>> -> memref<512xf32, #tpu.memory_space<vmem>>
      tpu.enqueue_dma source(%dma_start3A_241 : memref<512xf32, #tpu.memory_space<vmem>>) target(%dma_start3A_239 : memref<512xf32, #tpu.memory_space<hbm>>) target_semaphore(%run_scoped3A_233 : memref<!tpu.dma_semaphore, #tpu.memory_space<semaphore_mem>>)
      %dma_wait3A_242 = arith.constant 6656 : i32
      %dma_wait3A_243 = tpu.memref_slice %arg9[%dma_wait3A_242] : memref<9216xf32, #tpu.memory_space<vmem>> -> memref<512xf32, #tpu.memory_space<vmem>>
      %dma_wait3A_244 = tpu.memref_slice %arg5[%run_scoped3A_223, %run_scoped3A_224, %mul3A_2] : memref<6x4x16384xf32, #tpu.memory_space<hbm>> -> memref<1x1x512xf32, #tpu.memory_space<hbm>>
      %dma_wait3A_245 = tpu.memref_squeeze %dma_wait3A_244 : memref<1x1x512xf32, #tpu.memory_space<hbm>> -> memref<512xf32, #tpu.memory_space<hbm>>
      %dma_wait3A_246 = tpu.memref_slice %arg5[%run_scoped3A_223, %run_scoped3A_224, %mul3A_2] : memref<6x4x16384xf32, #tpu.memory_space<hbm>> -> memref<1x1x512xf32, #tpu.memory_space<hbm>>
      %dma_wait3A_247 = tpu.memref_squeeze %dma_wait3A_246 : memref<1x1x512xf32, #tpu.memory_space<hbm>> -> memref<512xf32, #tpu.memory_space<hbm>>
      %dma_wait3A_248 = arith.constant 6656 : i32
      %dma_wait3A_249 = tpu.memref_slice %arg9[%dma_wait3A_248] : memref<9216xf32, #tpu.memory_space<vmem>> -> memref<512xf32, #tpu.memory_space<vmem>>
      tpu.wait_dma2 semaphore(%run_scoped3A_233 : memref<!tpu.dma_semaphore, #tpu.memory_space<semaphore_mem>>) src(%dma_wait3A_249 : memref<512xf32, #tpu.memory_space<vmem>>) dst(%dma_wait3A_247 : memref<512xf32, #tpu.memory_space<hbm>>)
      tpu.yield
    }) : () -> ()
    %run_scoped3A_225 = arith.constant 4 : i32
    %run_scoped3A_226 = arith.constant 2 : i32
    "tpu.region"() ({
      %run_scoped3A_233 = tpu.sem_alloc : memref<!tpu.dma_semaphore, #tpu.memory_space<semaphore_mem>>
      %dma_start3A_234 = arith.constant 7168 : i32
      %dma_start3A_235 = tpu.memref_slice %arg9[%dma_start3A_234] : memref<9216xf32, #tpu.memory_space<vmem>> -> memref<512xf32, #tpu.memory_space<vmem>>
      %dma_start3A_236 = tpu.memref_slice %arg5[%run_scoped3A_225, %run_scoped3A_226, %mul3A_2] : memref<6x4x16384xf32, #tpu.memory_space<hbm>> -> memref<1x1x512xf32, #tpu.memory_space<hbm>>
      %dma_start3A_237 = tpu.memref_squeeze %dma_start3A_236 : memref<1x1x512xf32, #tpu.memory_space<hbm>> -> memref<512xf32, #tpu.memory_space<hbm>>
      %dma_start3A_238 = tpu.memref_slice %arg5[%run_scoped3A_225, %run_scoped3A_226, %mul3A_2] : memref<6x4x16384xf32, #tpu.memory_space<hbm>> -> memref<1x1x512xf32, #tpu.memory_space<hbm>>
      %dma_start3A_239 = tpu.memref_squeeze %dma_start3A_238 : memref<1x1x512xf32, #tpu.memory_space<hbm>> -> memref<512xf32, #tpu.memory_space<hbm>>
      %dma_start3A_240 = arith.constant 7168 : i32
      %dma_start3A_241 = tpu.memref_slice %arg9[%dma_start3A_240] : memref<9216xf32, #tpu.memory_space<vmem>> -> memref<512xf32, #tpu.memory_space<vmem>>
      tpu.enqueue_dma source(%dma_start3A_241 : memref<512xf32, #tpu.memory_space<vmem>>) target(%dma_start3A_239 : memref<512xf32, #tpu.memory_space<hbm>>) target_semaphore(%run_scoped3A_233 : memref<!tpu.dma_semaphore, #tpu.memory_space<semaphore_mem>>)
      %dma_wait3A_242 = arith.constant 7168 : i32
      %dma_wait3A_243 = tpu.memref_slice %arg9[%dma_wait3A_242] : memref<9216xf32, #tpu.memory_space<vmem>> -> memref<512xf32, #tpu.memory_space<vmem>>
      %dma_wait3A_244 = tpu.memref_slice %arg5[%run_scoped3A_225, %run_scoped3A_226, %mul3A_2] : memref<6x4x16384xf32, #tpu.memory_space<hbm>> -> memref<1x1x512xf32, #tpu.memory_space<hbm>>
      %dma_wait3A_245 = tpu.memref_squeeze %dma_wait3A_244 : memref<1x1x512xf32, #tpu.memory_space<hbm>> -> memref<512xf32, #tpu.memory_space<hbm>>
      %dma_wait3A_246 = tpu.memref_slice %arg5[%run_scoped3A_225, %run_scoped3A_226, %mul3A_2] : memref<6x4x16384xf32, #tpu.memory_space<hbm>> -> memref<1x1x512xf32, #tpu.memory_space<hbm>>
      %dma_wait3A_247 = tpu.memref_squeeze %dma_wait3A_246 : memref<1x1x512xf32, #tpu.memory_space<hbm>> -> memref<512xf32, #tpu.memory_space<hbm>>
      %dma_wait3A_248 = arith.constant 7168 : i32
      %dma_wait3A_249 = tpu.memref_slice %arg9[%dma_wait3A_248] : memref<9216xf32, #tpu.memory_space<vmem>> -> memref<512xf32, #tpu.memory_space<vmem>>
      tpu.wait_dma2 semaphore(%run_scoped3A_233 : memref<!tpu.dma_semaphore, #tpu.memory_space<semaphore_mem>>) src(%dma_wait3A_249 : memref<512xf32, #tpu.memory_space<vmem>>) dst(%dma_wait3A_247 : memref<512xf32, #tpu.memory_space<hbm>>)
      tpu.yield
    }) : () -> ()
    %run_scoped3A_227 = arith.constant 5 : i32
    %run_scoped3A_228 = arith.constant 0 : i32
    "tpu.region"() ({
      %run_scoped3A_233 = tpu.sem_alloc : memref<!tpu.dma_semaphore, #tpu.memory_space<semaphore_mem>>
      %dma_start3A_234 = arith.constant 7680 : i32
      %dma_start3A_235 = tpu.memref_slice %arg9[%dma_start3A_234] : memref<9216xf32, #tpu.memory_space<vmem>> -> memref<512xf32, #tpu.memory_space<vmem>>
      %dma_start3A_236 = tpu.memref_slice %arg5[%run_scoped3A_227, %run_scoped3A_228, %mul3A_2] : memref<6x4x16384xf32, #tpu.memory_space<hbm>> -> memref<1x1x512xf32, #tpu.memory_space<hbm>>
      %dma_start3A_237 = tpu.memref_squeeze %dma_start3A_236 : memref<1x1x512xf32, #tpu.memory_space<hbm>> -> memref<512xf32, #tpu.memory_space<hbm>>
      %dma_start3A_238 = tpu.memref_slice %arg5[%run_scoped3A_227, %run_scoped3A_228, %mul3A_2] : memref<6x4x16384xf32, #tpu.memory_space<hbm>> -> memref<1x1x512xf32, #tpu.memory_space<hbm>>
      %dma_start3A_239 = tpu.memref_squeeze %dma_start3A_238 : memref<1x1x512xf32, #tpu.memory_space<hbm>> -> memref<512xf32, #tpu.memory_space<hbm>>
      %dma_start3A_240 = arith.constant 7680 : i32
      %dma_start3A_241 = tpu.memref_slice %arg9[%dma_start3A_240] : memref<9216xf32, #tpu.memory_space<vmem>> -> memref<512xf32, #tpu.memory_space<vmem>>
      tpu.enqueue_dma source(%dma_start3A_241 : memref<512xf32, #tpu.memory_space<vmem>>) target(%dma_start3A_239 : memref<512xf32, #tpu.memory_space<hbm>>) target_semaphore(%run_scoped3A_233 : memref<!tpu.dma_semaphore, #tpu.memory_space<semaphore_mem>>)
      %dma_wait3A_242 = arith.constant 7680 : i32
      %dma_wait3A_243 = tpu.memref_slice %arg9[%dma_wait3A_242] : memref<9216xf32, #tpu.memory_space<vmem>> -> memref<512xf32, #tpu.memory_space<vmem>>
      %dma_wait3A_244 = tpu.memref_slice %arg5[%run_scoped3A_227, %run_scoped3A_228, %mul3A_2] : memref<6x4x16384xf32, #tpu.memory_space<hbm>> -> memref<1x1x512xf32, #tpu.memory_space<hbm>>
      %dma_wait3A_245 = tpu.memref_squeeze %dma_wait3A_244 : memref<1x1x512xf32, #tpu.memory_space<hbm>> -> memref<512xf32, #tpu.memory_space<hbm>>
      %dma_wait3A_246 = tpu.memref_slice %arg5[%run_scoped3A_227, %run_scoped3A_228, %mul3A_2] : memref<6x4x16384xf32, #tpu.memory_space<hbm>> -> memref<1x1x512xf32, #tpu.memory_space<hbm>>
      %dma_wait3A_247 = tpu.memref_squeeze %dma_wait3A_246 : memref<1x1x512xf32, #tpu.memory_space<hbm>> -> memref<512xf32, #tpu.memory_space<hbm>>
      %dma_wait3A_248 = arith.constant 7680 : i32
      %dma_wait3A_249 = tpu.memref_slice %arg9[%dma_wait3A_248] : memref<9216xf32, #tpu.memory_space<vmem>> -> memref<512xf32, #tpu.memory_space<vmem>>
      tpu.wait_dma2 semaphore(%run_scoped3A_233 : memref<!tpu.dma_semaphore, #tpu.memory_space<semaphore_mem>>) src(%dma_wait3A_249 : memref<512xf32, #tpu.memory_space<vmem>>) dst(%dma_wait3A_247 : memref<512xf32, #tpu.memory_space<hbm>>)
      tpu.yield
    }) : () -> ()
    %run_scoped3A_229 = arith.constant 5 : i32
    %run_scoped3A_230 = arith.constant 1 : i32
    "tpu.region"() ({
      %run_scoped3A_233 = tpu.sem_alloc : memref<!tpu.dma_semaphore, #tpu.memory_space<semaphore_mem>>
      %dma_start3A_234 = arith.constant 8192 : i32
      %dma_start3A_235 = tpu.memref_slice %arg9[%dma_start3A_234] : memref<9216xf32, #tpu.memory_space<vmem>> -> memref<512xf32, #tpu.memory_space<vmem>>
      %dma_start3A_236 = tpu.memref_slice %arg5[%run_scoped3A_229, %run_scoped3A_230, %mul3A_2] : memref<6x4x16384xf32, #tpu.memory_space<hbm>> -> memref<1x1x512xf32, #tpu.memory_space<hbm>>
      %dma_start3A_237 = tpu.memref_squeeze %dma_start3A_236 : memref<1x1x512xf32, #tpu.memory_space<hbm>> -> memref<512xf32, #tpu.memory_space<hbm>>
      %dma_start3A_238 = tpu.memref_slice %arg5[%run_scoped3A_229, %run_scoped3A_230, %mul3A_2] : memref<6x4x16384xf32, #tpu.memory_space<hbm>> -> memref<1x1x512xf32, #tpu.memory_space<hbm>>
      %dma_start3A_239 = tpu.memref_squeeze %dma_start3A_238 : memref<1x1x512xf32, #tpu.memory_space<hbm>> -> memref<512xf32, #tpu.memory_space<hbm>>
      %dma_start3A_240 = arith.constant 8192 : i32
      %dma_start3A_241 = tpu.memref_slice %arg9[%dma_start3A_240] : memref<9216xf32, #tpu.memory_space<vmem>> -> memref<512xf32, #tpu.memory_space<vmem>>
      tpu.enqueue_dma source(%dma_start3A_241 : memref<512xf32, #tpu.memory_space<vmem>>) target(%dma_start3A_239 : memref<512xf32, #tpu.memory_space<hbm>>) target_semaphore(%run_scoped3A_233 : memref<!tpu.dma_semaphore, #tpu.memory_space<semaphore_mem>>)
      %dma_wait3A_242 = arith.constant 8192 : i32
      %dma_wait3A_243 = tpu.memref_slice %arg9[%dma_wait3A_242] : memref<9216xf32, #tpu.memory_space<vmem>> -> memref<512xf32, #tpu.memory_space<vmem>>
      %dma_wait3A_244 = tpu.memref_slice %arg5[%run_scoped3A_229, %run_scoped3A_230, %mul3A_2] : memref<6x4x16384xf32, #tpu.memory_space<hbm>> -> memref<1x1x512xf32, #tpu.memory_space<hbm>>
      %dma_wait3A_245 = tpu.memref_squeeze %dma_wait3A_244 : memref<1x1x512xf32, #tpu.memory_space<hbm>> -> memref<512xf32, #tpu.memory_space<hbm>>
      %dma_wait3A_246 = tpu.memref_slice %arg5[%run_scoped3A_229, %run_scoped3A_230, %mul3A_2] : memref<6x4x16384xf32, #tpu.memory_space<hbm>> -> memref<1x1x512xf32, #tpu.memory_space<hbm>>
      %dma_wait3A_247 = tpu.memref_squeeze %dma_wait3A_246 : memref<1x1x512xf32, #tpu.memory_space<hbm>> -> memref<512xf32, #tpu.memory_space<hbm>>
      %dma_wait3A_248 = arith.constant 8192 : i32
      %dma_wait3A_249 = tpu.memref_slice %arg9[%dma_wait3A_248] : memref<9216xf32, #tpu.memory_space<vmem>> -> memref<512xf32, #tpu.memory_space<vmem>>
      tpu.wait_dma2 semaphore(%run_scoped3A_233 : memref<!tpu.dma_semaphore, #tpu.memory_space<semaphore_mem>>) src(%dma_wait3A_249 : memref<512xf32, #tpu.memory_space<vmem>>) dst(%dma_wait3A_247 : memref<512xf32, #tpu.memory_space<hbm>>)
      tpu.yield
    }) : () -> ()
    %run_scoped3A_231 = arith.constant 5 : i32
    %run_scoped3A_232 = arith.constant 2 : i32
    "tpu.region"() ({
      %run_scoped3A_233 = tpu.sem_alloc : memref<!tpu.dma_semaphore, #tpu.memory_space<semaphore_mem>>
      %dma_start3A_234 = arith.constant 8704 : i32
      %dma_start3A_235 = tpu.memref_slice %arg9[%dma_start3A_234] : memref<9216xf32, #tpu.memory_space<vmem>> -> memref<512xf32, #tpu.memory_space<vmem>>
      %dma_start3A_236 = tpu.memref_slice %arg5[%run_scoped3A_231, %run_scoped3A_232, %mul3A_2] : memref<6x4x16384xf32, #tpu.memory_space<hbm>> -> memref<1x1x512xf32, #tpu.memory_space<hbm>>
      %dma_start3A_237 = tpu.memref_squeeze %dma_start3A_236 : memref<1x1x512xf32, #tpu.memory_space<hbm>> -> memref<512xf32, #tpu.memory_space<hbm>>
      %dma_start3A_238 = tpu.memref_slice %arg5[%run_scoped3A_231, %run_scoped3A_232, %mul3A_2] : memref<6x4x16384xf32, #tpu.memory_space<hbm>> -> memref<1x1x512xf32, #tpu.memory_space<hbm>>
      %dma_start3A_239 = tpu.memref_squeeze %dma_start3A_238 : memref<1x1x512xf32, #tpu.memory_space<hbm>> -> memref<512xf32, #tpu.memory_space<hbm>>
      %dma_start3A_240 = arith.constant 8704 : i32
      %dma_start3A_241 = tpu.memref_slice %arg9[%dma_start3A_240] : memref<9216xf32, #tpu.memory_space<vmem>> -> memref<512xf32, #tpu.memory_space<vmem>>
      tpu.enqueue_dma source(%dma_start3A_241 : memref<512xf32, #tpu.memory_space<vmem>>) target(%dma_start3A_239 : memref<512xf32, #tpu.memory_space<hbm>>) target_semaphore(%run_scoped3A_233 : memref<!tpu.dma_semaphore, #tpu.memory_space<semaphore_mem>>)
      %dma_wait3A_242 = arith.constant 8704 : i32
      %dma_wait3A_243 = tpu.memref_slice %arg9[%dma_wait3A_242] : memref<9216xf32, #tpu.memory_space<vmem>> -> memref<512xf32, #tpu.memory_space<vmem>>
      %dma_wait3A_244 = tpu.memref_slice %arg5[%run_scoped3A_231, %run_scoped3A_232, %mul3A_2] : memref<6x4x16384xf32, #tpu.memory_space<hbm>> -> memref<1x1x512xf32, #tpu.memory_space<hbm>>
      %dma_wait3A_245 = tpu.memref_squeeze %dma_wait3A_244 : memref<1x1x512xf32, #tpu.memory_space<hbm>> -> memref<512xf32, #tpu.memory_space<hbm>>
      %dma_wait3A_246 = tpu.memref_slice %arg5[%run_scoped3A_231, %run_scoped3A_232, %mul3A_2] : memref<6x4x16384xf32, #tpu.memory_space<hbm>> -> memref<1x1x512xf32, #tpu.memory_space<hbm>>
      %dma_wait3A_247 = tpu.memref_squeeze %dma_wait3A_246 : memref<1x1x512xf32, #tpu.memory_space<hbm>> -> memref<512xf32, #tpu.memory_space<hbm>>
      %dma_wait3A_248 = arith.constant 8704 : i32
      %dma_wait3A_249 = tpu.memref_slice %arg9[%dma_wait3A_248] : memref<9216xf32, #tpu.memory_space<vmem>> -> memref<512xf32, #tpu.memory_space<vmem>>
      tpu.wait_dma2 semaphore(%run_scoped3A_233 : memref<!tpu.dma_semaphore, #tpu.memory_space<semaphore_mem>>) src(%dma_wait3A_249 : memref<512xf32, #tpu.memory_space<vmem>>) dst(%dma_wait3A_247 : memref<512xf32, #tpu.memory_space<hbm>>)
      tpu.yield
    }) : () -> ()
    return
  }
}

</mosaic_0001>

<sc_bundles>
// kernel: kernel.3.cloned.1.call-start
scs
__scs_entry_jumppad:
0x0: {  	(pc) =	sbr.rel $0x88, $3  }
0x1: {  	(tag) =	ssettag $0x0;
	lr =	simm.s32 $0x1  }
0x2: {  	[smem:$0x3F9E] =	sst lr;
	_ =	strace $0xD0000000  }
0x3: {  	_ = 	snop  }
0x4: {  	_ = 	snop  }
0x5: {  	_ = 	snop  }
0x6: {  	_ = 	snop  }
0x7: {  	_ = 	snop  }
__scs_overlays_trampoline_lowered:
0x8: {  	[smem:$0x3FAD] =	sst s0  }
0x9: {  	[smem:$0x3FAE] =	sst s1  }
0xa: {  	[smem:$0x3FAF] =	sst s2  }
0xb: {  	[smem:$0x3FB0] =	sst s3  }
0xc: {  	[smem:$0x3FB1] =	sst s4  }
0xd: {  	[smem:$0x3FB2] =	sst s5  }
0xe: {  	[smem:$0x3FB3] =	sst s6  }
0xf: {  	[smem:$0x3FB4] =	sst s7  }
0x10: {  	[smem:$0x3FB5] =	sst s8  }
0x11: {  	[smem:$0x3FB6] =	sst s9;
	s0 =	simm.s32 @!p0 $0x0  }
0x12: {  	s1 =	sld [smem:$0x3F9C];
	s0 =	simm.s32 @p0 $0x1  }
0x13: {  	[smem:$0x3FB7] =	sst s0;
	s0 =	simm.s32 @!p1 $0x0  }
0x14: {  	s2 =	sld [smem:$0x3F9B];
	s0 =	simm.s32 @p1 $0x1  }
0x15: {  	[smem:$0x3FB8] =	sst s0;
	s0 =	simm.s32 @!p2 $0x0  }
0x16: {  	s3 =	sld [smem:$0x3FDB];
	s0 =	simm.s32 @p2 $0x1  }
0x17: {  	s4 =	simm.s32 $0x1BF5;
	[smem:$0x3FBA] =	sst s0  }
0x18: {  	s0 =	sld [smem:$0x3F9D];
	_ =	swait.ge [sflag:s4], $0x0  }
0x19: {  	s7 =	sld [smem:$0x3F9E]  }
0x1a: {  	s8 =	sadd.s32 $0xFFFFE003, lr  }
0x1b: {  	s9 =	sadd.s32 $0xFFFFFEF7, lr;
	s5 =	simm.s32 $0xFFFFFFFF;
	p2 =	slt.u32 s8, $0xFFFFF086  }
0x1c: {  	p1 =	slt.u32 s9, $0xF7A;
	s5 =	simm.s32 @!p2 $0x0  }
0x1d: {  	s5 =	simm.s32 @p1 $0x1;
	p0 =	seq.s32 s7, s2  }
0x1e: {  	s7 =	smul.u32 @!p0 $0xF7A, s2;
	p2 =	seq.s32 @!p0 s5, $0x0  }
0x1f: {  	s9 =	smul.u32 $0xF7A, s1;
	s8 =	simm.s32 @!p0 $0x1BF5;
	p2 =	por !p2, p0  }
0x20: {  	[sflag:s8] =	ssyncset.s32 @!p0 $0xFFFFF086;
	s6 =	sadd.s32 @!p0 s3, s7;
	s7 =	simm.s32 @!p0 $0x108  }
0x21: {  	s3 =	sadd.s32 s3, s9;
	s6 =	sadd.s32 @!p0 $0x88, s6;
	s7 =	simm.s32 @p2 $0x1082  }
0x22: {  	[simem:s7], [sflag:s8] =	dma.local @!p0 [hbm:s6], $0xF7A  }
0x23: {  	s9 =	sor.u32 $0xD0000000, s2;
	s6 =	simm.s32 $0x108;
	_ =	swait.ge @!p0 [sflag:s8], $0x0  }
0x24: {  	s3 =	sadd.s32 $0x88, s3;
	s6 =	simm.s32 @!p1 $0x1082;
	[sflag:s4] =	ssyncset.s32 $0xFFFFF086  }
0x25: {  	[simem:s6], [sflag:s4] =	dma.local [hbm:s3], $0xF7A  }
0x26: {  	[smem:$0x3F9E] =	sst s1;
	(tag) =	ssettag s2;
	_ =	strace s9  }
0x27: {  	s1 =	sld [smem:$0x3FAE]  }
0x28: {  	s2 =	sld [smem:$0x3FAF]  }
0x29: {  	s4 =	sld [smem:$0x3FB1]  }
0x2a: {  	p0 =	seq.s32 s5, $0x0;
	s5 =	sld [smem:$0x3FB2]  }
0x2b: {  	s6 =	sld [smem:$0x3FB3]  }
0x2c: {  	s7 =	sld [smem:$0x3FB4]  }
0x2d: {  	s3 =	simm.s32 $0x108;
	s8 =	sld [smem:$0x3FB5]  }
0x2e: {  	s3 =	simm.s32 @!p0 $0x1082;
	s9 =	sld [smem:$0x3FB6]  }
0x2f: {  	lr =	sadd.s32 s0, s3;
	s0 =	sld [smem:$0x3FAD]  }
0x30: {  	s3 =	sld [smem:$0x3FB0]  }
0x31: {  	[smem:$0x3FB9] =	sst s10  }
0x32: {  	s10 =	sld [smem:$0x3FB7];
	_ =	sdelay $0x3  }
0x33: {  	p0 =	seq.s32 s10, $0x1;
	s10 =	sld [smem:$0x3FB9];
	_ =	sdelay $0x3  }
0x34: {  	[smem:$0x3FB9] =	sst s10  }
0x35: {  	s10 =	sld [smem:$0x3FB8];
	_ =	sdelay $0x3  }
0x36: {  	p1 =	seq.s32 s10, $0x1;
	s10 =	sld [smem:$0x3FB9];
	_ =	sdelay $0x3  }
0x37: {  	[smem:$0x3FB9] =	sst s10  }
0x38: {  	s10 =	sld [smem:$0x3FBA]  }
0x39: {  	_ = 	snop;
	(pc) =	sbr.ind lr, $3  }
0x3a: {  	_ = 	snop  }
0x3b: {  	_ = 	snop  }
0x3c: {  	p2 =	seq.s32 s10, $0x1;
	s10 =	sld [smem:$0x3FB9]  }
0x3d: {  	_ =	shalt  }
0x3e: {  	_ =	shalt  }
0x3f: {  	_ =	shalt  }
0x40: {  	_ =	shalt  }
0x41: {  	_ =	shalt  }
0x42: {  	_ =	shalt  }
0x43: {  	_ =	shalt  }
0x44: {  	_ =	shalt  }
0x45: {  	_ =	shalt  }
0x46: {  	_ =	shalt  }
0x47: {  	_ =	shalt  }
0x48: {  	_ =	shalt  }
0x49: {  	_ =	shalt  }
0x4a: {  	_ =	shalt  }
0x4b: {  	_ =	shalt  }
0x4c: {  	_ =	shalt  }
0x4d: {  	_ =	shalt  }
0x4e: {  	_ =	shalt  }
0x4f: {  	_ =	shalt  }
0x50: {  	_ =	shalt  }
0x51: {  	_ =	shalt  }
0x52: {  	_ =	shalt  }
0x53: {  	_ =	shalt  }
0x54: {  	_ =	shalt  }
0x55: {  	_ =	shalt  }
0x56: {  	_ =	shalt  }
0x57: {  	_ =	shalt  }
0x58: {  	_ =	shalt  }
0x59: {  	_ =	shalt  }
0x5a: {  	_ =	shalt  }
0x5b: {  	_ =	shalt  }
0x5c: {  	_ =	shalt  }
0x5d: {  	_ =	shalt  }
0x5e: {  	_ =	shalt  }
0x5f: {  	_ =	shalt  }
0x60: {  	_ =	shalt  }
0x61: {  	_ =	shalt  }
0x62: {  	_ =	shalt  }
0x63: {  	_ =	shalt  }
0x64: {  	_ =	shalt  }
0x65: {  	_ =	shalt  }
0x66: {  	_ =	shalt  }
0x67: {  	_ =	shalt  }
0x68: {  	_ =	shalt  }
0x69: {  	_ =	shalt  }
0x6a: {  	_ =	shalt  }
0x6b: {  	_ =	shalt  }
0x6c: {  	_ =	shalt  }
0x6d: {  	_ =	shalt  }
0x6e: {  	_ =	shalt  }
0x6f: {  	_ =	shalt  }
0x70: {  	_ =	shalt  }
0x71: {  	_ =	shalt  }
0x72: {  	_ =	shalt  }
0x73: {  	_ =	shalt  }
0x74: {  	_ =	shalt  }
0x75: {  	_ =	shalt  }
0x76: {  	_ =	shalt  }
0x77: {  	_ =	shalt  }
0x78: {  	_ =	shalt  }
0x79: {  	_ =	shalt  }
0x7a: {  	_ =	shalt  }
0x7b: {  	_ =	shalt  }
0x7c: {  	_ =	shalt  }
0x7d: {  	_ =	shalt  }
0x7e: {  	_ =	shalt  }
0x7f: {  	_ =	shalt  }
0x80: {  	_ =	shalt  }
0x81: {  	_ =	shalt  }
0x82: {  	_ =	shalt  }
0x83: {  	_ =	shalt  }
0x84: {  	_ =	shalt  }
0x85: {  	_ =	shalt  }
0x86: {  	_ =	shalt  }
0x87: {  	_ =	shalt  }
.Lfunc_end0:
.L_simem_size_0:
called_computation_lowered:
.L_overlay_start_0:
0x88: {  	s2 =	sld [smem:$0x3FD9]  }
0x89: {  	s3 =	sld [smem:$0x3FFE];
	_ =	sdelay $0x1  }
0x8a: {  	s1 =	srdreg.scid  }
0x8b: {  	s0 =	sand.u32 $0x1, s1  }
0x8c: {  	s14 =	sshll.u32 s0, $0xA;
	s2 =	sadd.s32 s3, s2  }
0x8d: {  	s2 =	sadd.s32 s2, s14  }
0x8e: {  	[smem:$0x3FC5] =	sst s2  }
0x8f: {  	_ = 	snop  }
0x90: {  	s2 =	sld [smem:$0x3FD0];
	_ =	sdelay $0x2  }
0x91: {  	s4 =	simm.s32 $0xA;
	s5 =	simm.s32 $0x10;
	s15 =	sld [smem:$0x3FC7]  }
0x92: {  	[smem:s5], [sflag:s4] =	dma.local [hbm:s2], $0x1  }
0x93: {  	_ =	swait.eq [sflag:s4], $0x1  }
0x94: {  	[sflag:s4] =	ssyncset.done $0x0  }
0x95: {  	s16 =	sld [smem:$0x10];
	[sflag:s4] =	ssyncadd.s32 $0xFFFFFFFF  }
0x96: {  	s17 =	sld [smem:$0x11];
	(tm) =	ssettm $0x1  }
0x97: {  	s18 =	sld [smem:$0x3FFB];
	_ =	sdelay $0x3  }
0x98: {  	_ =	strace s18  }
0x99: {  	s5 =	sld [smem:$0x3FFC];
	_ =	sdelay $0x3  }
0x9a: {  	_ =	strace s5  }
0x9b: {  	s5 =	sld [smem:$0x3FFD];
	_ =	sdelay $0x3  }
0x9c: {  	_ =	strace s5  }
0x9d: {  	_ =	strace $0x8FFFFFFF  }
0x9e: {  	s19 =	sld [smem:$0x3FDB];
	_ =	sdelay $0x1  }
0x9f: {  	s6 =	simm.s32 $_scs_section_size  }
0xa0: {  	s7 =	simm.s32 $_size__tile_overlayer_lowered;
	s8 =	simm.s32 $_tile_overlayer_lowered  }
0xa1: {  	s22 =	simm.s32 $0x1BFF;
	s21 =	sshll.u32 s8, $0x1;
	s5 =	sadd.s32 s6, s19  }
0xa2: {  	s9 =	simm.s32 $0x0;
	s20 =	sshll.u32 s7, $0x1;
	s7 =	sadd.s32 s21, s5  }
0xa3: {  	[timem:s9], [sflag:s22] =	dma.local [hbm:s7], s20  }
0xa4: {  	_ =	swait.ge [sflag:s22], s20  }
0xa5: {  	s6 =	ssub.s32 $0x0, s20;
	[sflag:s22] =	ssyncset.done $0x0  }
0xa6: {  	[sflag:s22] =	ssyncadd.s32 s6;
	_ =	sdelay $0x1  }
0xa7: {  	s23 =	simm.s32 $0x1B8B  }
0xa8: {  	_ =	swait.ge [sflag:s23], $0x1  }
0xa9: {  	[sflag:s23] =	ssyncset.done $0x0  }
0xaa: {  	s25 =	simm.s32 $0x1B8E;
	s24 =	sld [smem:$0x3FFE];
	[sflag:s23] =	ssyncadd.s32 $0xFFFFFFFF  }
0xab: {  	s26 =	simm.s32 $execute0_lowered;
	[smem:$0x3FD2] =	sst s25  }
0xac: {  	s7 =	sshll.u32 s26, $0x1;
	_ =	strace $0x80000046;
	[dreg:$0x1] =	wrdreg $0xFFFFFFFF  }
0xad: {  	s28 =	simm.s32 $_size_execute0_lowered;
	s5 =	sadd.s32 s5, s7;
	[dreg:$0x0] =	wrdreg $0x0  }
0xae: {  	s7 =	sshll.u32 s28, $0x1;
	[dreg:$0x2] =	wrdreg s5  }
0xaf: {  	[dreg:$0x3] =	wrdreg s7  }
0xb0: {  	[dreg:$0x4] =	wrdreg $0xC0  }
0xb1: {  	_ =	task [dreg:s9], $0x5FFFF  }
0xb2: {  	[dreg:$0x1] =	wrdreg $0xFFFFFFFF  }
0xb3: {  	[dreg:$0x0] =	wrdreg $0x60  }
0xb4: {  	[dreg:$0x2] =	wrdreg s24  }
0xb5: {  	[dreg:$0x3] =	wrdreg s15  }
0xb6: {  	[dreg:$0x4] =	wrdreg s16  }
0xb7: {  	[dreg:$0x5] =	wrdreg s17  }
0xb8: {  	[dreg:$0x6] =	wrdreg $0x9  }
0xb9: {  	_ =	task.clear_ibuf [dreg:s9], $0x7FFFF;
	_ =	strace $0x90000046  }
0xba: {  	s29 =	simm.s32 $0x9;
	_ =	strace $0x80000048  }
0xbb: {  	_ =	swait.ge [sflag:s29], $0x1  }
0xbc: {  	[sflag:s29] =	ssyncadd.s32 $0xFFFFFFFF  }
0xbd: {  	_ =	strace $0x90000048  }
0xbe: {  	_ =	sfence  }
0xbf: {  	s30 =	sld [smem:$0x0];
	_ =	sdelay $0x2  }
0xc0: {  	s31 =	sshll.u32 s1, $0xD;
	s1 =	sshrl.u32 s1, $0x2  }
0xc1: {  	s3 =	sand.u32 $0x4000, s31;
	s1 =	sadd.s32 s1, s30  }
0xc2: {  	s0 =	sor.u32 s3, s0;
	s1 =	sshll.u32 s1, $0x11  }
0xc3: {  	s0 =	sor.u32 s1, s0  }
0xc4: {  	s0 =	sadd.s32 $0x8F2B, s0  }
0xc5: {  	[sflag:s0] =	ssyncadd.remote.s32 $0x1  }
0xc6: {  	_ =	sfence.sel $0xFFFF  }
0xc7: {  	[dreg:$0x0] =	wrdreg $0xFFFFFFFF;
	(pc) =	sbr.abs _section_cstart, $3  }
0xc8: {  	[dreg:$0x1] =	wrdreg $0xFFFFFFFF  }
0xc9: {  	_ =	task.clear_ibuf [dreg:s9], $0x2FFFF;
	_ =	strace $0x9FFFFFFF  }
0xca: {  	(tm) =	ssettm $0x7FFFFFFF  }
0xcb: {  	_ =	shalt  }
tec
execute0_lowered:
.L_overlay_start_1:
0x0: {  	(tag) =	ssettag $0x1  }
0x1: {  	s0 =	rddreg [dreg:$0x1]  }
0x2: {  	s1 =	srdreg.scid;
	s4 =	stileid.u32  }
0x3: {  	s2 =	rddreg [dreg:$0x2];
	s1 =	sand.u32 $0x1, s1;
	s4 =	sshll.u32 s4, $0x7  }
0x4: {  	s3 =	ssub.s32 $0x2, s1;
	s5 =	sshll.u32 s1, $0x6;
	s1 =	simm.s32 $0x0  }
0x5: {  	s6 =	sshrl.u32 s3, $0x1;
	s4 =	sor.u32 s5, s4;
	[smem:$0x7FF] =	sst s1  }
0x6: {  	s5 =	ssub.s32 s3, s6;
	s0 =	sadd.s32 s0, s4;
	s6 =	sor.u32 $0x800, s4  }
0x7: {  	s20 =	sor.u32 $0x1000, s4;
	[dreg:$0x5] =	wrdreg s0;
	s7 =	sadd.s32 s2, s6  }
0x8: {  	s22 =	sor.u32 $0x2000, s4;
	s21 =	sadd.s32 s2, s20;
	[dreg:$0x6] =	wrdreg s7  }
0x9: {  	s23 =	sor.u32 $0x2800, s4;
	s8 =	sadd.s32 s2, s22;
	[dreg:$0x7] =	wrdreg s21  }
0xa: {  	s9 =	sor.u32 $0x4000, s4;
	s10 =	sadd.s32 s2, s23;
	[dreg:$0x8] =	wrdreg s8  }
0xb: {  	s26 =	sor.u32 $0x5000, s4;
	s24 =	sadd.s32 s2, s9;
	[dreg:$0x9] =	wrdreg s10  }
0xc: {  	s25 =	sor.u32 $0x4800, s4;
	s13 =	sadd.s32 s2, s26;
	[dreg:$0xa] =	wrdreg s24  }
0xd: {  	s11 =	sadd.s32 s2, s25;
	[dreg:$0xc] =	wrdreg s13;
	s13 =	sor.u32 $0x6800, s4  }
0xe: {  	s12 =	sor.u32 $0x6000, s4;
	[dreg:$0xb] =	wrdreg s11;
	s14 =	sadd.s32 s2, s13  }
0xf: {  	s18 =	sadd.s32 s2, s12;
	[dreg:$0xe] =	wrdreg s14;
	s14 =	sor.u32 $0x8000, s4  }
0x10: {  	s15 =	sor.u32 $0x8800, s4;
	[dreg:$0xd] =	wrdreg s18;
	s16 =	sadd.s32 s2, s14  }
0x11: {  	s19 =	sadd.s32 s2, s15;
	[dreg:$0xf] =	wrdreg s16;
	s16 =	sor.u32 $0x9000, s4  }
0x12: {  	s3 =	sadd.s32 s2, s4;
	[dreg:$0x10] =	wrdreg s19;
	s17 =	sadd.s32 s2, s16  }
0x13: {  	s19 =	sor.u32 $0xA800, s4;
	[dreg:$0x11] =	wrdreg s17;
	s17 =	sor.u32 $0xA000, s4  }
0x14: {  	s7 =	rddreg [dreg:$0x0];
	s18 =	sadd.s32 s2, s17;
	s2 =	sadd.s32 s2, s19  }
0x15: {  	[dreg:$0x13] =	wrdreg s2  }
0x16: {  	s2 =	rddreg [dreg:$0x3]  }
0x17: {  	[dreg:$0x12] =	wrdreg s18;
	s0 =	sadd.s32 s2, s6  }
0x18: {  	s20 =	sadd.s32 s2, s20;
	[dreg:$0x14] =	wrdreg s0  }
0x19: {  	s21 =	sadd.s32 s2, s22;
	[dreg:$0x15] =	wrdreg s20  }
0x1a: {  	s22 =	sadd.s32 s2, s23;
	[dreg:$0x16] =	wrdreg s21  }
0x1b: {  	s23 =	sadd.s32 s2, s9;
	[dreg:$0x17] =	wrdreg s22  }
0x1c: {  	s24 =	sadd.s32 s2, s25;
	[dreg:$0x18] =	wrdreg s23  }
0x1d: {  	s25 =	sadd.s32 s2, s26;
	[dreg:$0x19] =	wrdreg s24  }
0x1e: {  	s26 =	sadd.s32 s2, s12;
	[dreg:$0x1a] =	wrdreg s25  }
0x1f: {  	s18 =	sadd.s32 s2, s4;
	s4 =	sadd.s32 s2, s13;
	[dreg:$0x1b] =	wrdreg s26  }
0x20: {  	s6 =	sadd.s32 s2, s14;
	[dreg:$0x1c] =	wrdreg s4  }
0x21: {  	s8 =	sadd.s32 s2, s15;
	[dreg:$0x1d] =	wrdreg s6  }
0x22: {  	s9 =	sadd.s32 s2, s16;
	[dreg:$0x1e] =	wrdreg s8  }
0x23: {  	s10 =	sadd.s32 s2, s17;
	[dreg:$0x1f] =	wrdreg s9  }
0x24: {  	s2 =	sadd.s32 s2, s19;
	[smem:$0x7ED] =	sst s10  }
0x25: {  	s11 =	smax.u32 s5, $0x1;
	[smem:$0x7EE] =	sst s2  }
0x26: {  	s12 =	sadd.s32 $0x1800, s3;
	_ =	strace $0x80000047;
	[smem:$0x7EF] =	sst s11  }
0x27: {  	s13 =	sadd.s32 $0x5800, s3;
	[smem:$0x7F0] =	sst s12  }
0x28: {  	s14 =	sadd.s32 $0x9800, s3;
	[smem:$0x7F1] =	sst s13  }
0x29: {  	s15 =	sadd.s32 $0xC000, s3;
	[smem:$0x7F2] =	sst s14  }
0x2a: {  	s16 =	sadd.s32 $0xC800, s3;
	[smem:$0x7F3] =	sst s15  }
0x2b: {  	s17 =	sadd.s32 $0xD000, s3;
	[smem:$0x7F4] =	sst s16  }
0x2c: {  	s28 =	sadd.s32 $0x16000, s3;
	s19 =	sadd.s32 $0xD800, s3;
	[smem:$0x7F5] =	sst s17  }
0x2d: {  	s29 =	sadd.s32 $0x16800, s3;
	s20 =	sadd.s32 $0xE000, s3;
	[smem:$0x7F6] =	sst s19  }
0x2e: {  	s5 =	simm.s32 $0x200;
	s21 =	sadd.s32 $0xE800, s3;
	[smem:$0x7F7] =	sst s20  }
0x2f: {  	s4 =	sadd.s32 $0x502600, s7;
	s22 =	sadd.s32 $0x10000, s3;
	[smem:$0x7F8] =	sst s21  }
0x30: {  	s23 =	sadd.s32 $0x10800, s3;
	s24 =	sadd.s32 $0x11000, s3;
	[smem:$0x7F9] =	sst s22  }
0x31: {  	s25 =	sadd.s32 $0x11800, s3;
	s26 =	sadd.s32 $0x12000, s3;
	[smem:$0x7FA] =	sst s23  }
0x32: {  	s30 =	sadd.s32 $0x3000, s18;
	s31 =	sadd.s32 $0x7000, s18;
	[smem:$0x7FB] =	sst s24  }
0x33: {  	s0 =	simm.s32 $0x2;
	s2 =	simm.s32 $0x80;
	[smem:$0x7FC] =	sst s25  }
0x34: {  	s6 =	simm.s32 $0x1;
	s7 =	simm.s32 $0x0;
	[smem:$0x7FD] =	sst s26  }
0x35: {  	v0 =	vlaneseq.u32;
	s21 =	sadd.s32 $0x12800, s3;
	s22 =	sadd.s32 $0x14000, s3;
	s23 =	sadd.s32 $0x14800, s3  }
0x36: {  	v0 =	vmul.u32 $0x80, v0;
	s24 =	sadd.s32 $0x15000, s3;
	s25 =	sadd.s32 $0x15800, s3;
	s26 =	sadd.s32 $0xB000, s18  }
.LBB2_1:
0x37: {  	s8 =	rddreg [dreg:$0x5]  }
0x38: {  	[tilespmem:s1], [sflag:$0x2] =	stream.linear.gather [hbm4b:s8+s1], $0x200, $0x38;
	[tilespmem:$0x16E00] =	vst v63  }
0x39: {  	_ =	swait.ge [sflag:s0], $0x200  }
0x3a: {  	[sflag:s0] =	ssyncset.done $0x0  }
0x3b: {  	[sflag:s0] =	ssyncadd.s32 $0xFFFFFE00  }
0x3c: {  	[tilespmem:s5], [sflag:$0x1] =	stream.indirect.gather [hbm4b:s4+s2], $0x80, s1, s2, $0xb8;
	[tilespmem:$0x16E00] =	vst v63  }
0x3d: {  	s15 =	simm.s32 $0x4200;
	s9 =	simm.s32 $0x0  }
0x3e: {  	[tilespmem:s15], [sflag:$0x1] =	stream.indirect.gather [hbm4b:s4+s2], $0x80, s2, s2, $0xb8;
	[tilespmem:$0x16E00] =	vst v63  }
0x3f: {  	s8 =	sand.u32 $0xF0, s1;
	v1 =	vmov s9;
	_ =	swait.ge [sflag:s6], $0x4000  }
0x40: {  	v2 =	vmov s8;
	v1 =	vand.u32 $0x3F, v1;
	[sflag:s6] =	ssyncset.done $0x0  }
0x41: {  	v2 =	vshll.u32 v2, $0x7;
	v1 =	vbroadcast v1, $0x0;
	[sflag:s6] =	ssyncadd.s32 $0xFFFFC000  }
0x42: {  	s16 =	simm.s32 $0x100;
	v2 =	vor.u32 v0, v2;
	_ =	swait.ge [sflag:s6], $0x4000  }
0x43: {  	s10 =	simm.s32 $0x8200;
	s17 =	simm.s32 $0x10;
	v1 =	vor.u32 v1, v2;
	[sflag:s6] =	ssyncset.done $0x0  }
0x44: {  	s19 =	simm.s32 $0x0;
	s9 =	sand.u32 $0xF0, s17;
	[sflag:s6] =	ssyncadd.s32 $0xFFFFC000  }
0x45: {  	v2 =	vmov s19;
	[tilespmem:s10], [sflag:$0x1] =	stream.indirect.gather [hbm4b:s4+s2], $0x80, s16, s2, $0xb8;
	[tilespmem:$0x16E00] =	vst v63  }
0x46: {  	s20 =	simm.s32 $0x180;
	s11 =	simm.s32 $0xC200;
	v3 =	vmov s9;
	v2 =	vand.u32 $0x3F, v2  }
0x47: {  	v3 =	vshll.u32 v3, $0x7;
	v4 =	vbroadcast v2, $0x0;
	[tilespmem:s11], [sflag:$0x1] =	stream.indirect.gather [hbm4b:s4+s2], $0x80, s20, s2, $0xb8;
	[tilespmem:$0x16E00] =	vst v63  }
0x48: {  	v3 =	vor.u32 v0, v3;
	v2 =	vld.idx.msk [tilespmem:v1+s5+$0x0], $0xffff  }
0x49: {  	s12 =	simm.s32 $0x20;
	v1 =	vor.u32 v4, v3  }
0x4a: {  	s14 =	simm.s32 $0x0;
	s13 =	simm.s32 $0x3;
	s15 =	simm.s32 $0x0  }
0x4b: {  	s15 =	sand.u32 $0x3FFFFE00, s15;
	s10 =	simm.s32 $0x2;
	s11 =	simm.s32 $0x1  }
.LBB2_2:
0x4c: {  	p0 =	sne.s32 s13, $0x23F;
	s16 =	sand.u32 $0xF0, s12;
	v3 =	vmov s14;
	s8 =	sor.u32 s8, s15  }
0x4d: {  	s14 =	smov.u32 s10;
	v4 =	vmov s16;
	v3 =	vand.u32 $0x3F, v3;
	[tilespmem:s8+$0x10200] =	vst v2;
	s8 =	smov.u32 s9;
	s9 =	smov.u32 s16  }
.Ltmp0:
0x4e: {  	s10 =	smov.u32 s13;
	v4 =	vshll.u32 v4, $0x7;
	v3 =	vbroadcast v3, $0x0;
	v2 =	vld.idx.msk [tilespmem:v1+s5+$0x0], $0xffff;
	(pc) =	sbr.rel @p0 .LBB2_2-.Ltmp0, $4  }
0x4f: {  	v1 =	vor.u32 v0, v4  }
0x50: {  	v1 =	vor.u32 v3, v1  }
0x51: {  	s12 =	sadd.s32 $0x10, s12;
	s15 =	sshll.u32 s11, $0x5;
	s11 =	smov.u32 s14  }
0x52: {  	s13 =	sadd.s32 $0x1, s13;
	s14 =	sshrl.u32 s10, $0x4;
	s15 =	sand.u32 $0x3FFFFE00, s15  }
0x53: {  	_ = 	snop  }
0x54: {  	s13 =	sand.u32 $0xF0, s12;
	v3 =	vmov s14  }
0x55: {  	s8 =	sor.u32 s8, s15;
	v4 =	vmov s13;
	v3 =	vand.u32 $0x3F, v3  }
0x56: {  	[tilespmem:s8+$0x10200] =	vst v2;
	v2 =	vshll.u32 v4, $0x7;
	v3 =	vbroadcast v3, $0x0  }
0x57: {  	v1 =	vld.idx.msk [tilespmem:v1+s5+$0x0], $0xffff;
	v2 =	vor.u32 v0, v2  }
0x58: {  	s17 =	simm.s32 $0x0;
	v2 =	vor.u32 v3, v2  }
0x59: {  	s11 =	sshll.u32 s11, $0x5;
	s19 =	simm.s32 $0x0;
	v3 =	vmov s17  }
0x5a: {  	s11 =	sand.u32 $0x3FFFFE00, s11;
	s8 =	sand.u32 $0xF0, s19;
	v3 =	vadd.s32 $0x24, v3  }
0x5b: {  	s9 =	sor.u32 s9, s11;
	v62 =	vmov s8;
	v3 =	vand.u32 $0x7F, v3  }
0x5c: {  	[tilespmem:s9+$0x10200] =	vst v1;
	v1 =	vshll.u32 v62, $0x7;
	v3 =	vbroadcast v3, $0x0  }
0x5d: {  	v1 =	vor.u32 v0, v1;
	v2 =	vld.idx.msk [tilespmem:v2+s5+$0x0], $0xffff  }
0x5e: {  	s20 =	simm.s32 $0x0;
	v1 =	vor.u32 v3, v1  }
0x5f: {  	s12 =	simm.s32 $0x10;
	s10 =	sshll.u32 s10, $0x5;
	v3 =	vmov s20  }
0x60: {  	s10 =	sand.u32 $0x3FFFFE00, s10;
	s9 =	sand.u32 $0xF0, s12;
	v3 =	vadd.s32 $0x24, v3  }
0x61: {  	s10 =	sor.u32 s13, s10;
	v63 =	vmov s9;
	v3 =	vand.u32 $0x7F, v3  }
0x62: {  	v4 =	vshll.u32 v63, $0x7;
	v3 =	vbroadcast v3, $0x0;
	[tilespmem:s10+$0x10200] =	vst v2  }
0x63: {  	v4 =	vor.u32 v0, v4;
	v2 =	vld.idx.msk [tilespmem:v1+s5+$0x0], $0xffff  }
0x64: {  	s14 =	simm.s32 $0x0;
	s15 =	simm.s32 $0x0;
	v1 =	vor.u32 v3, v4  }
0x65: {  	s11 =	simm.s32 $0x2;
	s13 =	simm.s32 $0x3;
	s10 =	simm.s32 $0x1  }
.LBB2_4:
0x66: {  	p0 =	sne.s32 s13, $0x11F;
	v3 =	vmov s14;
	s12 =	sadd.s32 $0x10, s12;
	s14 =	sand.u32 $0x3FFFFE00, s15  }
0x67: {  	v3 =	vadd.s32 $0x24, v3;
	s14 =	sor.u32 s8, s14;
	s8 =	smov.u32 s9;
	s9 =	sand.u32 $0xF0, s12  }
.Ltmp1:
0x68: {  	s15 =	smov.u32 s10;
	s10 =	smov.u32 s11;
	v4 =	vmov s9;
	v3 =	vand.u32 $0x7F, v3;
	[tilespmem:s14+$0x14A00] =	vst v2;
	(pc) =	sbr.rel @p0 .LBB2_4-.Ltmp1, $4  }
0x69: {  	s11 =	smov.u32 s13;
	v4 =	vshll.u32 v4, $0x7;
	v3 =	vbroadcast v3, $0x0;
	v2 =	vld.idx.msk [tilespmem:v1+s5+$0x0], $0xffff  }
0x6a: {  	v1 =	vor.u32 v0, v4  }
0x6b: {  	v1 =	vor.u32 v3, v1  }
0x6c: {  	s13 =	sadd.s32 $0x1, s13;
	s15 =	sshll.u32 s15, $0x5;
	s14 =	sshrl.u32 s11, $0x4  }
0x6d: {  	v3 =	vmov s14;
	s12 =	sadd.s32 $0x10, s12  }
0x6e: {  	s13 =	sand.u32 $0x3FFFFE00, s15;
	s12 =	sand.u32 $0xF0, s12;
	v3 =	vadd.s32 $0x24, v3  }
0x6f: {  	s8 =	sor.u32 s8, s13;
	v4 =	vmov s12;
	v3 =	vand.u32 $0x7F, v3  }
0x70: {  	[tilespmem:s8+$0x14A00] =	vst v2;
	v2 =	vshll.u32 v4, $0x7;
	v3 =	vbroadcast v3, $0x0  }
0x71: {  	v1 =	vld.idx.msk [tilespmem:v1+s5+$0x0], $0xffff;
	v2 =	vor.u32 v0, v2  }
0x72: {  	v2 =	vor.u32 v3, v2  }
0x73: {  	s14 =	sshll.u32 s10, $0x5  }
0x74: {  	s8 =	sand.u32 $0x3FFFFE00, s14  }
0x75: {  	s8 =	sor.u32 s9, s8  }
0x76: {  	[tilespmem:s8+$0x14A00] =	vst v1  }
0x77: {  	v2 =	vld.idx.msk [tilespmem:v2+s5+$0x0], $0xffff;
	_ =	sdelay $0x1  }
0x78: {  	s15 =	sshll.u32 s11, $0x5;
	s16 =	simm.s32 $0x0  }
0x79: {  	s17 =	sand.u32 $0x3FFFFE00, s15;
	s8 =	simm.s32 $0x0;
	v1 =	vmov s16  }
0x7a: {  	s19 =	sor.u32 s12, s17;
	s16 =	sand.u32 $0xF0, s8;
	v3 =	vand.u32 $0x3F, v1  }
0x7b: {  	v3 =	vor.u32 $0x8000, v3;
	[tilespmem:s19+$0x14A00] =	vst v2;
	v2 =	vmov s16  }
0x7c: {  	v3 =	vbroadcast v3, $0x0;
	v2 =	vshll.u32 v2, $0x7  }
0x7d: {  	_ =	swait.ge [sflag:s6], $0x4000;
	v2 =	vor.u32 v0, v2  }
0x7e: {  	s20 =	simm.s32 $0x0;
	[sflag:s6] =	ssyncset.done $0x0;
	v4 =	vor.u32 v3, v2  }
0x7f: {  	s14 =	simm.s32 $0x10;
	[sflag:s6] =	ssyncadd.s32 $0xFFFFC000;
	v3 =	vmov s20  }
0x80: {  	s12 =	sand.u32 $0xF0, s14;
	_ =	swait.ge [sflag:s6], $0x4000;
	v5 =	vand.u32 $0x3F, v3  }
0x81: {  	v6 =	vmov s12;
	[sflag:s6] =	ssyncset.done $0x0;
	v5 =	vor.u32 $0x8000, v5  }
0x82: {  	v6 =	vshll.u32 v6, $0x7;
	[sflag:s6] =	ssyncadd.s32 $0xFFFFC000;
	v7 =	vbroadcast v5, $0x0  }
0x83: {  	s10 =	simm.s32 $0x1;
	s11 =	simm.s32 $0x2;
	v6 =	vor.u32 v0, v6;
	v5 =	vld.idx.msk [tilespmem:v4+s5+$0x0], $0xffff  }
0x84: {  	s15 =	simm.s32 $0x1;
	s13 =	simm.s32 $0x2;
	s17 =	simm.s32 $0x3;
	v4 =	vor.u32 v7, v6  }
0x85: {  	s9 =	smov.u32 s16;
	s19 =	simm.s32 $0x0;
	s20 =	simm.s32 $0x0  }
.LBB2_6:
0x86: {  	p0 =	sne.s32 s17, $0x23F;
	v6 =	vmov s19;
	s14 =	sadd.s32 $0x10, s14;
	s19 =	sand.u32 $0x3FFFFE00, s20  }
0x87: {  	v6 =	vand.u32 $0x3F, v6;
	s19 =	sor.u32 s9, s19;
	s9 =	smov.u32 s12;
	s12 =	sand.u32 $0xF0, s14  }
.Ltmp2:
0x88: {  	s20 =	smov.u32 s15;
	s15 =	smov.u32 s13;
	v7 =	vmov s12;
	v6 =	vor.u32 $0x8000, v6;
	[tilespmem:s19+$0x10300] =	vst v5;
	(pc) =	sbr.rel @p0 .LBB2_6-.Ltmp2, $4  }
0x89: {  	s13 =	smov.u32 s17;
	v7 =	vshll.u32 v7, $0x7;
	v6 =	vbroadcast v6, $0x0;
	v5 =	vld.idx.msk [tilespmem:v4+s5+$0x0], $0xffff  }
0x8a: {  	v4 =	vor.u32 v0, v7  }
0x8b: {  	v4 =	vor.u32 v6, v4  }
0x8c: {  	s17 =	sadd.s32 $0x1, s17;
	s20 =	sshll.u32 s20, $0x5;
	s19 =	sshrl.u32 s13, $0x4  }
0x8d: {  	v6 =	vmov s19;
	s14 =	sadd.s32 $0x10, s14  }
0x8e: {  	s17 =	sand.u32 $0x3FFFFE00, s20;
	s19 =	sand.u32 $0xF0, s14;
	v6 =	vand.u32 $0x3F, v6  }
0x8f: {  	s9 =	sor.u32 s9, s17;
	v7 =	vmov s19;
	v6 =	vor.u32 $0x8000, v6  }
0x90: {  	[tilespmem:s9+$0x10300] =	vst v5;
	v62 =	vshll.u32 v7, $0x7;
	v6 =	vbroadcast v6, $0x0  }
0x91: {  	v4 =	vld.idx.msk [tilespmem:v4+s5+$0x0], $0xffff;
	v5 =	vor.u32 v0, v62  }
0x92: {  	v5 =	vor.u32 v6, v5  }
0x93: {  	v1 =	vadd.s32 $0x24, v1;
	s17 =	sshll.u32 s15, $0x5  }
0x94: {  	v1 =	vand.u32 $0x7F, v1;
	s9 =	sand.u32 $0x3FFFFE00, s17  }
0x95: {  	v1 =	vor.u32 $0x8000, v1;
	s9 =	sor.u32 s12, s9  }
0x96: {  	v1 =	vbroadcast v1, $0x0;
	[tilespmem:s9+$0x10300] =	vst v4  }
0x97: {  	v4 =	vld.idx.msk [tilespmem:v5+s5+$0x0], $0xffff  }
0x98: {  	v1 =	vor.u32 v2, v1  }
0x99: {  	s20 =	sshll.u32 s13, $0x5;
	s14 =	simm.s32 $0x10;
	v2 =	vadd.s32 $0x24, v3  }
0x9a: {  	s12 =	sand.u32 $0xF0, s14;
	v2 =	vand.u32 $0x7F, v2;
	s9 =	sand.u32 $0x3FFFFE00, s20  }
0x9b: {  	v3 =	vmov s12;
	v2 =	vor.u32 $0x8000, v2;
	s9 =	sor.u32 s19, s9  }
0x9c: {  	v3 =	vshll.u32 v3, $0x7;
	v63 =	vbroadcast v2, $0x0;
	[tilespmem:s9+$0x10300] =	vst v4  }
0x9d: {  	v3 =	vor.u32 v0, v3;
	v2 =	vld.idx.msk [tilespmem:v1+s5+$0x0], $0xffff  }
0x9e: {  	s13 =	simm.s32 $0x0;
	s9 =	simm.s32 $0x3;
	v1 =	vor.u32 v3, v63  }
.LBB2_8:
0x9f: {  	p0 =	sne.s32 s9, $0x11F;
	v3 =	vmov s13;
	s13 =	sshll.u32 s8, $0x5;
	s8 =	smov.u32 s10  }
0xa0: {  	s14 =	sadd.s32 $0x10, s14;
	s10 =	smov.u32 s11;
	v3 =	vadd.s32 $0x24, v3;
	s13 =	sand.u32 $0x3FFFFE00, s13  }
.Ltmp3:
0xa1: {  	s11 =	sand.u32 $0xF0, s14;
	v3 =	vand.u32 $0x7F, v3;
	s13 =	sor.u32 s16, s13;
	(pc) =	sbr.rel @p0 .LBB2_8-.Ltmp3, $4  }
0xa2: {  	v4 =	vmov s11;
	s16 =	smov.u32 s12;
	s12 =	smov.u32 s11;
	s11 =	smov.u32 s9;
	v3 =	vor.u32 $0x8000, v3;
	[tilespmem:s13+$0x14B00] =	vst v2  }
0xa3: {  	v4 =	vshll.u32 v4, $0x7;
	v3 =	vbroadcast v3, $0x0;
	v2 =	vld.idx.msk [tilespmem:v1+s5+$0x0], $0xffff  }
0xa4: {  	v1 =	vor.u32 v0, v4  }
0xa5: {  	s9 =	sadd.s32 $0x1, s9;
	s13 =	sshrl.u32 s11, $0x4;
	v1 =	vor.u32 v1, v3  }
0xa6: {  	v3 =	vmov s13  }
0xa7: {  	s8 =	sshll.u32 s8, $0x5;
	s9 =	sadd.s32 $0x10, s14;
	v3 =	vadd.s32 $0x24, v3  }
0xa8: {  	s8 =	sand.u32 $0x3FFFFE00, s8;
	s9 =	sand.u32 $0xF0, s9;
	v3 =	vand.u32 $0x7F, v3  }
0xa9: {  	s8 =	sor.u32 s16, s8;
	v4 =	vmov s9;
	v3 =	vor.u32 $0x8000, v3  }
0xaa: {  	[tilespmem:s8+$0x14B00] =	vst v2;
	v2 =	vshll.u32 v4, $0x7;
	v3 =	vbroadcast v3, $0x0  }
0xab: {  	v1 =	vld.idx.msk [tilespmem:v1+s5+$0x0], $0xffff;
	v2 =	vor.u32 v0, v2  }
0xac: {  	v2 =	vor.u32 v2, v3  }
0xad: {  	s13 =	sshll.u32 s10, $0x5  }
0xae: {  	s8 =	sand.u32 $0x3FFFFE00, s13  }
0xaf: {  	s8 =	sor.u32 s12, s8  }
0xb0: {  	[tilespmem:s8+$0x14B00] =	vst v1  }
0xb1: {  	v1 =	vld.idx.msk [tilespmem:v2+s5+$0x0], $0xffff;
	_ =	sdelay $0x1  }
0xb2: {  	s14 =	sshll.u32 s11, $0x5  }
0xb3: {  	s8 =	sand.u32 $0x3FFFFE00, s14  }
0xb4: {  	s8 =	sor.u32 s9, s8  }
0xb5: {  	s15 =	simm.s32 $0x10200;
	[tilespmem:s8+$0x14B00] =	vst v1  }
0xb6: {  	[hbm4b:s3+s1] =	stream.linear.scatter [tilespmem:s15], [sflag:$0x2], $0x200, $0x38;
	[tilespmem:$0x16E00] =	vst v63  }
0xb7: {  	_ =	swait.ge [sflag:s0], $0x200  }
0xb8: {  	[sflag:s0] =	ssyncset.done $0x0  }
0xb9: {  	s17 =	simm.s32 $0x10400;
	s16 =	rddreg [dreg:$0x6];
	[sflag:s0] =	ssyncadd.s32 $0xFFFFFE00  }
0xba: {  	[hbm4b:s16+s1] =	stream.linear.scatter [tilespmem:s17], [sflag:$0x2], $0x200, $0x38;
	[tilespmem:$0x16E00] =	vst v63  }
0xbb: {  	_ =	swait.ge [sflag:s0], $0x200  }
0xbc: {  	[sflag:s0] =	ssyncset.done $0x0  }
0xbd: {  	s20 =	simm.s32 $0x10600;
	s19 =	rddreg [dreg:$0x7];
	[sflag:s0] =	ssyncadd.s32 $0xFFFFFE00  }
0xbe: {  	[hbm4b:s19+s1] =	stream.linear.scatter [tilespmem:s20], [sflag:$0x2], $0x200, $0x38;
	[tilespmem:$0x16E00] =	vst v63  }
0xbf: {  	_ =	swait.ge [sflag:s0], $0x200  }
0xc0: {  	s10 =	sld [smem:$0x7F0]  }
0xc1: {  	[sflag:s0] =	ssyncset.done $0x0  }
0xc2: {  	s11 =	simm.s32 $0x10800;
	[sflag:s0] =	ssyncadd.s32 $0xFFFFFE00  }
0xc3: {  	[hbm4b:s10+s1] =	stream.linear.scatter [tilespmem:s11], [sflag:$0x2], $0x200, $0x38;
	[tilespmem:$0x16E00] =	vst v63  }
0xc4: {  	_ =	swait.ge [sflag:s0], $0x200  }
0xc5: {  	[sflag:s0] =	ssyncset.done $0x0  }
0xc6: {  	s13 =	simm.s32 $0x10A00;
	s12 =	rddreg [dreg:$0x8];
	[sflag:s0] =	ssyncadd.s32 $0xFFFFFE00  }
0xc7: {  	[hbm4b:s12+s1] =	stream.linear.scatter [tilespmem:s13], [sflag:$0x2], $0x200, $0x38;
	[tilespmem:$0x16E00] =	vst v63  }
0xc8: {  	_ =	swait.ge [sflag:s0], $0x200  }
0xc9: {  	[sflag:s0] =	ssyncset.done $0x0  }
0xca: {  	s15 =	simm.s32 $0x10C00;
	s14 =	rddreg [dreg:$0x9];
	[sflag:s0] =	ssyncadd.s32 $0xFFFFFE00  }
0xcb: {  	[hbm4b:s14+s1] =	stream.linear.scatter [tilespmem:s15], [sflag:$0x2], $0x200, $0x38;
	[tilespmem:$0x16E00] =	vst v63  }
0xcc: {  	_ =	swait.ge [sflag:s0], $0x200  }
0xcd: {  	[sflag:s0] =	ssyncset.done $0x0  }
0xce: {  	s17 =	simm.s32 $0x10E00;
	s16 =	rddreg [dreg:$0xa];
	[sflag:s0] =	ssyncadd.s32 $0xFFFFFE00  }
0xcf: {  	[hbm4b:s16+s1] =	stream.linear.scatter [tilespmem:s17], [sflag:$0x2], $0x200, $0x38;
	[tilespmem:$0x16E00] =	vst v63  }
0xd0: {  	_ =	swait.ge [sflag:s0], $0x200  }
0xd1: {  	[sflag:s0] =	ssyncset.done $0x0  }
0xd2: {  	s20 =	simm.s32 $0x11000;
	s19 =	rddreg [dreg:$0xb];
	[sflag:s0] =	ssyncadd.s32 $0xFFFFFE00  }
0xd3: {  	[hbm4b:s19+s1] =	stream.linear.scatter [tilespmem:s20], [sflag:$0x2], $0x200, $0x38;
	[tilespmem:$0x16E00] =	vst v63  }
0xd4: {  	_ =	swait.ge [sflag:s0], $0x200  }
0xd5: {  	[sflag:s0] =	ssyncset.done $0x0  }
0xd6: {  	s11 =	simm.s32 $0x11200;
	s10 =	rddreg [dreg:$0xc];
	[sflag:s0] =	ssyncadd.s32 $0xFFFFFE00  }
0xd7: {  	[hbm4b:s10+s1] =	stream.linear.scatter [tilespmem:s11], [sflag:$0x2], $0x200, $0x38;
	[tilespmem:$0x16E00] =	vst v63  }
0xd8: {  	_ =	swait.ge [sflag:s0], $0x200  }
0xd9: {  	s12 =	sld [smem:$0x7F1]  }
0xda: {  	[sflag:s0] =	ssyncset.done $0x0  }
0xdb: {  	s13 =	simm.s32 $0x11400;
	[sflag:s0] =	ssyncadd.s32 $0xFFFFFE00  }
0xdc: {  	[hbm4b:s12+s1] =	stream.linear.scatter [tilespmem:s13], [sflag:$0x2], $0x200, $0x38;
	[tilespmem:$0x16E00] =	vst v63  }
0xdd: {  	_ =	swait.ge [sflag:s0], $0x200  }
0xde: {  	[sflag:s0] =	ssyncset.done $0x0  }
0xdf: {  	s15 =	simm.s32 $0x11600;
	s14 =	rddreg [dreg:$0xd];
	[sflag:s0] =	ssyncadd.s32 $0xFFFFFE00  }
0xe0: {  	[hbm4b:s14+s1] =	stream.linear.scatter [tilespmem:s15], [sflag:$0x2], $0x200, $0x38;
	[tilespmem:$0x16E00] =	vst v63  }
0xe1: {  	_ =	swait.ge [sflag:s0], $0x200  }
0xe2: {  	[sflag:s0] =	ssyncset.done $0x0  }
0xe3: {  	s17 =	simm.s32 $0x11800;
	s16 =	rddreg [dreg:$0xe];
	[sflag:s0] =	ssyncadd.s32 $0xFFFFFE00  }
0xe4: {  	[hbm4b:s16+s1] =	stream.linear.scatter [tilespmem:s17], [sflag:$0x2], $0x200, $0x38;
	[tilespmem:$0x16E00] =	vst v63  }
0xe5: {  	_ =	swait.ge [sflag:s0], $0x200  }
0xe6: {  	[sflag:s0] =	ssyncset.done $0x0  }
0xe7: {  	s20 =	simm.s32 $0x11A00;
	s19 =	rddreg [dreg:$0xf];
	[sflag:s0] =	ssyncadd.s32 $0xFFFFFE00  }
0xe8: {  	[hbm4b:s19+s1] =	stream.linear.scatter [tilespmem:s20], [sflag:$0x2], $0x200, $0x38;
	[tilespmem:$0x16E00] =	vst v63  }
0xe9: {  	_ =	swait.ge [sflag:s0], $0x200  }
0xea: {  	[sflag:s0] =	ssyncset.done $0x0  }
0xeb: {  	s11 =	simm.s32 $0x11C00;
	s10 =	rddreg [dreg:$0x10];
	[sflag:s0] =	ssyncadd.s32 $0xFFFFFE00  }
0xec: {  	[hbm4b:s10+s1] =	stream.linear.scatter [tilespmem:s11], [sflag:$0x2], $0x200, $0x38;
	[tilespmem:$0x16E00] =	vst v63  }
0xed: {  	_ =	swait.ge [sflag:s0], $0x200  }
0xee: {  	[sflag:s0] =	ssyncset.done $0x0  }
0xef: {  	s13 =	simm.s32 $0x11E00;
	s12 =	rddreg [dreg:$0x11];
	[sflag:s0] =	ssyncadd.s32 $0xFFFFFE00  }
0xf0: {  	[hbm4b:s12+s1] =	stream.linear.scatter [tilespmem:s13], [sflag:$0x2], $0x200, $0x38;
	[tilespmem:$0x16E00] =	vst v63  }
0xf1: {  	_ =	swait.ge [sflag:s0], $0x200  }
0xf2: {  	s14 =	sld [smem:$0x7F2]  }
0xf3: {  	[sflag:s0] =	ssyncset.done $0x0  }
0xf4: {  	s15 =	simm.s32 $0x12000;
	[sflag:s0] =	ssyncadd.s32 $0xFFFFFE00  }
0xf5: {  	[hbm4b:s14+s1] =	stream.linear.scatter [tilespmem:s15], [sflag:$0x2], $0x200, $0x38;
	[tilespmem:$0x16E00] =	vst v63  }
0xf6: {  	_ =	swait.ge [sflag:s0], $0x200  }
0xf7: {  	[sflag:s0] =	ssyncset.done $0x0  }
0xf8: {  	s17 =	simm.s32 $0x12200;
	s16 =	rddreg [dreg:$0x12];
	[sflag:s0] =	ssyncadd.s32 $0xFFFFFE00  }
0xf9: {  	[hbm4b:s16+s1] =	stream.linear.scatter [tilespmem:s17], [sflag:$0x2], $0x200, $0x38;
	[tilespmem:$0x16E00] =	vst v63  }
0xfa: {  	_ =	swait.ge [sflag:s0], $0x200  }
0xfb: {  	[sflag:s0] =	ssyncset.done $0x0  }
0xfc: {  	s20 =	simm.s32 $0x12400;
	s19 =	rddreg [dreg:$0x13];
	[sflag:s0] =	ssyncadd.s32 $0xFFFFFE00  }
0xfd: {  	[hbm4b:s19+s1] =	stream.linear.scatter [tilespmem:s20], [sflag:$0x2], $0x200, $0x38;
	[tilespmem:$0x16E00] =	vst v63  }
0xfe: {  	_ =	swait.ge [sflag:s0], $0x200  }
0xff: {  	s10 =	sld [smem:$0x7F3]  }
0x100: {  	[sflag:s0] =	ssyncset.done $0x0  }
0x101: {  	s11 =	simm.s32 $0x12600;
	[sflag:s0] =	ssyncadd.s32 $0xFFFFFE00  }
0x102: {  	[hbm4b:s10+s1] =	stream.linear.scatter [tilespmem:s11], [sflag:$0x2], $0x200, $0x38;
	[tilespmem:$0x16E00] =	vst v63  }
0x103: {  	_ =	swait.ge [sflag:s0], $0x200  }
0x104: {  	s12 =	sld [smem:$0x7F4]  }
0x105: {  	[sflag:s0] =	ssyncset.done $0x0  }
0x106: {  	s13 =	simm.s32 $0x12800;
	[sflag:s0] =	ssyncadd.s32 $0xFFFFFE00  }
0x107: {  	[hbm4b:s12+s1] =	stream.linear.scatter [tilespmem:s13], [sflag:$0x2], $0x200, $0x38;
	[tilespmem:$0x16E00] =	vst v63  }
0x108: {  	_ =	swait.ge [sflag:s0], $0x200  }
0x109: {  	s14 =	sld [smem:$0x7F5]  }
0x10a: {  	[sflag:s0] =	ssyncset.done $0x0  }
0x10b: {  	s15 =	simm.s32 $0x12A00;
	[sflag:s0] =	ssyncadd.s32 $0xFFFFFE00  }
0x10c: {  	[hbm4b:s14+s1] =	stream.linear.scatter [tilespmem:s15], [sflag:$0x2], $0x200, $0x38;
	[tilespmem:$0x16E00] =	vst v63  }
0x10d: {  	_ =	swait.ge [sflag:s0], $0x200  }
0x10e: {  	s16 =	sld [smem:$0x7F6]  }
0x10f: {  	[sflag:s0] =	ssyncset.done $0x0  }
0x110: {  	s17 =	simm.s32 $0x12C00;
	[sflag:s0] =	ssyncadd.s32 $0xFFFFFE00  }
0x111: {  	[hbm4b:s16+s1] =	stream.linear.scatter [tilespmem:s17], [sflag:$0x2], $0x200, $0x38;
	[tilespmem:$0x16E00] =	vst v63  }
0x112: {  	_ =	swait.ge [sflag:s0], $0x200  }
0x113: {  	s19 =	sld [smem:$0x7F7]  }
0x114: {  	[sflag:s0] =	ssyncset.done $0x0  }
0x115: {  	s20 =	simm.s32 $0x12E00;
	[sflag:s0] =	ssyncadd.s32 $0xFFFFFE00  }
0x116: {  	[hbm4b:s19+s1] =	stream.linear.scatter [tilespmem:s20], [sflag:$0x2], $0x200, $0x38;
	[tilespmem:$0x16E00] =	vst v63  }
0x117: {  	_ =	swait.ge [sflag:s0], $0x200  }
0x118: {  	s10 =	sld [smem:$0x7F8]  }
0x119: {  	[sflag:s0] =	ssyncset.done $0x0  }
0x11a: {  	s11 =	simm.s32 $0x13000;
	[sflag:s0] =	ssyncadd.s32 $0xFFFFFE00  }
0x11b: {  	[hbm4b:s10+s1] =	stream.linear.scatter [tilespmem:s11], [sflag:$0x2], $0x200, $0x38;
	[tilespmem:$0x16E00] =	vst v63  }
0x11c: {  	_ =	swait.ge [sflag:s0], $0x200  }
0x11d: {  	s12 =	sld [smem:$0x7F9]  }
0x11e: {  	[sflag:s0] =	ssyncset.done $0x0  }
0x11f: {  	s13 =	simm.s32 $0x13200;
	[sflag:s0] =	ssyncadd.s32 $0xFFFFFE00  }
0x120: {  	[hbm4b:s12+s1] =	stream.linear.scatter [tilespmem:s13], [sflag:$0x2], $0x200, $0x38;
	[tilespmem:$0x16E00] =	vst v63  }
0x121: {  	_ =	swait.ge [sflag:s0], $0x200  }
0x122: {  	s14 =	sld [smem:$0x7FA]  }
0x123: {  	[sflag:s0] =	ssyncset.done $0x0  }
0x124: {  	s15 =	simm.s32 $0x13400;
	[sflag:s0] =	ssyncadd.s32 $0xFFFFFE00  }
0x125: {  	[hbm4b:s14+s1] =	stream.linear.scatter [tilespmem:s15], [sflag:$0x2], $0x200, $0x38;
	[tilespmem:$0x16E00] =	vst v63  }
0x126: {  	_ =	swait.ge [sflag:s0], $0x200  }
0x127: {  	s16 =	sld [smem:$0x7FB]  }
0x128: {  	[sflag:s0] =	ssyncset.done $0x0  }
0x129: {  	s17 =	simm.s32 $0x13600;
	[sflag:s0] =	ssyncadd.s32 $0xFFFFFE00  }
0x12a: {  	[hbm4b:s16+s1] =	stream.linear.scatter [tilespmem:s17], [sflag:$0x2], $0x200, $0x38;
	[tilespmem:$0x16E00] =	vst v63  }
0x12b: {  	_ =	swait.ge [sflag:s0], $0x200  }
0x12c: {  	s19 =	sld [smem:$0x7FC]  }
0x12d: {  	[sflag:s0] =	ssyncset.done $0x0  }
0x12e: {  	s20 =	simm.s32 $0x13800;
	[sflag:s0] =	ssyncadd.s32 $0xFFFFFE00  }
0x12f: {  	[hbm4b:s19+s1] =	stream.linear.scatter [tilespmem:s20], [sflag:$0x2], $0x200, $0x38;
	[tilespmem:$0x16E00] =	vst v63  }
0x130: {  	_ =	swait.ge [sflag:s0], $0x200  }
0x131: {  	s10 =	sld [smem:$0x7FD]  }
0x132: {  	[sflag:s0] =	ssyncset.done $0x0  }
0x133: {  	s11 =	simm.s32 $0x13A00;
	[sflag:s0] =	ssyncadd.s32 $0xFFFFFE00  }
0x134: {  	[hbm4b:s10+s1] =	stream.linear.scatter [tilespmem:s11], [sflag:$0x2], $0x200, $0x38;
	[tilespmem:$0x16E00] =	vst v63  }
0x135: {  	_ =	swait.ge [sflag:s0], $0x200  }
0x136: {  	[sflag:s0] =	ssyncset.done $0x0  }
0x137: {  	s12 =	simm.s32 $0x13C00;
	[sflag:s0] =	ssyncadd.s32 $0xFFFFFE00  }
0x138: {  	[hbm4b:s21+s1] =	stream.linear.scatter [tilespmem:s12], [sflag:$0x2], $0x200, $0x38;
	[tilespmem:$0x16E00] =	vst v63  }
0x139: {  	_ =	swait.ge [sflag:s0], $0x200  }
0x13a: {  	[sflag:s0] =	ssyncset.done $0x0  }
0x13b: {  	s13 =	simm.s32 $0x13E00;
	[sflag:s0] =	ssyncadd.s32 $0xFFFFFE00  }
0x13c: {  	[hbm4b:s22+s1] =	stream.linear.scatter [tilespmem:s13], [sflag:$0x2], $0x200, $0x38;
	[tilespmem:$0x16E00] =	vst v63  }
0x13d: {  	_ =	swait.ge [sflag:s0], $0x200  }
0x13e: {  	[sflag:s0] =	ssyncset.done $0x0  }
0x13f: {  	s14 =	simm.s32 $0x14000;
	[sflag:s0] =	ssyncadd.s32 $0xFFFFFE00  }
0x140: {  	[hbm4b:s23+s1] =	stream.linear.scatter [tilespmem:s14], [sflag:$0x2], $0x200, $0x38;
	[tilespmem:$0x16E00] =	vst v63  }
0x141: {  	_ =	swait.ge [sflag:s0], $0x200  }
0x142: {  	[sflag:s0] =	ssyncset.done $0x0  }
0x143: {  	s15 =	simm.s32 $0x14200;
	[sflag:s0] =	ssyncadd.s32 $0xFFFFFE00  }
0x144: {  	[hbm4b:s24+s1] =	stream.linear.scatter [tilespmem:s15], [sflag:$0x2], $0x200, $0x38;
	[tilespmem:$0x16E00] =	vst v63  }
0x145: {  	_ =	swait.ge [sflag:s0], $0x200  }
0x146: {  	[sflag:s0] =	ssyncset.done $0x0  }
0x147: {  	s16 =	simm.s32 $0x14400;
	[sflag:s0] =	ssyncadd.s32 $0xFFFFFE00  }
0x148: {  	[hbm4b:s25+s1] =	stream.linear.scatter [tilespmem:s16], [sflag:$0x2], $0x200, $0x38;
	[tilespmem:$0x16E00] =	vst v63  }
0x149: {  	_ =	swait.ge [sflag:s0], $0x200  }
0x14a: {  	[sflag:s0] =	ssyncset.done $0x0  }
0x14b: {  	s17 =	simm.s32 $0x14600;
	[sflag:s0] =	ssyncadd.s32 $0xFFFFFE00  }
0x14c: {  	[hbm4b:s28+s1] =	stream.linear.scatter [tilespmem:s17], [sflag:$0x2], $0x200, $0x38;
	[tilespmem:$0x16E00] =	vst v63  }
0x14d: {  	_ =	swait.ge [sflag:s0], $0x200  }
0x14e: {  	[sflag:s0] =	ssyncset.done $0x0  }
0x14f: {  	s19 =	simm.s32 $0x14800;
	[sflag:s0] =	ssyncadd.s32 $0xFFFFFE00  }
0x150: {  	[hbm4b:s29+s1] =	stream.linear.scatter [tilespmem:s19], [sflag:$0x2], $0x200, $0x38;
	[tilespmem:$0x16E00] =	vst v63  }
0x151: {  	_ =	swait.ge [sflag:s0], $0x200  }
0x152: {  	[sflag:s0] =	ssyncset.done $0x0  }
0x153: {  	s20 =	simm.s32 $0x14A00;
	[sflag:s0] =	ssyncadd.s32 $0xFFFFFE00  }
0x154: {  	[hbm4b:s18+s1] =	stream.linear.scatter [tilespmem:s20], [sflag:$0x2], $0x200, $0x38;
	[tilespmem:$0x16E00] =	vst v63  }
0x155: {  	_ =	swait.ge [sflag:s0], $0x200  }
0x156: {  	[sflag:s0] =	ssyncset.done $0x0  }
0x157: {  	s10 =	simm.s32 $0x14C00;
	s9 =	rddreg [dreg:$0x14];
	[sflag:s0] =	ssyncadd.s32 $0xFFFFFE00  }
0x158: {  	[hbm4b:s9+s1] =	stream.linear.scatter [tilespmem:s10], [sflag:$0x2], $0x200, $0x38;
	[tilespmem:$0x16E00] =	vst v63  }
0x159: {  	_ =	swait.ge [sflag:s0], $0x200  }
0x15a: {  	[sflag:s0] =	ssyncset.done $0x0  }
0x15b: {  	s12 =	simm.s32 $0x14E00;
	s11 =	rddreg [dreg:$0x15];
	[sflag:s0] =	ssyncadd.s32 $0xFFFFFE00  }
0x15c: {  	[hbm4b:s11+s1] =	stream.linear.scatter [tilespmem:s12], [sflag:$0x2], $0x200, $0x38;
	[tilespmem:$0x16E00] =	vst v63  }
0x15d: {  	_ =	swait.ge [sflag:s0], $0x200  }
0x15e: {  	[sflag:s0] =	ssyncset.done $0x0  }
0x15f: {  	s14 =	simm.s32 $0x15000;
	s13 =	rddreg [dreg:$0x16];
	[sflag:s0] =	ssyncadd.s32 $0xFFFFFE00  }
0x160: {  	[hbm4b:s13+s1] =	stream.linear.scatter [tilespmem:s14], [sflag:$0x2], $0x200, $0x38;
	[tilespmem:$0x16E00] =	vst v63  }
0x161: {  	_ =	swait.ge [sflag:s0], $0x200  }
0x162: {  	[sflag:s0] =	ssyncset.done $0x0  }
0x163: {  	s16 =	simm.s32 $0x15200;
	s15 =	rddreg [dreg:$0x17];
	[sflag:s0] =	ssyncadd.s32 $0xFFFFFE00  }
0x164: {  	[hbm4b:s15+s1] =	stream.linear.scatter [tilespmem:s16], [sflag:$0x2], $0x200, $0x38;
	[tilespmem:$0x16E00] =	vst v63  }
0x165: {  	_ =	swait.ge [sflag:s0], $0x200  }
0x166: {  	[sflag:s0] =	ssyncset.done $0x0  }
0x167: {  	s17 =	simm.s32 $0x15400;
	[sflag:s0] =	ssyncadd.s32 $0xFFFFFE00  }
0x168: {  	[hbm4b:s30+s1] =	stream.linear.scatter [tilespmem:s17], [sflag:$0x2], $0x200, $0x38;
	[tilespmem:$0x16E00] =	vst v63  }
0x169: {  	_ =	swait.ge [sflag:s0], $0x200  }
0x16a: {  	[sflag:s0] =	ssyncset.done $0x0  }
0x16b: {  	s20 =	simm.s32 $0x15600;
	s19 =	rddreg [dreg:$0x18];
	[sflag:s0] =	ssyncadd.s32 $0xFFFFFE00  }
0x16c: {  	[hbm4b:s19+s1] =	stream.linear.scatter [tilespmem:s20], [sflag:$0x2], $0x200, $0x38;
	[tilespmem:$0x16E00] =	vst v63  }
0x16d: {  	_ =	swait.ge [sflag:s0], $0x200  }
0x16e: {  	[sflag:s0] =	ssyncset.done $0x0  }
0x16f: {  	s10 =	simm.s32 $0x15800;
	s9 =	rddreg [dreg:$0x19];
	[sflag:s0] =	ssyncadd.s32 $0xFFFFFE00  }
0x170: {  	[hbm4b:s9+s1] =	stream.linear.scatter [tilespmem:s10], [sflag:$0x2], $0x200, $0x38;
	[tilespmem:$0x16E00] =	vst v63  }
0x171: {  	_ =	swait.ge [sflag:s0], $0x200  }
0x172: {  	[sflag:s0] =	ssyncset.done $0x0  }
0x173: {  	s12 =	simm.s32 $0x15A00;
	s11 =	rddreg [dreg:$0x1a];
	[sflag:s0] =	ssyncadd.s32 $0xFFFFFE00  }
0x174: {  	[hbm4b:s11+s1] =	stream.linear.scatter [tilespmem:s12], [sflag:$0x2], $0x200, $0x38;
	[tilespmem:$0x16E00] =	vst v63  }
0x175: {  	_ =	swait.ge [sflag:s0], $0x200  }
0x176: {  	[sflag:s0] =	ssyncset.done $0x0  }
0x177: {  	s14 =	simm.s32 $0x15C00;
	s13 =	rddreg [dreg:$0x1b];
	[sflag:s0] =	ssyncadd.s32 $0xFFFFFE00  }
0x178: {  	[hbm4b:s13+s1] =	stream.linear.scatter [tilespmem:s14], [sflag:$0x2], $0x200, $0x38;
	[tilespmem:$0x16E00] =	vst v63  }
0x179: {  	_ =	swait.ge [sflag:s0], $0x200  }
0x17a: {  	[sflag:s0] =	ssyncset.done $0x0  }
0x17b: {  	s16 =	simm.s32 $0x15E00;
	s15 =	rddreg [dreg:$0x1c];
	[sflag:s0] =	ssyncadd.s32 $0xFFFFFE00  }
0x17c: {  	[hbm4b:s15+s1] =	stream.linear.scatter [tilespmem:s16], [sflag:$0x2], $0x200, $0x38;
	[tilespmem:$0x16E00] =	vst v63  }
0x17d: {  	_ =	swait.ge [sflag:s0], $0x200  }
0x17e: {  	[sflag:s0] =	ssyncset.done $0x0  }
0x17f: {  	s17 =	simm.s32 $0x16000;
	[sflag:s0] =	ssyncadd.s32 $0xFFFFFE00  }
0x180: {  	[hbm4b:s31+s1] =	stream.linear.scatter [tilespmem:s17], [sflag:$0x2], $0x200, $0x38;
	[tilespmem:$0x16E00] =	vst v63  }
0x181: {  	_ =	swait.ge [sflag:s0], $0x200  }
0x182: {  	[sflag:s0] =	ssyncset.done $0x0  }
0x183: {  	s20 =	simm.s32 $0x16200;
	s19 =	rddreg [dreg:$0x1d];
	[sflag:s0] =	ssyncadd.s32 $0xFFFFFE00  }
0x184: {  	[hbm4b:s19+s1] =	stream.linear.scatter [tilespmem:s20], [sflag:$0x2], $0x200, $0x38;
	[tilespmem:$0x16E00] =	vst v63  }
0x185: {  	_ =	swait.ge [sflag:s0], $0x200  }
0x186: {  	[sflag:s0] =	ssyncset.done $0x0  }
0x187: {  	s11 =	simm.s32 $0x16400;
	s10 =	rddreg [dreg:$0x1e];
	[sflag:s0] =	ssyncadd.s32 $0xFFFFFE00  }
0x188: {  	[hbm4b:s10+s1] =	stream.linear.scatter [tilespmem:s11], [sflag:$0x2], $0x200, $0x38;
	[tilespmem:$0x16E00] =	vst v63  }
0x189: {  	_ =	swait.ge [sflag:s0], $0x200  }
0x18a: {  	[sflag:s0] =	ssyncset.done $0x0  }
0x18b: {  	s13 =	simm.s32 $0x16600;
	s12 =	rddreg [dreg:$0x1f];
	[sflag:s0] =	ssyncadd.s32 $0xFFFFFE00  }
0x18c: {  	[hbm4b:s12+s1] =	stream.linear.scatter [tilespmem:s13], [sflag:$0x2], $0x200, $0x38;
	[tilespmem:$0x16E00] =	vst v63  }
0x18d: {  	_ =	swait.ge [sflag:s0], $0x200  }
0x18e: {  	s14 =	sld [smem:$0x7ED]  }
0x18f: {  	[sflag:s0] =	ssyncset.done $0x0  }
0x190: {  	s15 =	simm.s32 $0x16800;
	[sflag:s0] =	ssyncadd.s32 $0xFFFFFE00  }
0x191: {  	[hbm4b:s14+s1] =	stream.linear.scatter [tilespmem:s15], [sflag:$0x2], $0x200, $0x38;
	[tilespmem:$0x16E00] =	vst v63  }
0x192: {  	_ =	swait.ge [sflag:s0], $0x200  }
0x193: {  	s16 =	sld [smem:$0x7EE]  }
0x194: {  	[sflag:s0] =	ssyncset.done $0x0  }
0x195: {  	s17 =	simm.s32 $0x16A00;
	[sflag:s0] =	ssyncadd.s32 $0xFFFFFE00  }
0x196: {  	[hbm4b:s16+s1] =	stream.linear.scatter [tilespmem:s17], [sflag:$0x2], $0x200, $0x38;
	[tilespmem:$0x16E00] =	vst v63  }
0x197: {  	_ =	swait.ge [sflag:s0], $0x200  }
0x198: {  	[sflag:s0] =	ssyncset.done $0x0  }
0x199: {  	s19 =	simm.s32 $0x16C00;
	[sflag:s0] =	ssyncadd.s32 $0xFFFFFE00  }
0x19a: {  	[hbm4b:s26+s1] =	stream.linear.scatter [tilespmem:s19], [sflag:$0x2], $0x200, $0x38;
	[tilespmem:$0x16E00] =	vst v63  }
0x19b: {  	_ =	swait.ge [sflag:s0], $0x200  }
0x19c: {  	s20 =	sld [smem:$0x7EF];
	_ =	sdelay $0x1  }
0x19d: {  	s7 =	sadd.s32 $0x1, s7  }
0x19e: {  	p0 =	sne.s32 s7, s20  }
.Ltmp4:
0x19f: {  	_ = 	snop;
	(pc) =	sbr.rel @p0 .LBB2_1-.Ltmp4, $3  }
0x1a0: {  	_ =	sdelay $0x1  }
0x1a1: {  	[sflag:s0] =	ssyncset.done $0x0  }
0x1a2: {  	[sflag:s0] =	ssyncadd.s32 $0xFFFFFE00  }
0x1a3: {  	_ =	sfence.sel $0x180000  }
0x1a4: {  	[bflag:$0x0] =	sbarrier.arrive $0xFFFF  }
0x1a5: {  	_ =	strace $0x90000047  }
0x1a6: {  	s0 =	stileid.u32;
	[bflag:$0x2] =	sbarrier.arrive $0xFFFF  }
0x1a7: {  	p0 =	sne.s32 s0, $0x0;
	s0 =	rddreg [dreg:$0x4]  }
0x1a8: {  	s0 =	sadd.s32 @!p0 $0x100000, s0  }
0x1a9: {  	[sflag:s0] =	ssyncadd.tile.s32 @!p0 $0x1;
	_ =	shalt  }
.Lfunc_end2:
_tile_overlayer_lowered:
.L_overlay_start_2:
0x1aa: {  	(tag) =	ssettag $0x2  }
0x1ab: {  	s0 =	rddreg [dreg:$0x0];
	s2 =	stileid.u32  }
0x1ac: {  	s1 =	rddreg [dreg:$0x1];
	p0 =	sne.s32 s2, $0x0  }
0x1ad: {  	s3 =	rddreg [dreg:$0x2];
	[bflag:$0x3] =	sbarrier.arrive $0xFFFF;
	s2 =	simm.s32 @!p0 $0x1C02  }
0x1ae: {  	[timem:s3], [sflag:s2] =	dma.local @!p0 [hbm:s0], s1  }
0x1af: {  	s0 =	simm.s32 @!p0 $0x2  }
0x1b0: {  	_ =	swait.ge @!p0 [sflag:s0], s1  }
0x1b1: {  	s1 =	ssub.s32 @!p0 $0x0, s1;
	[sflag:s0] =	ssyncset.done @!p0 $0x0  }
0x1b2: {  	[sflag:s0] =	ssyncadd.s32 @!p0 s1  }
0x1b3: {  	[bflag:$0x3] =	sbarrier.arrive $0xFFFF  }
0x1b4: {  	_ =	shalt  }

</sc_bundles>
